<compile_context>
chip_gen: v7x
topology: tpu7x:2x2x1
jax: 0.10.2.dev20260603
libtpu: 0.0.44.dev20260713+nightly
codegen_flags: <defaults>
</compile_context>

<pallas_src>
import functools

import jax
import jax.numpy as jnp
from jax import lax
from jax.experimental import pallas as pl
from jax.experimental.pallas import tpu as pltpu
from jax.experimental.pallas import tpu_sc as plsc

_NC = 2
_NS = 16
_CHUNK = 100


@functools.lru_cache(maxsize=None)
def _make_sc_segment_sums(N, D, E):
    NS, NC, C = _NS, _NC, _CHUNK
    EPW = E // NS
    NCH = EPW // C
    NBLK = 8
    BCH = NCH // NBLK
    SROW_T = 10
    ROWS_T = N // SROW_T
    WCH = 96
    NW_FULL = ROWS_T // WCH
    W_TAIL = ROWS_T - NW_FULL * WCH
    DEG_T = 2000

    mesh = plsc.VectorSubcoreMesh(core_axis_name="c", subcore_axis_name="s")

    @functools.partial(
        pl.kernel,
        out_type=(
            jax.ShapeDtypeStruct((NC, N, D), jnp.float32),
            jax.ShapeDtypeStruct((N,), jnp.float32),
            jax.ShapeDtypeStruct((N,), jnp.float32),
        ),
        mesh=mesh,
        scratch_types=[
            pltpu.VMEM((BCH, C), jnp.int32),
            pltpu.VMEM((BCH, C), jnp.int32),
            pltpu.VMEM((C, D), jnp.float32),
            pltpu.VMEM((C, D), jnp.float32),
            pltpu.VMEM((C, D), jnp.float32),
            pltpu.VMEM((128,), jnp.float32),
            pltpu.VMEM((DEG_T,), jnp.float32),
            pltpu.VMEM_SHARED((N, D), jnp.float32),
            pltpu.VMEM_SHARED((N,), jnp.float32),
            [pltpu.SemaphoreType.DMA] * 3,
            [pltpu.SemaphoreType.DMA] * 3,
            [pltpu.SemaphoreType.DMA] * 3,
        ],
    )
    def sc_kernel(nf_hbm, edges_hbm, s_out, deg_f_out, deg_r_out,
                  gidx, sidx, rows_0, rows_1, rows_2, ones_v, dstage,
                  s_acc, deg_acc, gsems, ssems, dsems):
        rows = (rows_0, rows_1, rows_2)
        c = lax.axis_index("c")
        s = lax.axis_index("s")

        zero16 = jnp.zeros((16,), jnp.float32)
        one16 = jnp.ones((16,), jnp.float32)
        for j in range(128 // 16):
            ones_v[pl.ds(j * 16, 16)] = one16

        def _zrow(i, carry):
            for j in range(D // 16):
                rows_0[i, pl.ds(j * 16, 16)] = zero16
            return carry

        lax.fori_loop(0, C, _zrow, 0)

        def _zdeg(i, carry):
            dstage[pl.ds(i * 16, 16)] = zero16
            return carry

        lax.fori_loop(0, DEG_T // 16, _zdeg, 0)

        @pl.when(s < SROW_T)
        def _():
            for k in range(NW_FULL):
                pltpu.async_copy(
                    rows_0.at[pl.ds(0, WCH)],
                    s_acc.at[pl.ds(s * ROWS_T + k * WCH, WCH)], ssems[0])
            if W_TAIL:
                pltpu.async_copy(
                    rows_0.at[pl.ds(0, W_TAIL)],
                    s_acc.at[pl.ds(s * ROWS_T + NW_FULL * WCH, W_TAIL)],
                    ssems[0])
            for k in range(NW_FULL):
                pltpu.make_async_copy(
                    rows_0.at[pl.ds(0, WCH)], s_acc.at[pl.ds(0, WCH)],
                    ssems[0]).wait()
            if W_TAIL:
                pltpu.make_async_copy(
                    rows_0.at[pl.ds(0, W_TAIL)], s_acc.at[pl.ds(0, W_TAIL)],
                    ssems[0]).wait()

        @pl.when(s < N // DEG_T)
        def _():
            pltpu.sync_copy(dstage, deg_acc.at[pl.ds(s * DEG_T, DEG_T)])

        plsc.subcore_barrier()

        g = c
        r = 1 - c

        def _gather(j, b, buf):
            pltpu.async_copy(nf_hbm.at[gidx.at[j]], buf, gsems[b])

        def _gwait(j, b, buf):
            pltpu.make_async_copy(nf_hbm.at[gidx.at[j]], buf, gsems[b]).wait()

        def _scat(j, b, buf):
            pltpu.async_copy(buf, s_acc.at[sidx.at[j]], ssems[b], add=True)
            pltpu.async_copy(
                ones_v.at[pl.ds(0, C)], deg_acc.at[sidx.at[j]], dsems[b],
                add=True)

        def _swait(j, b, buf):
            pltpu.make_async_copy(buf, s_acc.at[sidx.at[j]], ssems[b]).wait()
            pltpu.make_async_copy(
                ones_v.at[pl.ds(0, C)], deg_acc.at[sidx.at[j]], dsems[b]).wait()

        def _step(j, b, issue_next):
            if issue_next:
                p = (b + 2) % 3
                _swait(j - 1, p, rows[p])
                _gather(j + 2, p, rows[p])
            _gwait(j, b, rows[b])
            _scat(j, b, rows[b])

        def _block(blk, carry):
            pltpu.sync_copy(edges_hbm.at[g, s, blk], gidx)
            pltpu.sync_copy(edges_hbm.at[r, s, blk], sidx)

            _gather(0, 0, rows_0)
            _gather(1, 1, rows_1)
            _gather(2, 2, rows_2)
            _gwait(0, 0, rows_0)
            _scat(0, 0, rows_0)
            _step(jnp.int32(1), 1, True)

            def _body(jj, carry2):
                j = 3 * jj + 2
                _step(j, 2, True)
                _step(j + 1, 0, True)
                _step(j + 2, 1, True)
                return carry2

            lax.fori_loop(0, (BCH - 4) // 3, _body, 0)

            _step(jnp.int32(BCH - 2), (BCH - 2) % 3, False)
            _step(jnp.int32(BCH - 1), (BCH - 1) % 3, False)
            for j in (BCH - 3, BCH - 2, BCH - 1):
                _swait(j, j % 3, rows[j % 3])
            return carry

        lax.fori_loop(0, NBLK, _block, 0)

        plsc.subcore_barrier()

        @pl.when(s < SROW_T)
        def _():
            bufs = (rows_0, rows_1)
            for k in range(NW_FULL):
                buf = bufs[k % 2]
                lo = s * ROWS_T + k * WCH
                if k >= 2:
                    pltpu.make_async_copy(
                        buf.at[pl.ds(0, WCH)], s_out.at[0, pl.ds(0, WCH)],
                        ssems[k % 2]).wait()
                pltpu.sync_copy(s_acc.at[pl.ds(lo, WCH)], buf.at[pl.ds(0, WCH)])
                pltpu.async_copy(
                    buf.at[pl.ds(0, WCH)], s_out.at[c, pl.ds(lo, WCH)],
                    ssems[k % 2])
            if W_TAIL:
                lo = s * ROWS_T + NW_FULL * WCH
                pltpu.sync_copy(
                    s_acc.at[pl.ds(lo, W_TAIL)], rows_2.at[pl.ds(0, W_TAIL)])
                pltpu.async_copy(
                    rows_2.at[pl.ds(0, W_TAIL)], s_out.at[c, pl.ds(lo, W_TAIL)],
                    ssems[2])
            for b in (0, 1):
                pltpu.make_async_copy(
                    bufs[b].at[pl.ds(0, WCH)], s_out.at[0, pl.ds(0, WCH)],
                    ssems[b]).wait()
            if W_TAIL:
                pltpu.make_async_copy(
                    rows_2.at[pl.ds(0, W_TAIL)],
                    s_out.at[0, pl.ds(0, W_TAIL)], ssems[2]).wait()

        @pl.when(s < N // DEG_T)
        def _():
            pltpu.sync_copy(deg_acc.at[pl.ds(s * DEG_T, DEG_T)], dstage)

            @pl.when(c == 0)
            def _():
                pltpu.sync_copy(dstage, deg_f_out.at[pl.ds(s * DEG_T, DEG_T)])

            @pl.when(c == 1)
            def _():
                pltpu.sync_copy(dstage, deg_r_out.at[pl.ds(s * DEG_T, DEG_T)])

    return sc_kernel


@functools.lru_cache(maxsize=None)
def _make_tc_combine(N, D, RPAD):
    R = 400
    G = N // R
    dn = (((1,), (1,)), ((), ()))
    f32 = jnp.float32

    def body(nf, sf, sr, df, dr, rp, wo, wi, ws, wr, bo, bi, bs, br,
             out, rout):
        i = pl.program_id(0)
        rp_v = rp[...]
        rw_o = lax.dot_general(rp_v, wo[...], dn, preferred_element_type=f32)
        rw_i = lax.dot_general(rp_v, wi[...], dn, preferred_element_type=f32)
        rw_s = lax.dot_general(rp_v, ws[...], dn, preferred_element_type=f32)
        c_f = bo[...] - rw_o[1:2, :]
        c_r = bi[...] - rw_i[2:3, :]
        c_s = bs[...] - rw_s[2:3, :]
        df_v = df[...]
        dr_v = dr[...]
        a_f = sf[...] * (1.0 / jnp.maximum(df_v, 1.0))
        a_r = sr[...] * (1.0 / jnp.maximum(dr_v, 1.0))
        acc = lax.dot_general(a_f, wo[...], dn, preferred_element_type=f32)
        acc += lax.dot_general(a_r, wi[...], dn, preferred_element_type=f32)
        acc += lax.dot_general(nf[...], ws[...], dn, preferred_element_type=f32)
        ind_f = jnp.where(df_v > 0.0, 1.0, 0.0)
        ind_r = jnp.where(dr_v > 0.0, 1.0, 0.0)
        out[...] = acc + ind_f * c_f + ind_r * c_r + c_s

        @pl.when(i == 0)
        def _():
            rout[...] = (
                lax.dot_general(rp_v, wr[...], dn, preferred_element_type=f32)
                + br[...]
            )

    row_blk = pl.BlockSpec((R, D), lambda i: (i, 0))
    col_blk = pl.BlockSpec((R, 1), lambda i: (i, 0))
    full = lambda shape: pl.BlockSpec(shape, lambda i: (0,) * len(shape))

    return pl.pallas_call(
        body,
        grid=(G,),
        in_specs=[
            row_blk, row_blk, row_blk, col_blk, col_blk,
            full((RPAD, D)),
            full((D, D)), full((D, D)), full((D, D)), full((D, D)),
            full((1, D)), full((1, D)), full((1, D)), full((1, D)),
        ],
        out_specs=[row_blk, full((RPAD, D))],
        out_shape=(
            jax.ShapeDtypeStruct((N, D), f32),
            jax.ShapeDtypeStruct((RPAD, D), f32),
        ),
    )


def kernel(n_feats, r_feats, edge_index, W_O_w, W_O_b, W_I_w, W_I_b,
           W_S_w, W_S_b, W_R_w, W_R_b):
    N, D = n_feats.shape
    E = edge_index.shape[1]
    NR = r_feats.shape[0]
    RPAD = 8

    NCH = (E // _NS) // _CHUNK
    edges_r = edge_index.reshape(2, _NS, 8, NCH // 8, _CHUNK)
    S, deg_f, deg_r = _make_sc_segment_sums(N, D, E)(n_feats, edges_r)

    rp = jnp.zeros((RPAD, D), jnp.float32).at[:NR].set(r_feats)
    n_out, r_out = _make_tc_combine(N, D, RPAD)(
        n_feats,
        S[0], S[1],
        deg_f.reshape(N, 1), deg_r.reshape(N, 1),
        rp,
        W_O_w, W_I_w, W_S_w, W_R_w,
        W_O_b.reshape(1, D), W_I_b.reshape(1, D),
        W_S_b.reshape(1, D), W_R_b.reshape(1, D),
    )
    return n_out, r_out[:NR]

# --- scband reference (transcript-rebuilt; emitter-appended) ---
"""Pipeline reference for scband-comp-graph-conv-layer-48395691491487 (READ-ONLY COPY).

The authoritative reference and input builder live on the scoring server;
editing this copy changes nothing except your own understanding.
"""

import jax, jax.numpy as jnp
import numpy as np

N_NODES = 10000
N_EDGES = 320000
D = 128

def setup_inputs(seed: int = 0):
    key = jax.random.key(seed)
    ks = jax.random.split(key, 12)
    s = 1.0 / np.sqrt(D)
    inp = {}
    inp['n_feats'] = jax.random.normal(ks[0], (N_NODES, D), dtype=jnp.float32)
    inp['r_feats'] = jax.random.normal(ks[1], (3, D), dtype=jnp.float32)
    inp['edge_index'] = jax.random.randint(ks[2], (2, N_EDGES), 0, N_NODES, dtype=jnp.int32)
    inp['W_O_w'] = jax.random.normal(ks[3], (D, D), dtype=jnp.float32) * s
    inp['W_O_b'] = jnp.zeros((D,), dtype=jnp.float32)
    inp['W_I_w'] = jax.random.normal(ks[4], (D, D), dtype=jnp.float32) * s
    inp['W_I_b'] = jnp.zeros((D,), dtype=jnp.float32)
    inp['W_S_w'] = jax.random.normal(ks[5], (D, D), dtype=jnp.float32) * s
    inp['W_S_b'] = jnp.zeros((D,), dtype=jnp.float32)
    inp['W_R_w'] = jax.random.normal(ks[6], (D, D), dtype=jnp.float32) * s
    inp['W_R_b'] = jnp.zeros((D,), dtype=jnp.float32)
    return inp

def _rel_conv(n_feats, src, dst, h_e, Ww, Wb, n_nodes):
    # CompConv with comp_fn='sub', norm='right':
    # edge message = Linear(h_src - h_e); sum-aggregate to dst; divide by in-degree
    comp = n_feats[src] - h_e[None, :]
    msg = comp @ Ww.T + Wb
    agg = jnp.zeros((n_nodes, msg.shape[1]), dtype=msg.dtype).at[dst].add(msg)
    deg = jnp.zeros((n_nodes,), dtype=jnp.float32).at[dst].add(1.0)
    deg = jnp.clip(deg, 1.0, None)
    return agg / deg[:, None]

def reference(n_feats, r_feats, edge_index, W_O_w, W_O_b, W_I_w, W_I_b, W_S_w, W_S_b, W_R_w, W_R_b):
    n_nodes = n_feats.shape[0]
    src = edge_index[0]
    dst = edge_index[1]
    # relation 'rel' (non-reversed) -> W_O, rel embedding r_feats[1]
    out_fwd = _rel_conv(n_feats, src, dst, r_feats[1], W_O_w, W_O_b, n_nodes)
    # relation 'rel-rev' (reversed edges) -> W_I, rel embedding r_feats[2]
    out_rev = _rel_conv(n_feats, dst, src, r_feats[2], W_I_w, W_I_b, n_nodes)
    conv_out = out_fwd + out_rev  # HeteroGraphConv default 'sum' aggregation
    # self loop: comp_fn='sub' with loop relation embedding r_feats[-1]
    h_self = (n_feats - r_feats[-1][None, :]) @ W_S_w.T + W_S_b
    n_out = h_self + conv_out  # dropout p=0, no activation, no batchnorm
    r_out = r_feats @ W_R_w.T + W_R_b
    return (n_out, r_out)

if __name__ == "__main__":
    import jax
    _d = setup_inputs()
    print(jax.jit(kernel)(*tuple(_d.values())))

</pallas_src>

<mosaic_0001>
#map = affine_map<(d0, d1) -> (0, 0)>
#map1 = affine_map<(d0, d1) -> (0, 0, 0, 0, 0)>
#map2 = affine_map<(d0, d1) -> (0, 0, 0)>
#map3 = affine_map<(d0, d1) -> (0)>
module attributes {stable_mosaic.version = 14 : i64} {
  func.func @sc_kernel(%arg0: i32, %arg1: i32, %arg2: memref<10000x128xf32, #tpu.memory_space<hbm>>, %arg3: memref<2x16x8x25x100xi32, #tpu.memory_space<hbm>>, %arg4: memref<2x10000x128xf32, #tpu.memory_space<hbm>>, %arg5: memref<10000xf32, #tpu.memory_space<hbm>>, %arg6: memref<10000xf32, #tpu.memory_space<hbm>>, %arg7: memref<25x100xi32, #tpu.memory_space<vmem>>, %arg8: memref<25x100xi32, #tpu.memory_space<vmem>>, %arg9: memref<100x128xf32, #tpu.memory_space<vmem>>, %arg10: memref<100x128xf32, #tpu.memory_space<vmem>>, %arg11: memref<100x128xf32, #tpu.memory_space<vmem>>, %arg12: memref<128xf32, #tpu.memory_space<vmem>>, %arg13: memref<2000xf32, #tpu.memory_space<vmem>>, %arg14: memref<10000x128xf32, #tpu.memory_space<vmem_shared>>, %arg15: memref<10000xf32, #tpu.memory_space<vmem_shared>>, %arg16: memref<!tpu.dma_semaphore, #tpu.memory_space<semaphore_mem>>, %arg17: memref<!tpu.dma_semaphore, #tpu.memory_space<semaphore_mem>>, %arg18: memref<!tpu.dma_semaphore, #tpu.memory_space<semaphore_mem>>, %arg19: memref<!tpu.dma_semaphore, #tpu.memory_space<semaphore_mem>>, %arg20: memref<!tpu.dma_semaphore, #tpu.memory_space<semaphore_mem>>, %arg21: memref<!tpu.dma_semaphore, #tpu.memory_space<semaphore_mem>>, %arg22: memref<!tpu.dma_semaphore, #tpu.memory_space<semaphore_mem>>, %arg23: memref<!tpu.dma_semaphore, #tpu.memory_space<semaphore_mem>>, %arg24: memref<!tpu.dma_semaphore, #tpu.memory_space<semaphore_mem>>) attributes {dimension_semantics = [#tpu.dimension_semantics<core_parallel>, #tpu.dimension_semantics<subcore_parallel>], iteration_bounds = array<i64: 2, 16>, scalar_prefetch = 0 : i64, scratch_operands = 18 : i64, tpu.core_type = #tpu.core_type<sc_vector_subcore>, window_params = [{transform_indices = #map}, {transform_indices = #map1}, {transform_indices = #map2}, {transform_indices = #map3}, {transform_indices = #map3}]} {
    %broadcast_in_dim3A = arith.constant 0.000000e+00 : f32
    %broadcast_in_dim3A_0 = vector.broadcast %broadcast_in_dim3A : f32 to vector<16xf32>
    %broadcast_in_dim3A_1 = arith.constant 1.000000e+00 : f32
    %broadcast_in_dim3A_2 = vector.broadcast %broadcast_in_dim3A_1 : f32 to vector<16xf32>
    %swap3A = arith.constant 0 : index
    %swap3A_3 = tpu.vector_load %arg12[%swap3A] {strides = array<i32>} : memref<128xf32, #tpu.memory_space<vmem>>, vector<16xf32>,
    %swap3A_4 = vector.shape_cast %swap3A_3 : vector<16xf32> to vector<16xf32>
    %swap3A_5 = vector.shape_cast %broadcast_in_dim3A_2 : vector<16xf32> to vector<16xf32>
    tpu.vector_store %arg12[%swap3A], %swap3A_5 {strides = array<i32>} : memref<128xf32, #tpu.memory_space<vmem>>, vector<16xf32>,
    %swap3A_6 = arith.constant 16 : index
    %swap3A_7 = tpu.vector_load %arg12[%swap3A_6] {strides = array<i32>} : memref<128xf32, #tpu.memory_space<vmem>>, vector<16xf32>,
    %swap3A_8 = vector.shape_cast %swap3A_7 : vector<16xf32> to vector<16xf32>
    %swap3A_9 = vector.shape_cast %broadcast_in_dim3A_2 : vector<16xf32> to vector<16xf32>
    tpu.vector_store %arg12[%swap3A_6], %swap3A_9 {strides = array<i32>} : memref<128xf32, #tpu.memory_space<vmem>>, vector<16xf32>,
    %swap3A_10 = arith.constant 32 : index
    %swap3A_11 = tpu.vector_load %arg12[%swap3A_10] {strides = array<i32>} : memref<128xf32, #tpu.memory_space<vmem>>, vector<16xf32>,
    %swap3A_12 = vector.shape_cast %swap3A_11 : vector<16xf32> to vector<16xf32>
    %swap3A_13 = vector.shape_cast %broadcast_in_dim3A_2 : vector<16xf32> to vector<16xf32>
    tpu.vector_store %arg12[%swap3A_10], %swap3A_13 {strides = array<i32>} : memref<128xf32, #tpu.memory_space<vmem>>, vector<16xf32>,
    %swap3A_14 = arith.constant 48 : index
    %swap3A_15 = tpu.vector_load %arg12[%swap3A_14] {strides = array<i32>} : memref<128xf32, #tpu.memory_space<vmem>>, vector<16xf32>,
    %swap3A_16 = vector.shape_cast %swap3A_15 : vector<16xf32> to vector<16xf32>
    %swap3A_17 = vector.shape_cast %broadcast_in_dim3A_2 : vector<16xf32> to vector<16xf32>
    tpu.vector_store %arg12[%swap3A_14], %swap3A_17 {strides = array<i32>} : memref<128xf32, #tpu.memory_space<vmem>>, vector<16xf32>,
    %swap3A_18 = arith.constant 64 : index
    %swap3A_19 = tpu.vector_load %arg12[%swap3A_18] {strides = array<i32>} : memref<128xf32, #tpu.memory_space<vmem>>, vector<16xf32>,
    %swap3A_20 = vector.shape_cast %swap3A_19 : vector<16xf32> to vector<16xf32>
    %swap3A_21 = vector.shape_cast %broadcast_in_dim3A_2 : vector<16xf32> to vector<16xf32>
    tpu.vector_store %arg12[%swap3A_18], %swap3A_21 {strides = array<i32>} : memref<128xf32, #tpu.memory_space<vmem>>, vector<16xf32>,
    %swap3A_22 = arith.constant 80 : index
    %swap3A_23 = tpu.vector_load %arg12[%swap3A_22] {strides = array<i32>} : memref<128xf32, #tpu.memory_space<vmem>>, vector<16xf32>,
    %swap3A_24 = vector.shape_cast %swap3A_23 : vector<16xf32> to vector<16xf32>
    %swap3A_25 = vector.shape_cast %broadcast_in_dim3A_2 : vector<16xf32> to vector<16xf32>
    tpu.vector_store %arg12[%swap3A_22], %swap3A_25 {strides = array<i32>} : memref<128xf32, #tpu.memory_space<vmem>>, vector<16xf32>,
    %swap3A_26 = arith.constant 96 : index
    %swap3A_27 = tpu.vector_load %arg12[%swap3A_26] {strides = array<i32>} : memref<128xf32, #tpu.memory_space<vmem>>, vector<16xf32>,
    %swap3A_28 = vector.shape_cast %swap3A_27 : vector<16xf32> to vector<16xf32>
    %swap3A_29 = vector.shape_cast %broadcast_in_dim3A_2 : vector<16xf32> to vector<16xf32>
    tpu.vector_store %arg12[%swap3A_26], %swap3A_29 {strides = array<i32>} : memref<128xf32, #tpu.memory_space<vmem>>, vector<16xf32>,
    %swap3A_30 = arith.constant 112 : index
    %swap3A_31 = tpu.vector_load %arg12[%swap3A_30] {strides = array<i32>} : memref<128xf32, #tpu.memory_space<vmem>>, vector<16xf32>,
    %swap3A_32 = vector.shape_cast %swap3A_31 : vector<16xf32> to vector<16xf32>
    %swap3A_33 = vector.shape_cast %broadcast_in_dim3A_2 : vector<16xf32> to vector<16xf32>
    tpu.vector_store %arg12[%swap3A_30], %swap3A_33 {strides = array<i32>} : memref<128xf32, #tpu.memory_space<vmem>>, vector<16xf32>,
    %scan3A = arith.constant 0 : i32
    %scan3A_34 = arith.constant 0 : i32
    %scan3A_35 = arith.constant 100 : i32
    %scan3A_36 = arith.addi %scan3A_34, %scan3A_35 : i32
    %scan3A_37 = arith.constant 1 : i32
    scf.for %scan3A_70 = %scan3A_34 to %scan3A_36 step %scan3A_37  : i32 {
      %swap3A_71 = arith.index_cast %scan3A_70 : i32 to index
      %swap3A_72 = arith.constant 0 : index
      %swap3A_73 = tpu.vector_load %arg9[%swap3A_71, %swap3A_72] {strides = array<i32>} : memref<100x128xf32, #tpu.memory_space<vmem>>, vector<1x16xf32>,
      %swap3A_74 = vector.shape_cast %swap3A_73 : vector<1x16xf32> to vector<16xf32>
      %swap3A_75 = vector.shape_cast %broadcast_in_dim3A_0 : vector<16xf32> to vector<1x16xf32>
      tpu.vector_store %arg9[%swap3A_71, %swap3A_72], %swap3A_75 {strides = array<i32>} : memref<100x128xf32, #tpu.memory_space<vmem>>, vector<1x16xf32>,
      %swap3A_76 = arith.index_cast %scan3A_70 : i32 to index
      %swap3A_77 = arith.constant 16 : index
      %swap3A_78 = tpu.vector_load %arg9[%swap3A_76, %swap3A_77] {strides = array<i32>} : memref<100x128xf32, #tpu.memory_space<vmem>>, vector<1x16xf32>,
      %swap3A_79 = vector.shape_cast %swap3A_78 : vector<1x16xf32> to vector<16xf32>
      %swap3A_80 = vector.shape_cast %broadcast_in_dim3A_0 : vector<16xf32> to vector<1x16xf32>
      tpu.vector_store %arg9[%swap3A_76, %swap3A_77], %swap3A_80 {strides = array<i32>} : memref<100x128xf32, #tpu.memory_space<vmem>>, vector<1x16xf32>,
      %swap3A_81 = arith.index_cast %scan3A_70 : i32 to index
      %swap3A_82 = arith.constant 32 : index
      %swap3A_83 = tpu.vector_load %arg9[%swap3A_81, %swap3A_82] {strides = array<i32>} : memref<100x128xf32, #tpu.memory_space<vmem>>, vector<1x16xf32>,
      %swap3A_84 = vector.shape_cast %swap3A_83 : vector<1x16xf32> to vector<16xf32>
      %swap3A_85 = vector.shape_cast %broadcast_in_dim3A_0 : vector<16xf32> to vector<1x16xf32>
      tpu.vector_store %arg9[%swap3A_81, %swap3A_82], %swap3A_85 {strides = array<i32>} : memref<100x128xf32, #tpu.memory_space<vmem>>, vector<1x16xf32>,
      %swap3A_86 = arith.index_cast %scan3A_70 : i32 to index
      %swap3A_87 = arith.constant 48 : index
      %swap3A_88 = tpu.vector_load %arg9[%swap3A_86, %swap3A_87] {strides = array<i32>} : memref<100x128xf32, #tpu.memory_space<vmem>>, vector<1x16xf32>,
      %swap3A_89 = vector.shape_cast %swap3A_88 : vector<1x16xf32> to vector<16xf32>
      %swap3A_90 = vector.shape_cast %broadcast_in_dim3A_0 : vector<16xf32> to vector<1x16xf32>
      tpu.vector_store %arg9[%swap3A_86, %swap3A_87], %swap3A_90 {strides = array<i32>} : memref<100x128xf32, #tpu.memory_space<vmem>>, vector<1x16xf32>,
      %swap3A_91 = arith.index_cast %scan3A_70 : i32 to index
      %swap3A_92 = arith.constant 64 : index
      %swap3A_93 = tpu.vector_load %arg9[%swap3A_91, %swap3A_92] {strides = array<i32>} : memref<100x128xf32, #tpu.memory_space<vmem>>, vector<1x16xf32>,
      %swap3A_94 = vector.shape_cast %swap3A_93 : vector<1x16xf32> to vector<16xf32>
      %swap3A_95 = vector.shape_cast %broadcast_in_dim3A_0 : vector<16xf32> to vector<1x16xf32>
      tpu.vector_store %arg9[%swap3A_91, %swap3A_92], %swap3A_95 {strides = array<i32>} : memref<100x128xf32, #tpu.memory_space<vmem>>, vector<1x16xf32>,
      %swap3A_96 = arith.index_cast %scan3A_70 : i32 to index
      %swap3A_97 = arith.constant 80 : index
      %swap3A_98 = tpu.vector_load %arg9[%swap3A_96, %swap3A_97] {strides = array<i32>} : memref<100x128xf32, #tpu.memory_space<vmem>>, vector<1x16xf32>,
      %swap3A_99 = vector.shape_cast %swap3A_98 : vector<1x16xf32> to vector<16xf32>
      %swap3A_100 = vector.shape_cast %broadcast_in_dim3A_0 : vector<16xf32> to vector<1x16xf32>
      tpu.vector_store %arg9[%swap3A_96, %swap3A_97], %swap3A_100 {strides = array<i32>} : memref<100x128xf32, #tpu.memory_space<vmem>>, vector<1x16xf32>,
      %swap3A_101 = arith.index_cast %scan3A_70 : i32 to index
      %swap3A_102 = arith.constant 96 : index
      %swap3A_103 = tpu.vector_load %arg9[%swap3A_101, %swap3A_102] {strides = array<i32>} : memref<100x128xf32, #tpu.memory_space<vmem>>, vector<1x16xf32>,
      %swap3A_104 = vector.shape_cast %swap3A_103 : vector<1x16xf32> to vector<16xf32>
      %swap3A_105 = vector.shape_cast %broadcast_in_dim3A_0 : vector<16xf32> to vector<1x16xf32>
      tpu.vector_store %arg9[%swap3A_101, %swap3A_102], %swap3A_105 {strides = array<i32>} : memref<100x128xf32, #tpu.memory_space<vmem>>, vector<1x16xf32>,
      %swap3A_106 = arith.index_cast %scan3A_70 : i32 to index
      %swap3A_107 = arith.constant 112 : index
      %swap3A_108 = tpu.vector_load %arg9[%swap3A_106, %swap3A_107] {strides = array<i32>} : memref<100x128xf32, #tpu.memory_space<vmem>>, vector<1x16xf32>,
      %swap3A_109 = vector.shape_cast %swap3A_108 : vector<1x16xf32> to vector<16xf32>
      %swap3A_110 = vector.shape_cast %broadcast_in_dim3A_0 : vector<16xf32> to vector<1x16xf32>
      tpu.vector_store %arg9[%swap3A_106, %swap3A_107], %swap3A_110 {strides = array<i32>} : memref<100x128xf32, #tpu.memory_space<vmem>>, vector<1x16xf32>,
    }
    %scan3A_38 = arith.constant 100 : i32
    %scan3A_39 = arith.constant 0 : i32
    %scan3A_40 = arith.constant 0 : i32
    %scan3A_41 = arith.constant 125 : i32
    %scan3A_42 = arith.addi %scan3A_40, %scan3A_41 : i32
    %scan3A_43 = arith.constant 1 : i32
    scf.for %scan3A_70 = %scan3A_40 to %scan3A_42 step %scan3A_43  : i32 {
      %mul3A = arith.constant 16 : i32
      %mul3A_71 = arith.muli %scan3A_70, %mul3A : i32
      %swap3A_72 = arith.index_cast %mul3A_71 : i32 to index
      %swap3A_73 = tpu.vector_load %arg13[%swap3A_72] {strides = array<i32>} : memref<2000xf32, #tpu.memory_space<vmem>>, vector<16xf32>,
      %swap3A_74 = vector.shape_cast %swap3A_73 : vector<16xf32> to vector<16xf32>
      %swap3A_75 = vector.shape_cast %broadcast_in_dim3A_0 : vector<16xf32> to vector<16xf32>
      tpu.vector_store %arg13[%swap3A_72], %swap3A_75 {strides = array<i32>} : memref<2000xf32, #tpu.memory_space<vmem>>, vector<16xf32>,
    }
    %scan3A_44 = arith.constant 125 : i32
    %lt3A = arith.constant 10 : i32
    %lt3A_45 = arith.cmpi slt, %arg1, %lt3A : i32
    %convert_element_type3A = arith.extui %lt3A_45 : i1 to i32
    %cond3A = arith.constant 0 : i32
    %cond3A_46 = arith.cmpi ne, %convert_element_type3A, %cond3A : i32
    scf.if %cond3A_46 {
      %mul3A = arith.constant 1000 : i32
      %mul3A_70 = arith.muli %arg1, %mul3A : i32
      %add3A = arith.constant 0 : i32
      %add3A_71 = arith.addi %mul3A_70, %add3A : i32
      %dma_start3A = arith.constant 0 : i32
      %dma_start3A_72 = arith.constant 0 : i32
      %dma_start3A_73 = tpu.memref_slice %arg9[%dma_start3A, %dma_start3A_72] : memref<100x128xf32, #tpu.memory_space<vmem>> -> memref<96x128xf32, #tpu.memory_space<vmem>>
      %dma_start3A_74 = arith.constant 0 : i32
      %dma_start3A_75 = tpu.memref_slice %arg14[%add3A_71, %dma_start3A_74] : memref<10000x128xf32, #tpu.memory_space<vmem_shared>> -> memref<96x128xf32, #tpu.memory_space<vmem_shared>>
      %dma_start3A_76 = arith.constant 0 : i32
      %dma_start3A_77 = tpu.memref_slice %arg14[%add3A_71, %dma_start3A_76] : memref<10000x128xf32, #tpu.memory_space<vmem_shared>> -> memref<96x128xf32, #tpu.memory_space<vmem_shared>>
      %dma_start3A_78 = arith.constant 0 : i32
      %dma_start3A_79 = arith.constant 0 : i32
      %dma_start3A_80 = tpu.memref_slice %arg9[%dma_start3A_78, %dma_start3A_79] : memref<100x128xf32, #tpu.memory_space<vmem>> -> memref<96x128xf32, #tpu.memory_space<vmem>>
      tpu.enqueue_dma source(%dma_start3A_80 : memref<96x128xf32, #tpu.memory_space<vmem>>) target(%dma_start3A_77 : memref<96x128xf32, #tpu.memory_space<vmem_shared>>) target_semaphore(%arg19 : memref<!tpu.dma_semaphore, #tpu.memory_space<semaphore_mem>>)
      %mul3A_81 = arith.constant 1000 : i32
      %mul3A_82 = arith.muli %arg1, %mul3A_81 : i32
      %add3A_83 = arith.constant 96 : i32
      %add3A_84 = arith.addi %mul3A_82, %add3A_83 : i32
      %dma_start3A_85 = arith.constant 0 : i32
      %dma_start3A_86 = arith.constant 0 : i32
      %dma_start3A_87 = tpu.memref_slice %arg9[%dma_start3A_85, %dma_start3A_86] : memref<100x128xf32, #tpu.memory_space<vmem>> -> memref<96x128xf32, #tpu.memory_space<vmem>>
      %dma_start3A_88 = arith.constant 0 : i32
      %dma_start3A_89 = tpu.memref_slice %arg14[%add3A_84, %dma_start3A_88] : memref<10000x128xf32, #tpu.memory_space<vmem_shared>> -> memref<96x128xf32, #tpu.memory_space<vmem_shared>>
      %dma_start3A_90 = arith.constant 0 : i32
      %dma_start3A_91 = tpu.memref_slice %arg14[%add3A_84, %dma_start3A_90] : memref<10000x128xf32, #tpu.memory_space<vmem_shared>> -> memref<96x128xf32, #tpu.memory_space<vmem_shared>>
      %dma_start3A_92 = arith.constant 0 : i32
      %dma_start3A_93 = arith.constant 0 : i32
      %dma_start3A_94 = tpu.memref_slice %arg9[%dma_start3A_92, %dma_start3A_93] : memref<100x128xf32, #tpu.memory_space<vmem>> -> memref<96x128xf32, #tpu.memory_space<vmem>>
      tpu.enqueue_dma source(%dma_start3A_94 : memref<96x128xf32, #tpu.memory_space<vmem>>) target(%dma_start3A_91 : memref<96x128xf32, #tpu.memory_space<vmem_shared>>) target_semaphore(%arg19 : memref<!tpu.dma_semaphore, #tpu.memory_space<semaphore_mem>>)
      %mul3A_95 = arith.constant 1000 : i32
      %mul3A_96 = arith.muli %arg1, %mul3A_95 : i32
      %add3A_97 = arith.constant 192 : i32
      %add3A_98 = arith.addi %mul3A_96, %add3A_97 : i32
      %dma_start3A_99 = arith.constant 0 : i32
      %dma_start3A_100 = arith.constant 0 : i32
      %dma_start3A_101 = tpu.memref_slice %arg9[%dma_start3A_99, %dma_start3A_100] : memref<100x128xf32, #tpu.memory_space<vmem>> -> memref<96x128xf32, #tpu.memory_space<vmem>>
      %dma_start3A_102 = arith.constant 0 : i32
      %dma_start3A_103 = tpu.memref_slice %arg14[%add3A_98, %dma_start3A_102] : memref<10000x128xf32, #tpu.memory_space<vmem_shared>> -> memref<96x128xf32, #tpu.memory_space<vmem_shared>>
      %dma_start3A_104 = arith.constant 0 : i32
      %dma_start3A_105 = tpu.memref_slice %arg14[%add3A_98, %dma_start3A_104] : memref<10000x128xf32, #tpu.memory_space<vmem_shared>> -> memref<96x128xf32, #tpu.memory_space<vmem_shared>>
      %dma_start3A_106 = arith.constant 0 : i32
      %dma_start3A_107 = arith.constant 0 : i32
      %dma_start3A_108 = tpu.memref_slice %arg9[%dma_start3A_106, %dma_start3A_107] : memref<100x128xf32, #tpu.memory_space<vmem>> -> memref<96x128xf32, #tpu.memory_space<vmem>>
      tpu.enqueue_dma source(%dma_start3A_108 : memref<96x128xf32, #tpu.memory_space<vmem>>) target(%dma_start3A_105 : memref<96x128xf32, #tpu.memory_space<vmem_shared>>) target_semaphore(%arg19 : memref<!tpu.dma_semaphore, #tpu.memory_space<semaphore_mem>>)
      %mul3A_109 = arith.constant 1000 : i32
      %mul3A_110 = arith.muli %arg1, %mul3A_109 : i32
      %add3A_111 = arith.constant 288 : i32
      %add3A_112 = arith.addi %mul3A_110, %add3A_111 : i32
      %dma_start3A_113 = arith.constant 0 : i32
      %dma_start3A_114 = arith.constant 0 : i32
      %dma_start3A_115 = tpu.memref_slice %arg9[%dma_start3A_113, %dma_start3A_114] : memref<100x128xf32, #tpu.memory_space<vmem>> -> memref<96x128xf32, #tpu.memory_space<vmem>>
      %dma_start3A_116 = arith.constant 0 : i32
      %dma_start3A_117 = tpu.memref_slice %arg14[%add3A_112, %dma_start3A_116] : memref<10000x128xf32, #tpu.memory_space<vmem_shared>> -> memref<96x128xf32, #tpu.memory_space<vmem_shared>>
      %dma_start3A_118 = arith.constant 0 : i32
      %dma_start3A_119 = tpu.memref_slice %arg14[%add3A_112, %dma_start3A_118] : memref<10000x128xf32, #tpu.memory_space<vmem_shared>> -> memref<96x128xf32, #tpu.memory_space<vmem_shared>>
      %dma_start3A_120 = arith.constant 0 : i32
      %dma_start3A_121 = arith.constant 0 : i32
      %dma_start3A_122 = tpu.memref_slice %arg9[%dma_start3A_120, %dma_start3A_121] : memref<100x128xf32, #tpu.memory_space<vmem>> -> memref<96x128xf32, #tpu.memory_space<vmem>>
      tpu.enqueue_dma source(%dma_start3A_122 : memref<96x128xf32, #tpu.memory_space<vmem>>) target(%dma_start3A_119 : memref<96x128xf32, #tpu.memory_space<vmem_shared>>) target_semaphore(%arg19 : memref<!tpu.dma_semaphore, #tpu.memory_space<semaphore_mem>>)
      %mul3A_123 = arith.constant 1000 : i32
      %mul3A_124 = arith.muli %arg1, %mul3A_123 : i32
      %add3A_125 = arith.constant 384 : i32
      %add3A_126 = arith.addi %mul3A_124, %add3A_125 : i32
      %dma_start3A_127 = arith.constant 0 : i32
      %dma_start3A_128 = arith.constant 0 : i32
      %dma_start3A_129 = tpu.memref_slice %arg9[%dma_start3A_127, %dma_start3A_128] : memref<100x128xf32, #tpu.memory_space<vmem>> -> memref<96x128xf32, #tpu.memory_space<vmem>>
      %dma_start3A_130 = arith.constant 0 : i32
      %dma_start3A_131 = tpu.memref_slice %arg14[%add3A_126, %dma_start3A_130] : memref<10000x128xf32, #tpu.memory_space<vmem_shared>> -> memref<96x128xf32, #tpu.memory_space<vmem_shared>>
      %dma_start3A_132 = arith.constant 0 : i32
      %dma_start3A_133 = tpu.memref_slice %arg14[%add3A_126, %dma_start3A_132] : memref<10000x128xf32, #tpu.memory_space<vmem_shared>> -> memref<96x128xf32, #tpu.memory_space<vmem_shared>>
      %dma_start3A_134 = arith.constant 0 : i32
      %dma_start3A_135 = arith.constant 0 : i32
      %dma_start3A_136 = tpu.memref_slice %arg9[%dma_start3A_134, %dma_start3A_135] : memref<100x128xf32, #tpu.memory_space<vmem>> -> memref<96x128xf32, #tpu.memory_space<vmem>>
      tpu.enqueue_dma source(%dma_start3A_136 : memref<96x128xf32, #tpu.memory_space<vmem>>) target(%dma_start3A_133 : memref<96x128xf32, #tpu.memory_space<vmem_shared>>) target_semaphore(%arg19 : memref<!tpu.dma_semaphore, #tpu.memory_space<semaphore_mem>>)
      %mul3A_137 = arith.constant 1000 : i32
      %mul3A_138 = arith.muli %arg1, %mul3A_137 : i32
      %add3A_139 = arith.constant 480 : i32
      %add3A_140 = arith.addi %mul3A_138, %add3A_139 : i32
      %dma_start3A_141 = arith.constant 0 : i32
      %dma_start3A_142 = arith.constant 0 : i32
      %dma_start3A_143 = tpu.memref_slice %arg9[%dma_start3A_141, %dma_start3A_142] : memref<100x128xf32, #tpu.memory_space<vmem>> -> memref<96x128xf32, #tpu.memory_space<vmem>>
      %dma_start3A_144 = arith.constant 0 : i32
      %dma_start3A_145 = tpu.memref_slice %arg14[%add3A_140, %dma_start3A_144] : memref<10000x128xf32, #tpu.memory_space<vmem_shared>> -> memref<96x128xf32, #tpu.memory_space<vmem_shared>>
      %dma_start3A_146 = arith.constant 0 : i32
      %dma_start3A_147 = tpu.memref_slice %arg14[%add3A_140, %dma_start3A_146] : memref<10000x128xf32, #tpu.memory_space<vmem_shared>> -> memref<96x128xf32, #tpu.memory_space<vmem_shared>>
      %dma_start3A_148 = arith.constant 0 : i32
      %dma_start3A_149 = arith.constant 0 : i32
      %dma_start3A_150 = tpu.memref_slice %arg9[%dma_start3A_148, %dma_start3A_149] : memref<100x128xf32, #tpu.memory_space<vmem>> -> memref<96x128xf32, #tpu.memory_space<vmem>>
      tpu.enqueue_dma source(%dma_start3A_150 : memref<96x128xf32, #tpu.memory_space<vmem>>) target(%dma_start3A_147 : memref<96x128xf32, #tpu.memory_space<vmem_shared>>) target_semaphore(%arg19 : memref<!tpu.dma_semaphore, #tpu.memory_space<semaphore_mem>>)
      %mul3A_151 = arith.constant 1000 : i32
      %mul3A_152 = arith.muli %arg1, %mul3A_151 : i32
      %add3A_153 = arith.constant 576 : i32
      %add3A_154 = arith.addi %mul3A_152, %add3A_153 : i32
      %dma_start3A_155 = arith.constant 0 : i32
      %dma_start3A_156 = arith.constant 0 : i32
      %dma_start3A_157 = tpu.memref_slice %arg9[%dma_start3A_155, %dma_start3A_156] : memref<100x128xf32, #tpu.memory_space<vmem>> -> memref<96x128xf32, #tpu.memory_space<vmem>>
      %dma_start3A_158 = arith.constant 0 : i32
      %dma_start3A_159 = tpu.memref_slice %arg14[%add3A_154, %dma_start3A_158] : memref<10000x128xf32, #tpu.memory_space<vmem_shared>> -> memref<96x128xf32, #tpu.memory_space<vmem_shared>>
      %dma_start3A_160 = arith.constant 0 : i32
      %dma_start3A_161 = tpu.memref_slice %arg14[%add3A_154, %dma_start3A_160] : memref<10000x128xf32, #tpu.memory_space<vmem_shared>> -> memref<96x128xf32, #tpu.memory_space<vmem_shared>>
      %dma_start3A_162 = arith.constant 0 : i32
      %dma_start3A_163 = arith.constant 0 : i32
      %dma_start3A_164 = tpu.memref_slice %arg9[%dma_start3A_162, %dma_start3A_163] : memref<100x128xf32, #tpu.memory_space<vmem>> -> memref<96x128xf32, #tpu.memory_space<vmem>>
      tpu.enqueue_dma source(%dma_start3A_164 : memref<96x128xf32, #tpu.memory_space<vmem>>) target(%dma_start3A_161 : memref<96x128xf32, #tpu.memory_space<vmem_shared>>) target_semaphore(%arg19 : memref<!tpu.dma_semaphore, #tpu.memory_space<semaphore_mem>>)
      %mul3A_165 = arith.constant 1000 : i32
      %mul3A_166 = arith.muli %arg1, %mul3A_165 : i32
      %add3A_167 = arith.constant 672 : i32
      %add3A_168 = arith.addi %mul3A_166, %add3A_167 : i32
      %dma_start3A_169 = arith.constant 0 : i32
      %dma_start3A_170 = arith.constant 0 : i32
      %dma_start3A_171 = tpu.memref_slice %arg9[%dma_start3A_169, %dma_start3A_170] : memref<100x128xf32, #tpu.memory_space<vmem>> -> memref<96x128xf32, #tpu.memory_space<vmem>>
      %dma_start3A_172 = arith.constant 0 : i32
      %dma_start3A_173 = tpu.memref_slice %arg14[%add3A_168, %dma_start3A_172] : memref<10000x128xf32, #tpu.memory_space<vmem_shared>> -> memref<96x128xf32, #tpu.memory_space<vmem_shared>>
      %dma_start3A_174 = arith.constant 0 : i32
      %dma_start3A_175 = tpu.memref_slice %arg14[%add3A_168, %dma_start3A_174] : memref<10000x128xf32, #tpu.memory_space<vmem_shared>> -> memref<96x128xf32, #tpu.memory_space<vmem_shared>>
      %dma_start3A_176 = arith.constant 0 : i32
      %dma_start3A_177 = arith.constant 0 : i32
      %dma_start3A_178 = tpu.memref_slice %arg9[%dma_start3A_176, %dma_start3A_177] : memref<100x128xf32, #tpu.memory_space<vmem>> -> memref<96x128xf32, #tpu.memory_space<vmem>>
      tpu.enqueue_dma source(%dma_start3A_178 : memref<96x128xf32, #tpu.memory_space<vmem>>) target(%dma_start3A_175 : memref<96x128xf32, #tpu.memory_space<vmem_shared>>) target_semaphore(%arg19 : memref<!tpu.dma_semaphore, #tpu.memory_space<semaphore_mem>>)
      %mul3A_179 = arith.constant 1000 : i32
      %mul3A_180 = arith.muli %arg1, %mul3A_179 : i32
      %add3A_181 = arith.constant 768 : i32
      %add3A_182 = arith.addi %mul3A_180, %add3A_181 : i32
      %dma_start3A_183 = arith.constant 0 : i32
      %dma_start3A_184 = arith.constant 0 : i32
      %dma_start3A_185 = tpu.memref_slice %arg9[%dma_start3A_183, %dma_start3A_184] : memref<100x128xf32, #tpu.memory_space<vmem>> -> memref<96x128xf32, #tpu.memory_space<vmem>>
      %dma_start3A_186 = arith.constant 0 : i32
      %dma_start3A_187 = tpu.memref_slice %arg14[%add3A_182, %dma_start3A_186] : memref<10000x128xf32, #tpu.memory_space<vmem_shared>> -> memref<96x128xf32, #tpu.memory_space<vmem_shared>>
      %dma_start3A_188 = arith.constant 0 : i32
      %dma_start3A_189 = tpu.memref_slice %arg14[%add3A_182, %dma_start3A_188] : memref<10000x128xf32, #tpu.memory_space<vmem_shared>> -> memref<96x128xf32, #tpu.memory_space<vmem_shared>>
      %dma_start3A_190 = arith.constant 0 : i32
      %dma_start3A_191 = arith.constant 0 : i32
      %dma_start3A_192 = tpu.memref_slice %arg9[%dma_start3A_190, %dma_start3A_191] : memref<100x128xf32, #tpu.memory_space<vmem>> -> memref<96x128xf32, #tpu.memory_space<vmem>>
      tpu.enqueue_dma source(%dma_start3A_192 : memref<96x128xf32, #tpu.memory_space<vmem>>) target(%dma_start3A_189 : memref<96x128xf32, #tpu.memory_space<vmem_shared>>) target_semaphore(%arg19 : memref<!tpu.dma_semaphore, #tpu.memory_space<semaphore_mem>>)
      %mul3A_193 = arith.constant 1000 : i32
      %mul3A_194 = arith.muli %arg1, %mul3A_193 : i32
      %add3A_195 = arith.constant 864 : i32
      %add3A_196 = arith.addi %mul3A_194, %add3A_195 : i32
      %dma_start3A_197 = arith.constant 0 : i32
      %dma_start3A_198 = arith.constant 0 : i32
      %dma_start3A_199 = tpu.memref_slice %arg9[%dma_start3A_197, %dma_start3A_198] : memref<100x128xf32, #tpu.memory_space<vmem>> -> memref<96x128xf32, #tpu.memory_space<vmem>>
      %dma_start3A_200 = arith.constant 0 : i32
      %dma_start3A_201 = tpu.memref_slice %arg14[%add3A_196, %dma_start3A_200] : memref<10000x128xf32, #tpu.memory_space<vmem_shared>> -> memref<96x128xf32, #tpu.memory_space<vmem_shared>>
      %dma_start3A_202 = arith.constant 0 : i32
      %dma_start3A_203 = tpu.memref_slice %arg14[%add3A_196, %dma_start3A_202] : memref<10000x128xf32, #tpu.memory_space<vmem_shared>> -> memref<96x128xf32, #tpu.memory_space<vmem_shared>>
      %dma_start3A_204 = arith.constant 0 : i32
      %dma_start3A_205 = arith.constant 0 : i32
      %dma_start3A_206 = tpu.memref_slice %arg9[%dma_start3A_204, %dma_start3A_205] : memref<100x128xf32, #tpu.memory_space<vmem>> -> memref<96x128xf32, #tpu.memory_space<vmem>>
      tpu.enqueue_dma source(%dma_start3A_206 : memref<96x128xf32, #tpu.memory_space<vmem>>) target(%dma_start3A_203 : memref<96x128xf32, #tpu.memory_space<vmem_shared>>) target_semaphore(%arg19 : memref<!tpu.dma_semaphore, #tpu.memory_space<semaphore_mem>>)
      %mul3A_207 = arith.constant 1000 : i32
      %mul3A_208 = arith.muli %arg1, %mul3A_207 : i32
      %add3A_209 = arith.constant 960 : i32
      %add3A_210 = arith.addi %mul3A_208, %add3A_209 : i32
      %dma_start3A_211 = arith.constant 0 : i32
      %dma_start3A_212 = arith.constant 0 : i32
      %dma_start3A_213 = tpu.memref_slice %arg9[%dma_start3A_211, %dma_start3A_212] : memref<100x128xf32, #tpu.memory_space<vmem>> -> memref<40x128xf32, #tpu.memory_space<vmem>>
      %dma_start3A_214 = arith.constant 0 : i32
      %dma_start3A_215 = tpu.memref_slice %arg14[%add3A_210, %dma_start3A_214] : memref<10000x128xf32, #tpu.memory_space<vmem_shared>> -> memref<40x128xf32, #tpu.memory_space<vmem_shared>>
      %dma_start3A_216 = arith.constant 0 : i32
      %dma_start3A_217 = tpu.memref_slice %arg14[%add3A_210, %dma_start3A_216] : memref<10000x128xf32, #tpu.memory_space<vmem_shared>> -> memref<40x128xf32, #tpu.memory_space<vmem_shared>>
      %dma_start3A_218 = arith.constant 0 : i32
      %dma_start3A_219 = arith.constant 0 : i32
      %dma_start3A_220 = tpu.memref_slice %arg9[%dma_start3A_218, %dma_start3A_219] : memref<100x128xf32, #tpu.memory_space<vmem>> -> memref<40x128xf32, #tpu.memory_space<vmem>>
      tpu.enqueue_dma source(%dma_start3A_220 : memref<40x128xf32, #tpu.memory_space<vmem>>) target(%dma_start3A_217 : memref<40x128xf32, #tpu.memory_space<vmem_shared>>) target_semaphore(%arg19 : memref<!tpu.dma_semaphore, #tpu.memory_space<semaphore_mem>>)
      %dma_wait3A = arith.constant 0 : i32
      %dma_wait3A_221 = arith.constant 0 : i32
      %dma_wait3A_222 = tpu.memref_slice %arg9[%dma_wait3A, %dma_wait3A_221] : memref<100x128xf32, #tpu.memory_space<vmem>> -> memref<96x128xf32, #tpu.memory_space<vmem>>
      %dma_wait3A_223 = arith.constant 0 : i32
      %dma_wait3A_224 = arith.constant 0 : i32
      %dma_wait3A_225 = tpu.memref_slice %arg14[%dma_wait3A_223, %dma_wait3A_224] : memref<10000x128xf32, #tpu.memory_space<vmem_shared>> -> memref<96x128xf32, #tpu.memory_space<vmem_shared>>
      %dma_wait3A_226 = arith.constant 0 : i32
      %dma_wait3A_227 = arith.constant 0 : i32
      %dma_wait3A_228 = tpu.memref_slice %arg14[%dma_wait3A_226, %dma_wait3A_227] : memref<10000x128xf32, #tpu.memory_space<vmem_shared>> -> memref<96x128xf32, #tpu.memory_space<vmem_shared>>
      %dma_wait3A_229 = arith.constant 0 : i32
      %dma_wait3A_230 = arith.constant 0 : i32
      %dma_wait3A_231 = tpu.memref_slice %arg9[%dma_wait3A_229, %dma_wait3A_230] : memref<100x128xf32, #tpu.memory_space<vmem>> -> memref<96x128xf32, #tpu.memory_space<vmem>>
      tpu.wait_dma2 semaphore(%arg19 : memref<!tpu.dma_semaphore, #tpu.memory_space<semaphore_mem>>) src(%dma_wait3A_231 : memref<96x128xf32, #tpu.memory_space<vmem>>) dst(%dma_wait3A_228 : memref<96x128xf32, #tpu.memory_space<vmem_shared>>)
      %dma_wait3A_232 = arith.constant 0 : i32
      %dma_wait3A_233 = arith.constant 0 : i32
      %dma_wait3A_234 = tpu.memref_slice %arg9[%dma_wait3A_232, %dma_wait3A_233] : memref<100x128xf32, #tpu.memory_space<vmem>> -> memref<96x128xf32, #tpu.memory_space<vmem>>
      %dma_wait3A_235 = arith.constant 0 : i32
      %dma_wait3A_236 = arith.constant 0 : i32
      %dma_wait3A_237 = tpu.memref_slice %arg14[%dma_wait3A_235, %dma_wait3A_236] : memref<10000x128xf32, #tpu.memory_space<vmem_shared>> -> memref<96x128xf32, #tpu.memory_space<vmem_shared>>
      %dma_wait3A_238 = arith.constant 0 : i32
      %dma_wait3A_239 = arith.constant 0 : i32
      %dma_wait3A_240 = tpu.memref_slice %arg14[%dma_wait3A_238, %dma_wait3A_239] : memref<10000x128xf32, #tpu.memory_space<vmem_shared>> -> memref<96x128xf32, #tpu.memory_space<vmem_shared>>
      %dma_wait3A_241 = arith.constant 0 : i32
      %dma_wait3A_242 = arith.constant 0 : i32
      %dma_wait3A_243 = tpu.memref_slice %arg9[%dma_wait3A_241, %dma_wait3A_242] : memref<100x128xf32, #tpu.memory_space<vmem>> -> memref<96x128xf32, #tpu.memory_space<vmem>>
      tpu.wait_dma2 semaphore(%arg19 : memref<!tpu.dma_semaphore, #tpu.memory_space<semaphore_mem>>) src(%dma_wait3A_243 : memref<96x128xf32, #tpu.memory_space<vmem>>) dst(%dma_wait3A_240 : memref<96x128xf32, #tpu.memory_space<vmem_shared>>)
      %dma_wait3A_244 = arith.constant 0 : i32
      %dma_wait3A_245 = arith.constant 0 : i32
      %dma_wait3A_246 = tpu.memref_slice %arg9[%dma_wait3A_244, %dma_wait3A_245] : memref<100x128xf32, #tpu.memory_space<vmem>> -> memref<96x128xf32, #tpu.memory_space<vmem>>
      %dma_wait3A_247 = arith.constant 0 : i32
      %dma_wait3A_248 = arith.constant 0 : i32
      %dma_wait3A_249 = tpu.memref_slice %arg14[%dma_wait3A_247, %dma_wait3A_248] : memref<10000x128xf32, #tpu.memory_space<vmem_shared>> -> memref<96x128xf32, #tpu.memory_space<vmem_shared>>
      %dma_wait3A_250 = arith.constant 0 : i32
      %dma_wait3A_251 = arith.constant 0 : i32
      %dma_wait3A_252 = tpu.memref_slice %arg14[%dma_wait3A_250, %dma_wait3A_251] : memref<10000x128xf32, #tpu.memory_space<vmem_shared>> -> memref<96x128xf32, #tpu.memory_space<vmem_shared>>
      %dma_wait3A_253 = arith.constant 0 : i32
      %dma_wait3A_254 = arith.constant 0 : i32
      %dma_wait3A_255 = tpu.memref_slice %arg9[%dma_wait3A_253, %dma_wait3A_254] : memref<100x128xf32, #tpu.memory_space<vmem>> -> memref<96x128xf32, #tpu.memory_space<vmem>>
      tpu.wait_dma2 semaphore(%arg19 : memref<!tpu.dma_semaphore, #tpu.memory_space<semaphore_mem>>) src(%dma_wait3A_255 : memref<96x128xf32, #tpu.memory_space<vmem>>) dst(%dma_wait3A_252 : memref<96x128xf32, #tpu.memory_space<vmem_shared>>)
      %dma_wait3A_256 = arith.constant 0 : i32
      %dma_wait3A_257 = arith.constant 0 : i32
      %dma_wait3A_258 = tpu.memref_slice %arg9[%dma_wait3A_256, %dma_wait3A_257] : memref<100x128xf32, #tpu.memory_space<vmem>> -> memref<96x128xf32, #tpu.memory_space<vmem>>
      %dma_wait3A_259 = arith.constant 0 : i32
      %dma_wait3A_260 = arith.constant 0 : i32
      %dma_wait3A_261 = tpu.memref_slice %arg14[%dma_wait3A_259, %dma_wait3A_260] : memref<10000x128xf32, #tpu.memory_space<vmem_shared>> -> memref<96x128xf32, #tpu.memory_space<vmem_shared>>
      %dma_wait3A_262 = arith.constant 0 : i32
      %dma_wait3A_263 = arith.constant 0 : i32
      %dma_wait3A_264 = tpu.memref_slice %arg14[%dma_wait3A_262, %dma_wait3A_263] : memref<10000x128xf32, #tpu.memory_space<vmem_shared>> -> memref<96x128xf32, #tpu.memory_space<vmem_shared>>
      %dma_wait3A_265 = arith.constant 0 : i32
      %dma_wait3A_266 = arith.constant 0 : i32
      %dma_wait3A_267 = tpu.memref_slice %arg9[%dma_wait3A_265, %dma_wait3A_266] : memref<100x128xf32, #tpu.memory_space<vmem>> -> memref<96x128xf32, #tpu.memory_space<vmem>>
      tpu.wait_dma2 semaphore(%arg19 : memref<!tpu.dma_semaphore, #tpu.memory_space<semaphore_mem>>) src(%dma_wait3A_267 : memref<96x128xf32, #tpu.memory_space<vmem>>) dst(%dma_wait3A_264 : memref<96x128xf32, #tpu.memory_space<vmem_shared>>)
      %dma_wait3A_268 = arith.constant 0 : i32
      %dma_wait3A_269 = arith.constant 0 : i32
      %dma_wait3A_270 = tpu.memref_slice %arg9[%dma_wait3A_268, %dma_wait3A_269] : memref<100x128xf32, #tpu.memory_space<vmem>> -> memref<96x128xf32, #tpu.memory_space<vmem>>
      %dma_wait3A_271 = arith.constant 0 : i32
      %dma_wait3A_272 = arith.constant 0 : i32
      %dma_wait3A_273 = tpu.memref_slice %arg14[%dma_wait3A_271, %dma_wait3A_272] : memref<10000x128xf32, #tpu.memory_space<vmem_shared>> -> memref<96x128xf32, #tpu.memory_space<vmem_shared>>
      %dma_wait3A_274 = arith.constant 0 : i32
      %dma_wait3A_275 = arith.constant 0 : i32
      %dma_wait3A_276 = tpu.memref_slice %arg14[%dma_wait3A_274, %dma_wait3A_275] : memref<10000x128xf32, #tpu.memory_space<vmem_shared>> -> memref<96x128xf32, #tpu.memory_space<vmem_shared>>
      %dma_wait3A_277 = arith.constant 0 : i32
      %dma_wait3A_278 = arith.constant 0 : i32
      %dma_wait3A_279 = tpu.memref_slice %arg9[%dma_wait3A_277, %dma_wait3A_278] : memref<100x128xf32, #tpu.memory_space<vmem>> -> memref<96x128xf32, #tpu.memory_space<vmem>>
      tpu.wait_dma2 semaphore(%arg19 : memref<!tpu.dma_semaphore, #tpu.memory_space<semaphore_mem>>) src(%dma_wait3A_279 : memref<96x128xf32, #tpu.memory_space<vmem>>) dst(%dma_wait3A_276 : memref<96x128xf32, #tpu.memory_space<vmem_shared>>)
      %dma_wait3A_280 = arith.constant 0 : i32
      %dma_wait3A_281 = arith.constant 0 : i32
      %dma_wait3A_282 = tpu.memref_slice %arg9[%dma_wait3A_280, %dma_wait3A_281] : memref<100x128xf32, #tpu.memory_space<vmem>> -> memref<96x128xf32, #tpu.memory_space<vmem>>
      %dma_wait3A_283 = arith.constant 0 : i32
      %dma_wait3A_284 = arith.constant 0 : i32
      %dma_wait3A_285 = tpu.memref_slice %arg14[%dma_wait3A_283, %dma_wait3A_284] : memref<10000x128xf32, #tpu.memory_space<vmem_shared>> -> memref<96x128xf32, #tpu.memory_space<vmem_shared>>
      %dma_wait3A_286 = arith.constant 0 : i32
      %dma_wait3A_287 = arith.constant 0 : i32
      %dma_wait3A_288 = tpu.memref_slice %arg14[%dma_wait3A_286, %dma_wait3A_287] : memref<10000x128xf32, #tpu.memory_space<vmem_shared>> -> memref<96x128xf32, #tpu.memory_space<vmem_shared>>
      %dma_wait3A_289 = arith.constant 0 : i32
      %dma_wait3A_290 = arith.constant 0 : i32
      %dma_wait3A_291 = tpu.memref_slice %arg9[%dma_wait3A_289, %dma_wait3A_290] : memref<100x128xf32, #tpu.memory_space<vmem>> -> memref<96x128xf32, #tpu.memory_space<vmem>>
      tpu.wait_dma2 semaphore(%arg19 : memref<!tpu.dma_semaphore, #tpu.memory_space<semaphore_mem>>) src(%dma_wait3A_291 : memref<96x128xf32, #tpu.memory_space<vmem>>) dst(%dma_wait3A_288 : memref<96x128xf32, #tpu.memory_space<vmem_shared>>)
      %dma_wait3A_292 = arith.constant 0 : i32
      %dma_wait3A_293 = arith.constant 0 : i32
      %dma_wait3A_294 = tpu.memref_slice %arg9[%dma_wait3A_292, %dma_wait3A_293] : memref<100x128xf32, #tpu.memory_space<vmem>> -> memref<96x128xf32, #tpu.memory_space<vmem>>
      %dma_wait3A_295 = arith.constant 0 : i32
      %dma_wait3A_296 = arith.constant 0 : i32
      %dma_wait3A_297 = tpu.memref_slice %arg14[%dma_wait3A_295, %dma_wait3A_296] : memref<10000x128xf32, #tpu.memory_space<vmem_shared>> -> memref<96x128xf32, #tpu.memory_space<vmem_shared>>
      %dma_wait3A_298 = arith.constant 0 : i32
      %dma_wait3A_299 = arith.constant 0 : i32
      %dma_wait3A_300 = tpu.memref_slice %arg14[%dma_wait3A_298, %dma_wait3A_299] : memref<10000x128xf32, #tpu.memory_space<vmem_shared>> -> memref<96x128xf32, #tpu.memory_space<vmem_shared>>
      %dma_wait3A_301 = arith.constant 0 : i32
      %dma_wait3A_302 = arith.constant 0 : i32
      %dma_wait3A_303 = tpu.memref_slice %arg9[%dma_wait3A_301, %dma_wait3A_302] : memref<100x128xf32, #tpu.memory_space<vmem>> -> memref<96x128xf32, #tpu.memory_space<vmem>>
      tpu.wait_dma2 semaphore(%arg19 : memref<!tpu.dma_semaphore, #tpu.memory_space<semaphore_mem>>) src(%dma_wait3A_303 : memref<96x128xf32, #tpu.memory_space<vmem>>) dst(%dma_wait3A_300 : memref<96x128xf32, #tpu.memory_space<vmem_shared>>)
      %dma_wait3A_304 = arith.constant 0 : i32
      %dma_wait3A_305 = arith.constant 0 : i32
      %dma_wait3A_306 = tpu.memref_slice %arg9[%dma_wait3A_304, %dma_wait3A_305] : memref<100x128xf32, #tpu.memory_space<vmem>> -> memref<96x128xf32, #tpu.memory_space<vmem>>
      %dma_wait3A_307 = arith.constant 0 : i32
      %dma_wait3A_308 = arith.constant 0 : i32
      %dma_wait3A_309 = tpu.memref_slice %arg14[%dma_wait3A_307, %dma_wait3A_308] : memref<10000x128xf32, #tpu.memory_space<vmem_shared>> -> memref<96x128xf32, #tpu.memory_space<vmem_shared>>
      %dma_wait3A_310 = arith.constant 0 : i32
      %dma_wait3A_311 = arith.constant 0 : i32
      %dma_wait3A_312 = tpu.memref_slice %arg14[%dma_wait3A_310, %dma_wait3A_311] : memref<10000x128xf32, #tpu.memory_space<vmem_shared>> -> memref<96x128xf32, #tpu.memory_space<vmem_shared>>
      %dma_wait3A_313 = arith.constant 0 : i32
      %dma_wait3A_314 = arith.constant 0 : i32
      %dma_wait3A_315 = tpu.memref_slice %arg9[%dma_wait3A_313, %dma_wait3A_314] : memref<100x128xf32, #tpu.memory_space<vmem>> -> memref<96x128xf32, #tpu.memory_space<vmem>>
      tpu.wait_dma2 semaphore(%arg19 : memref<!tpu.dma_semaphore, #tpu.memory_space<semaphore_mem>>) src(%dma_wait3A_315 : memref<96x128xf32, #tpu.memory_space<vmem>>) dst(%dma_wait3A_312 : memref<96x128xf32, #tpu.memory_space<vmem_shared>>)
      %dma_wait3A_316 = arith.constant 0 : i32
      %dma_wait3A_317 = arith.constant 0 : i32
      %dma_wait3A_318 = tpu.memref_slice %arg9[%dma_wait3A_316, %dma_wait3A_317] : memref<100x128xf32, #tpu.memory_space<vmem>> -> memref<96x128xf32, #tpu.memory_space<vmem>>
      %dma_wait3A_319 = arith.constant 0 : i32
      %dma_wait3A_320 = arith.constant 0 : i32
      %dma_wait3A_321 = tpu.memref_slice %arg14[%dma_wait3A_319, %dma_wait3A_320] : memref<10000x128xf32, #tpu.memory_space<vmem_shared>> -> memref<96x128xf32, #tpu.memory_space<vmem_shared>>
      %dma_wait3A_322 = arith.constant 0 : i32
      %dma_wait3A_323 = arith.constant 0 : i32
      %dma_wait3A_324 = tpu.memref_slice %arg14[%dma_wait3A_322, %dma_wait3A_323] : memref<10000x128xf32, #tpu.memory_space<vmem_shared>> -> memref<96x128xf32, #tpu.memory_space<vmem_shared>>
      %dma_wait3A_325 = arith.constant 0 : i32
      %dma_wait3A_326 = arith.constant 0 : i32
      %dma_wait3A_327 = tpu.memref_slice %arg9[%dma_wait3A_325, %dma_wait3A_326] : memref<100x128xf32, #tpu.memory_space<vmem>> -> memref<96x128xf32, #tpu.memory_space<vmem>>
      tpu.wait_dma2 semaphore(%arg19 : memref<!tpu.dma_semaphore, #tpu.memory_space<semaphore_mem>>) src(%dma_wait3A_327 : memref<96x128xf32, #tpu.memory_space<vmem>>) dst(%dma_wait3A_324 : memref<96x128xf32, #tpu.memory_space<vmem_shared>>)
      %dma_wait3A_328 = arith.constant 0 : i32
      %dma_wait3A_329 = arith.constant 0 : i32
      %dma_wait3A_330 = tpu.memref_slice %arg9[%dma_wait3A_328, %dma_wait3A_329] : memref<100x128xf32, #tpu.memory_space<vmem>> -> memref<96x128xf32, #tpu.memory_space<vmem>>
      %dma_wait3A_331 = arith.constant 0 : i32
      %dma_wait3A_332 = arith.constant 0 : i32
      %dma_wait3A_333 = tpu.memref_slice %arg14[%dma_wait3A_331, %dma_wait3A_332] : memref<10000x128xf32, #tpu.memory_space<vmem_shared>> -> memref<96x128xf32, #tpu.memory_space<vmem_shared>>
      %dma_wait3A_334 = arith.constant 0 : i32
      %dma_wait3A_335 = arith.constant 0 : i32
      %dma_wait3A_336 = tpu.memref_slice %arg14[%dma_wait3A_334, %dma_wait3A_335] : memref<10000x128xf32, #tpu.memory_space<vmem_shared>> -> memref<96x128xf32, #tpu.memory_space<vmem_shared>>
      %dma_wait3A_337 = arith.constant 0 : i32
      %dma_wait3A_338 = arith.constant 0 : i32
      %dma_wait3A_339 = tpu.memref_slice %arg9[%dma_wait3A_337, %dma_wait3A_338] : memref<100x128xf32, #tpu.memory_space<vmem>> -> memref<96x128xf32, #tpu.memory_space<vmem>>
      tpu.wait_dma2 semaphore(%arg19 : memref<!tpu.dma_semaphore, #tpu.memory_space<semaphore_mem>>) src(%dma_wait3A_339 : memref<96x128xf32, #tpu.memory_space<vmem>>) dst(%dma_wait3A_336 : memref<96x128xf32, #tpu.memory_space<vmem_shared>>)
      %dma_wait3A_340 = arith.constant 0 : i32
      %dma_wait3A_341 = arith.constant 0 : i32
      %dma_wait3A_342 = tpu.memref_slice %arg9[%dma_wait3A_340, %dma_wait3A_341] : memref<100x128xf32, #tpu.memory_space<vmem>> -> memref<40x128xf32, #tpu.memory_space<vmem>>
      %dma_wait3A_343 = arith.constant 0 : i32
      %dma_wait3A_344 = arith.constant 0 : i32
      %dma_wait3A_345 = tpu.memref_slice %arg14[%dma_wait3A_343, %dma_wait3A_344] : memref<10000x128xf32, #tpu.memory_space<vmem_shared>> -> memref<40x128xf32, #tpu.memory_space<vmem_shared>>
      %dma_wait3A_346 = arith.constant 0 : i32
      %dma_wait3A_347 = arith.constant 0 : i32
      %dma_wait3A_348 = tpu.memref_slice %arg14[%dma_wait3A_346, %dma_wait3A_347] : memref<10000x128xf32, #tpu.memory_space<vmem_shared>> -> memref<40x128xf32, #tpu.memory_space<vmem_shared>>
      %dma_wait3A_349 = arith.constant 0 : i32
      %dma_wait3A_350 = arith.constant 0 : i32
      %dma_wait3A_351 = tpu.memref_slice %arg9[%dma_wait3A_349, %dma_wait3A_350] : memref<100x128xf32, #tpu.memory_space<vmem>> -> memref<40x128xf32, #tpu.memory_space<vmem>>
      tpu.wait_dma2 semaphore(%arg19 : memref<!tpu.dma_semaphore, #tpu.memory_space<semaphore_mem>>) src(%dma_wait3A_351 : memref<40x128xf32, #tpu.memory_space<vmem>>) dst(%dma_wait3A_348 : memref<40x128xf32, #tpu.memory_space<vmem_shared>>)
    } else {
    }
    %lt3A_47 = arith.constant 5 : i32
    %lt3A_48 = arith.cmpi slt, %arg1, %lt3A_47 : i32
    %convert_element_type3A_49 = arith.extui %lt3A_48 : i1 to i32
    %cond3A_50 = arith.constant 0 : i32
    %cond3A_51 = arith.cmpi ne, %convert_element_type3A_49, %cond3A_50 : i32
    scf.if %cond3A_51 {
      %mul3A = arith.constant 2000 : i32
      %mul3A_70 = arith.muli %arg1, %mul3A : i32
      "tpu.region"() ({
        %run_scoped3A = tpu.sem_alloc : memref<!tpu.dma_semaphore, #tpu.memory_space<semaphore_mem>>
        %dma_start3A = tpu.memref_slice %arg15[%mul3A_70] : memref<10000xf32, #tpu.memory_space<vmem_shared>> -> memref<2000xf32, #tpu.memory_space<vmem_shared>>
        %dma_start3A_71 = tpu.memref_slice %arg15[%mul3A_70] : memref<10000xf32, #tpu.memory_space<vmem_shared>> -> memref<2000xf32, #tpu.memory_space<vmem_shared>>
        tpu.enqueue_dma source(%arg13 : memref<2000xf32, #tpu.memory_space<vmem>>) target(%dma_start3A_71 : memref<2000xf32, #tpu.memory_space<vmem_shared>>) target_semaphore(%run_scoped3A : memref<!tpu.dma_semaphore, #tpu.memory_space<semaphore_mem>>)
        %dma_wait3A = tpu.memref_slice %arg15[%mul3A_70] : memref<10000xf32, #tpu.memory_space<vmem_shared>> -> memref<2000xf32, #tpu.memory_space<vmem_shared>>
        %dma_wait3A_72 = tpu.memref_slice %arg15[%mul3A_70] : memref<10000xf32, #tpu.memory_space<vmem_shared>> -> memref<2000xf32, #tpu.memory_space<vmem_shared>>
        tpu.wait_dma2 semaphore(%run_scoped3A : memref<!tpu.dma_semaphore, #tpu.memory_space<semaphore_mem>>) src(%arg13 : memref<2000xf32, #tpu.memory_space<vmem>>) dst(%dma_wait3A_72 : memref<2000xf32, #tpu.memory_space<vmem_shared>>)
        tpu.yield
      }) : () -> ()
    } else {
    }
    %barrier3A = arith.constant 0 : index
    tpu.barrier barrier_id(%barrier3A)
    %sub3A = arith.constant 1 : i32
    %sub3A_52 = arith.subi %sub3A, %arg0 : i32
    %scan3A_53 = arith.constant 0 : i32
    %scan3A_54 = arith.constant 0 : i32
    %scan3A_55 = arith.constant 8 : i32
    %scan3A_56 = arith.addi %scan3A_54, %scan3A_55 : i32
    %scan3A_57 = arith.constant 1 : i32
    scf.for %scan3A_70 = %scan3A_54 to %scan3A_56 step %scan3A_57  : i32 {
      "tpu.region"() ({
        %run_scoped3A = tpu.sem_alloc : memref<!tpu.dma_semaphore, #tpu.memory_space<semaphore_mem>>
        %dma_start3A_253 = arith.constant 0 : i32
        %dma_start3A_254 = arith.constant 0 : i32
        %dma_start3A_255 = tpu.memref_slice %arg3[%arg0, %arg1, %scan3A_70, %dma_start3A_253, %dma_start3A_254] : memref<2x16x8x25x100xi32, #tpu.memory_space<hbm>> -> memref<1x1x1x25x100xi32, #tpu.memory_space<hbm>>
        %dma_start3A_256 = tpu.memref_squeeze %dma_start3A_255 : memref<1x1x1x25x100xi32, #tpu.memory_space<hbm>> -> memref<25x100xi32, #tpu.memory_space<hbm>>
        %dma_start3A_257 = arith.constant 0 : i32
        %dma_start3A_258 = arith.constant 0 : i32
        %dma_start3A_259 = tpu.memref_slice %arg3[%arg0, %arg1, %scan3A_70, %dma_start3A_257, %dma_start3A_258] : memref<2x16x8x25x100xi32, #tpu.memory_space<hbm>> -> memref<1x1x1x25x100xi32, #tpu.memory_space<hbm>>
        %dma_start3A_260 = tpu.memref_squeeze %dma_start3A_259 : memref<1x1x1x25x100xi32, #tpu.memory_space<hbm>> -> memref<25x100xi32, #tpu.memory_space<hbm>>
        tpu.enqueue_dma source(%dma_start3A_260 : memref<25x100xi32, #tpu.memory_space<hbm>>) target(%arg7 : memref<25x100xi32, #tpu.memory_space<vmem>>) target_semaphore(%run_scoped3A : memref<!tpu.dma_semaphore, #tpu.memory_space<semaphore_mem>>)
        %dma_wait3A_261 = arith.constant 0 : i32
        %dma_wait3A_262 = arith.constant 0 : i32
        %dma_wait3A_263 = tpu.memref_slice %arg3[%arg0, %arg1, %scan3A_70, %dma_wait3A_261, %dma_wait3A_262] : memref<2x16x8x25x100xi32, #tpu.memory_space<hbm>> -> memref<1x1x1x25x100xi32, #tpu.memory_space<hbm>>
        %dma_wait3A_264 = tpu.memref_squeeze %dma_wait3A_263 : memref<1x1x1x25x100xi32, #tpu.memory_space<hbm>> -> memref<25x100xi32, #tpu.memory_space<hbm>>
        %dma_wait3A_265 = arith.constant 0 : i32
        %dma_wait3A_266 = arith.constant 0 : i32
        %dma_wait3A_267 = tpu.memref_slice %arg3[%arg0, %arg1, %scan3A_70, %dma_wait3A_265, %dma_wait3A_266] : memref<2x16x8x25x100xi32, #tpu.memory_space<hbm>> -> memref<1x1x1x25x100xi32, #tpu.memory_space<hbm>>
        %dma_wait3A_268 = tpu.memref_squeeze %dma_wait3A_267 : memref<1x1x1x25x100xi32, #tpu.memory_space<hbm>> -> memref<25x100xi32, #tpu.memory_space<hbm>>
        tpu.wait_dma2 semaphore(%run_scoped3A : memref<!tpu.dma_semaphore, #tpu.memory_space<semaphore_mem>>) src(%dma_wait3A_268 : memref<25x100xi32, #tpu.memory_space<hbm>>) dst(%arg7 : memref<25x100xi32, #tpu.memory_space<vmem>>)
        tpu.yield
      }) : () -> ()
      "tpu.region"() ({
        %run_scoped3A = tpu.sem_alloc : memref<!tpu.dma_semaphore, #tpu.memory_space<semaphore_mem>>
        %dma_start3A_253 = arith.constant 0 : i32
        %dma_start3A_254 = arith.constant 0 : i32
        %dma_start3A_255 = tpu.memref_slice %arg3[%sub3A_52, %arg1, %scan3A_70, %dma_start3A_253, %dma_start3A_254] : memref<2x16x8x25x100xi32, #tpu.memory_space<hbm>> -> memref<1x1x1x25x100xi32, #tpu.memory_space<hbm>>
        %dma_start3A_256 = tpu.memref_squeeze %dma_start3A_255 : memref<1x1x1x25x100xi32, #tpu.memory_space<hbm>> -> memref<25x100xi32, #tpu.memory_space<hbm>>
        %dma_start3A_257 = arith.constant 0 : i32
        %dma_start3A_258 = arith.constant 0 : i32
        %dma_start3A_259 = tpu.memref_slice %arg3[%sub3A_52, %arg1, %scan3A_70, %dma_start3A_257, %dma_start3A_258] : memref<2x16x8x25x100xi32, #tpu.memory_space<hbm>> -> memref<1x1x1x25x100xi32, #tpu.memory_space<hbm>>
        %dma_start3A_260 = tpu.memref_squeeze %dma_start3A_259 : memref<1x1x1x25x100xi32, #tpu.memory_space<hbm>> -> memref<25x100xi32, #tpu.memory_space<hbm>>
        tpu.enqueue_dma source(%dma_start3A_260 : memref<25x100xi32, #tpu.memory_space<hbm>>) target(%arg8 : memref<25x100xi32, #tpu.memory_space<vmem>>) target_semaphore(%run_scoped3A : memref<!tpu.dma_semaphore, #tpu.memory_space<semaphore_mem>>)
        %dma_wait3A_261 = arith.constant 0 : i32
        %dma_wait3A_262 = arith.constant 0 : i32
        %dma_wait3A_263 = tpu.memref_slice %arg3[%sub3A_52, %arg1, %scan3A_70, %dma_wait3A_261, %dma_wait3A_262] : memref<2x16x8x25x100xi32, #tpu.memory_space<hbm>> -> memref<1x1x1x25x100xi32, #tpu.memory_space<hbm>>
        %dma_wait3A_264 = tpu.memref_squeeze %dma_wait3A_263 : memref<1x1x1x25x100xi32, #tpu.memory_space<hbm>> -> memref<25x100xi32, #tpu.memory_space<hbm>>
        %dma_wait3A_265 = arith.constant 0 : i32
        %dma_wait3A_266 = arith.constant 0 : i32
        %dma_wait3A_267 = tpu.memref_slice %arg3[%sub3A_52, %arg1, %scan3A_70, %dma_wait3A_265, %dma_wait3A_266] : memref<2x16x8x25x100xi32, #tpu.memory_space<hbm>> -> memref<1x1x1x25x100xi32, #tpu.memory_space<hbm>>
        %dma_wait3A_268 = tpu.memref_squeeze %dma_wait3A_267 : memref<1x1x1x25x100xi32, #tpu.memory_space<hbm>> -> memref<25x100xi32, #tpu.memory_space<hbm>>
        tpu.wait_dma2 semaphore(%run_scoped3A : memref<!tpu.dma_semaphore, #tpu.memory_space<semaphore_mem>>) src(%dma_wait3A_268 : memref<25x100xi32, #tpu.memory_space<hbm>>) dst(%arg8 : memref<25x100xi32, #tpu.memory_space<vmem>>)
        tpu.yield
      }) : () -> ()
      %dma_start3A = arith.constant 0 : i32
      %dma_start3A_71 = arith.constant 0 : i32
      %dma_start3A_72 = tpu.memref_slice %arg7[%dma_start3A, %dma_start3A_71] : memref<25x100xi32, #tpu.memory_space<vmem>> -> memref<1x100xi32, #tpu.memory_space<vmem>>
      %dma_start3A_73 = tpu.memref_squeeze %dma_start3A_72 : memref<1x100xi32, #tpu.memory_space<vmem>> -> memref<100xi32, #tpu.memory_space<vmem>>
      %dma_start3A_74 = arith.constant 0 : i32
      %dma_start3A_75 = arith.constant 0 : i32
      %dma_start3A_76 = tpu.memref_slice %arg2[%dma_start3A_74, %dma_start3A_75] : memref<10000x128xf32, #tpu.memory_space<hbm>> -> memref<10000x128xf32, #tpu.memory_space<hbm>>
      tpu.enqueue_indirect_dma source(%dma_start3A_76 : memref<10000x128xf32, #tpu.memory_space<hbm>>) target(%arg9 : memref<100x128xf32, #tpu.memory_space<vmem>>) offsets(%dma_start3A_73 : memref<100xi32, #tpu.memory_space<vmem>>) semaphore(%arg16 : memref<!tpu.dma_semaphore, #tpu.memory_space<semaphore_mem>>)
      %dma_start3A_77 = arith.constant 1 : i32
      %dma_start3A_78 = arith.constant 0 : i32
      %dma_start3A_79 = tpu.memref_slice %arg7[%dma_start3A_77, %dma_start3A_78] : memref<25x100xi32, #tpu.memory_space<vmem>> -> memref<1x100xi32, #tpu.memory_space<vmem>>
      %dma_start3A_80 = tpu.memref_squeeze %dma_start3A_79 : memref<1x100xi32, #tpu.memory_space<vmem>> -> memref<100xi32, #tpu.memory_space<vmem>>
      %dma_start3A_81 = arith.constant 0 : i32
      %dma_start3A_82 = arith.constant 0 : i32
      %dma_start3A_83 = tpu.memref_slice %arg2[%dma_start3A_81, %dma_start3A_82] : memref<10000x128xf32, #tpu.memory_space<hbm>> -> memref<10000x128xf32, #tpu.memory_space<hbm>>
      tpu.enqueue_indirect_dma source(%dma_start3A_83 : memref<10000x128xf32, #tpu.memory_space<hbm>>) target(%arg10 : memref<100x128xf32, #tpu.memory_space<vmem>>) offsets(%dma_start3A_80 : memref<100xi32, #tpu.memory_space<vmem>>) semaphore(%arg17 : memref<!tpu.dma_semaphore, #tpu.memory_space<semaphore_mem>>)
      %dma_start3A_84 = arith.constant 2 : i32
      %dma_start3A_85 = arith.constant 0 : i32
      %dma_start3A_86 = tpu.memref_slice %arg7[%dma_start3A_84, %dma_start3A_85] : memref<25x100xi32, #tpu.memory_space<vmem>> -> memref<1x100xi32, #tpu.memory_space<vmem>>
      %dma_start3A_87 = tpu.memref_squeeze %dma_start3A_86 : memref<1x100xi32, #tpu.memory_space<vmem>> -> memref<100xi32, #tpu.memory_space<vmem>>
      %dma_start3A_88 = arith.constant 0 : i32
      %dma_start3A_89 = arith.constant 0 : i32
      %dma_start3A_90 = tpu.memref_slice %arg2[%dma_start3A_88, %dma_start3A_89] : memref<10000x128xf32, #tpu.memory_space<hbm>> -> memref<10000x128xf32, #tpu.memory_space<hbm>>
      tpu.enqueue_indirect_dma source(%dma_start3A_90 : memref<10000x128xf32, #tpu.memory_space<hbm>>) target(%arg11 : memref<100x128xf32, #tpu.memory_space<vmem>>) offsets(%dma_start3A_87 : memref<100xi32, #tpu.memory_space<vmem>>) semaphore(%arg18 : memref<!tpu.dma_semaphore, #tpu.memory_space<semaphore_mem>>)
      %dma_wait3A = arith.constant 0 : i32
      %dma_wait3A_91 = arith.constant 0 : i32
      %dma_wait3A_92 = tpu.memref_slice %arg7[%dma_wait3A, %dma_wait3A_91] : memref<25x100xi32, #tpu.memory_space<vmem>> -> memref<1x100xi32, #tpu.memory_space<vmem>>
      %dma_wait3A_93 = tpu.memref_squeeze %dma_wait3A_92 : memref<1x100xi32, #tpu.memory_space<vmem>> -> memref<100xi32, #tpu.memory_space<vmem>>
      %dma_wait3A_94 = arith.constant 0 : i32
      %dma_wait3A_95 = arith.constant 0 : i32
      %dma_wait3A_96 = tpu.memref_slice %arg2[%dma_wait3A_94, %dma_wait3A_95] : memref<10000x128xf32, #tpu.memory_space<hbm>> -> memref<10000x128xf32, #tpu.memory_space<hbm>>
      tpu.wait_indirect_dma semaphore(%arg16 : memref<!tpu.dma_semaphore, #tpu.memory_space<semaphore_mem>>) src(%dma_wait3A_96 : memref<10000x128xf32, #tpu.memory_space<hbm>>) dst(%arg9 : memref<100x128xf32, #tpu.memory_space<vmem>>)
      %dma_start3A_97 = arith.constant 0 : i32
      %dma_start3A_98 = arith.constant 0 : i32
      %dma_start3A_99 = tpu.memref_slice %arg8[%dma_start3A_97, %dma_start3A_98] : memref<25x100xi32, #tpu.memory_space<vmem>> -> memref<1x100xi32, #tpu.memory_space<vmem>>
      %dma_start3A_100 = tpu.memref_squeeze %dma_start3A_99 : memref<1x100xi32, #tpu.memory_space<vmem>> -> memref<100xi32, #tpu.memory_space<vmem>>
      %dma_start3A_101 = arith.constant 0 : i32
      %dma_start3A_102 = arith.constant 0 : i32
      %dma_start3A_103 = tpu.memref_slice %arg14[%dma_start3A_101, %dma_start3A_102] : memref<10000x128xf32, #tpu.memory_space<vmem_shared>> -> memref<10000x128xf32, #tpu.memory_space<vmem_shared>>
      tpu.enqueue_indirect_dma source(%arg9 : memref<100x128xf32, #tpu.memory_space<vmem>>) target(%dma_start3A_103 : memref<10000x128xf32, #tpu.memory_space<vmem_shared>>) offsets(%dma_start3A_100 : memref<100xi32, #tpu.memory_space<vmem>>) semaphore(%arg19 : memref<!tpu.dma_semaphore, #tpu.memory_space<semaphore_mem>>) {add = true}
      %dma_start3A_104 = arith.constant 0 : i32
      %dma_start3A_105 = arith.constant 0 : i32
      %dma_start3A_106 = tpu.memref_slice %arg12[%dma_start3A_105] : memref<128xf32, #tpu.memory_space<vmem>> -> memref<100xf32, #tpu.memory_space<vmem>>
      %dma_start3A_107 = arith.constant 0 : i32
      %dma_start3A_108 = tpu.memref_slice %arg8[%dma_start3A_104, %dma_start3A_107] : memref<25x100xi32, #tpu.memory_space<vmem>> -> memref<1x100xi32, #tpu.memory_space<vmem>>
      %dma_start3A_109 = tpu.memref_squeeze %dma_start3A_108 : memref<1x100xi32, #tpu.memory_space<vmem>> -> memref<100xi32, #tpu.memory_space<vmem>>
      %dma_start3A_110 = arith.constant 0 : i32
      %dma_start3A_111 = tpu.memref_slice %arg15[%dma_start3A_110] : memref<10000xf32, #tpu.memory_space<vmem_shared>> -> memref<10000xf32, #tpu.memory_space<vmem_shared>>
      tpu.enqueue_indirect_dma source(%dma_start3A_106 : memref<100xf32, #tpu.memory_space<vmem>>) target(%dma_start3A_111 : memref<10000xf32, #tpu.memory_space<vmem_shared>>) offsets(%dma_start3A_109 : memref<100xi32, #tpu.memory_space<vmem>>) semaphore(%arg22 : memref<!tpu.dma_semaphore, #tpu.memory_space<semaphore_mem>>) {add = true}
      %sub3A_112 = arith.constant 1 : i32
      %sub3A_113 = arith.constant 1 : i32
      %sub3A_114 = arith.subi %sub3A_112, %sub3A_113 : i32
      %dma_wait3A_115 = arith.constant 0 : i32
      %dma_wait3A_116 = tpu.memref_slice %arg8[%sub3A_114, %dma_wait3A_115] : memref<25x100xi32, #tpu.memory_space<vmem>> -> memref<1x100xi32, #tpu.memory_space<vmem>>
      %dma_wait3A_117 = tpu.memref_squeeze %dma_wait3A_116 : memref<1x100xi32, #tpu.memory_space<vmem>> -> memref<100xi32, #tpu.memory_space<vmem>>
      %dma_wait3A_118 = arith.constant 0 : i32
      %dma_wait3A_119 = arith.constant 0 : i32
      %dma_wait3A_120 = tpu.memref_slice %arg14[%dma_wait3A_118, %dma_wait3A_119] : memref<10000x128xf32, #tpu.memory_space<vmem_shared>> -> memref<10000x128xf32, #tpu.memory_space<vmem_shared>>
      tpu.wait_indirect_dma semaphore(%arg19 : memref<!tpu.dma_semaphore, #tpu.memory_space<semaphore_mem>>) src(%arg9 : memref<100x128xf32, #tpu.memory_space<vmem>>) dst(%dma_wait3A_120 : memref<10000x128xf32, #tpu.memory_space<vmem_shared>>)
      %dma_wait3A_121 = arith.constant 0 : i32
      %dma_wait3A_122 = tpu.memref_slice %arg12[%dma_wait3A_121] : memref<128xf32, #tpu.memory_space<vmem>> -> memref<100xf32, #tpu.memory_space<vmem>>
      %dma_wait3A_123 = arith.constant 0 : i32
      %dma_wait3A_124 = tpu.memref_slice %arg8[%sub3A_114, %dma_wait3A_123] : memref<25x100xi32, #tpu.memory_space<vmem>> -> memref<1x100xi32, #tpu.memory_space<vmem>>
      %dma_wait3A_125 = tpu.memref_squeeze %dma_wait3A_124 : memref<1x100xi32, #tpu.memory_space<vmem>> -> memref<100xi32, #tpu.memory_space<vmem>>
      %dma_wait3A_126 = arith.constant 0 : i32
      %dma_wait3A_127 = tpu.memref_slice %arg15[%dma_wait3A_126] : memref<10000xf32, #tpu.memory_space<vmem_shared>> -> memref<10000xf32, #tpu.memory_space<vmem_shared>>
      tpu.wait_indirect_dma semaphore(%arg22 : memref<!tpu.dma_semaphore, #tpu.memory_space<semaphore_mem>>) src(%dma_wait3A_122 : memref<100xf32, #tpu.memory_space<vmem>>) dst(%dma_wait3A_127 : memref<10000xf32, #tpu.memory_space<vmem_shared>>)
      %add3A = arith.constant 1 : i32
      %add3A_128 = arith.constant 2 : i32
      %add3A_129 = arith.addi %add3A, %add3A_128 : i32
      %dma_start3A_130 = arith.constant 0 : i32
      %dma_start3A_131 = tpu.memref_slice %arg7[%add3A_129, %dma_start3A_130] : memref<25x100xi32, #tpu.memory_space<vmem>> -> memref<1x100xi32, #tpu.memory_space<vmem>>
      %dma_start3A_132 = tpu.memref_squeeze %dma_start3A_131 : memref<1x100xi32, #tpu.memory_space<vmem>> -> memref<100xi32, #tpu.memory_space<vmem>>
      %dma_start3A_133 = arith.constant 0 : i32
      %dma_start3A_134 = arith.constant 0 : i32
      %dma_start3A_135 = tpu.memref_slice %arg2[%dma_start3A_133, %dma_start3A_134] : memref<10000x128xf32, #tpu.memory_space<hbm>> -> memref<10000x128xf32, #tpu.memory_space<hbm>>
      tpu.enqueue_indirect_dma source(%dma_start3A_135 : memref<10000x128xf32, #tpu.memory_space<hbm>>) target(%arg9 : memref<100x128xf32, #tpu.memory_space<vmem>>) offsets(%dma_start3A_132 : memref<100xi32, #tpu.memory_space<vmem>>) semaphore(%arg16 : memref<!tpu.dma_semaphore, #tpu.memory_space<semaphore_mem>>)
      %dma_wait3A_136 = arith.constant 1 : i32
      %dma_wait3A_137 = arith.constant 0 : i32
      %dma_wait3A_138 = tpu.memref_slice %arg7[%dma_wait3A_136, %dma_wait3A_137] : memref<25x100xi32, #tpu.memory_space<vmem>> -> memref<1x100xi32, #tpu.memory_space<vmem>>
      %dma_wait3A_139 = tpu.memref_squeeze %dma_wait3A_138 : memref<1x100xi32, #tpu.memory_space<vmem>> -> memref<100xi32, #tpu.memory_space<vmem>>
      %dma_wait3A_140 = arith.constant 0 : i32
      %dma_wait3A_141 = arith.constant 0 : i32
      %dma_wait3A_142 = tpu.memref_slice %arg2[%dma_wait3A_140, %dma_wait3A_141] : memref<10000x128xf32, #tpu.memory_space<hbm>> -> memref<10000x128xf32, #tpu.memory_space<hbm>>
      tpu.wait_indirect_dma semaphore(%arg17 : memref<!tpu.dma_semaphore, #tpu.memory_space<semaphore_mem>>) src(%dma_wait3A_142 : memref<10000x128xf32, #tpu.memory_space<hbm>>) dst(%arg10 : memref<100x128xf32, #tpu.memory_space<vmem>>)
      %dma_start3A_143 = arith.constant 1 : i32
      %dma_start3A_144 = arith.constant 0 : i32
      %dma_start3A_145 = tpu.memref_slice %arg8[%dma_start3A_143, %dma_start3A_144] : memref<25x100xi32, #tpu.memory_space<vmem>> -> memref<1x100xi32, #tpu.memory_space<vmem>>
      %dma_start3A_146 = tpu.memref_squeeze %dma_start3A_145 : memref<1x100xi32, #tpu.memory_space<vmem>> -> memref<100xi32, #tpu.memory_space<vmem>>
      %dma_start3A_147 = arith.constant 0 : i32
      %dma_start3A_148 = arith.constant 0 : i32
      %dma_start3A_149 = tpu.memref_slice %arg14[%dma_start3A_147, %dma_start3A_148] : memref<10000x128xf32, #tpu.memory_space<vmem_shared>> -> memref<10000x128xf32, #tpu.memory_space<vmem_shared>>
      tpu.enqueue_indirect_dma source(%arg10 : memref<100x128xf32, #tpu.memory_space<vmem>>) target(%dma_start3A_149 : memref<10000x128xf32, #tpu.memory_space<vmem_shared>>) offsets(%dma_start3A_146 : memref<100xi32, #tpu.memory_space<vmem>>) semaphore(%arg20 : memref<!tpu.dma_semaphore, #tpu.memory_space<semaphore_mem>>) {add = true}
      %dma_start3A_150 = arith.constant 1 : i32
      %dma_start3A_151 = arith.constant 0 : i32
      %dma_start3A_152 = tpu.memref_slice %arg12[%dma_start3A_151] : memref<128xf32, #tpu.memory_space<vmem>> -> memref<100xf32, #tpu.memory_space<vmem>>
      %dma_start3A_153 = arith.constant 0 : i32
      %dma_start3A_154 = tpu.memref_slice %arg8[%dma_start3A_150, %dma_start3A_153] : memref<25x100xi32, #tpu.memory_space<vmem>> -> memref<1x100xi32, #tpu.memory_space<vmem>>
      %dma_start3A_155 = tpu.memref_squeeze %dma_start3A_154 : memref<1x100xi32, #tpu.memory_space<vmem>> -> memref<100xi32, #tpu.memory_space<vmem>>
      %dma_start3A_156 = arith.constant 0 : i32
      %dma_start3A_157 = tpu.memref_slice %arg15[%dma_start3A_156] : memref<10000xf32, #tpu.memory_space<vmem_shared>> -> memref<10000xf32, #tpu.memory_space<vmem_shared>>
      tpu.enqueue_indirect_dma source(%dma_start3A_152 : memref<100xf32, #tpu.memory_space<vmem>>) target(%dma_start3A_157 : memref<10000xf32, #tpu.memory_space<vmem_shared>>) offsets(%dma_start3A_155 : memref<100xi32, #tpu.memory_space<vmem>>) semaphore(%arg23 : memref<!tpu.dma_semaphore, #tpu.memory_space<semaphore_mem>>) {add = true}
      %scan3A_158 = arith.constant 0 : i32
      %scan3A_159 = arith.constant 0 : i32
      %scan3A_160 = arith.constant 7 : i32
      %scan3A_161 = arith.addi %scan3A_159, %scan3A_160 : i32
      %scan3A_162 = arith.constant 1 : i32
      scf.for %scan3A_253 = %scan3A_159 to %scan3A_161 step %scan3A_162  : i32 {
        %mul3A = arith.constant 3 : i32
        %mul3A_254 = arith.muli %mul3A, %scan3A_253 : i32
        %add3A_255 = arith.constant 2 : i32
        %add3A_256 = arith.addi %mul3A_254, %add3A_255 : i32
        %sub3A_257 = arith.constant 1 : i32
        %sub3A_258 = arith.subi %add3A_256, %sub3A_257 : i32
        %dma_wait3A_259 = arith.constant 0 : i32
        %dma_wait3A_260 = tpu.memref_slice %arg8[%sub3A_258, %dma_wait3A_259] : memref<25x100xi32, #tpu.memory_space<vmem>> -> memref<1x100xi32, #tpu.memory_space<vmem>>
        %dma_wait3A_261 = tpu.memref_squeeze %dma_wait3A_260 : memref<1x100xi32, #tpu.memory_space<vmem>> -> memref<100xi32, #tpu.memory_space<vmem>>
        %dma_wait3A_262 = arith.constant 0 : i32
        %dma_wait3A_263 = arith.constant 0 : i32
        %dma_wait3A_264 = tpu.memref_slice %arg14[%dma_wait3A_262, %dma_wait3A_263] : memref<10000x128xf32, #tpu.memory_space<vmem_shared>> -> memref<10000x128xf32, #tpu.memory_space<vmem_shared>>
        tpu.wait_indirect_dma semaphore(%arg20 : memref<!tpu.dma_semaphore, #tpu.memory_space<semaphore_mem>>) src(%arg10 : memref<100x128xf32, #tpu.memory_space<vmem>>) dst(%dma_wait3A_264 : memref<10000x128xf32, #tpu.memory_space<vmem_shared>>)
        %dma_wait3A_265 = arith.constant 0 : i32
        %dma_wait3A_266 = tpu.memref_slice %arg12[%dma_wait3A_265] : memref<128xf32, #tpu.memory_space<vmem>> -> memref<100xf32, #tpu.memory_space<vmem>>
        %dma_wait3A_267 = arith.constant 0 : i32
        %dma_wait3A_268 = tpu.memref_slice %arg8[%sub3A_258, %dma_wait3A_267] : memref<25x100xi32, #tpu.memory_space<vmem>> -> memref<1x100xi32, #tpu.memory_space<vmem>>
        %dma_wait3A_269 = tpu.memref_squeeze %dma_wait3A_268 : memref<1x100xi32, #tpu.memory_space<vmem>> -> memref<100xi32, #tpu.memory_space<vmem>>
        %dma_wait3A_270 = arith.constant 0 : i32
        %dma_wait3A_271 = tpu.memref_slice %arg15[%dma_wait3A_270] : memref<10000xf32, #tpu.memory_space<vmem_shared>> -> memref<10000xf32, #tpu.memory_space<vmem_shared>>
        tpu.wait_indirect_dma semaphore(%arg23 : memref<!tpu.dma_semaphore, #tpu.memory_space<semaphore_mem>>) src(%dma_wait3A_266 : memref<100xf32, #tpu.memory_space<vmem>>) dst(%dma_wait3A_271 : memref<10000xf32, #tpu.memory_space<vmem_shared>>)
        %add3A_272 = arith.constant 2 : i32
        %add3A_273 = arith.addi %add3A_256, %add3A_272 : i32
        %dma_start3A_274 = arith.constant 0 : i32
        %dma_start3A_275 = tpu.memref_slice %arg7[%add3A_273, %dma_start3A_274] : memref<25x100xi32, #tpu.memory_space<vmem>> -> memref<1x100xi32, #tpu.memory_space<vmem>>
        %dma_start3A_276 = tpu.memref_squeeze %dma_start3A_275 : memref<1x100xi32, #tpu.memory_space<vmem>> -> memref<100xi32, #tpu.memory_space<vmem>>
        %dma_start3A_277 = arith.constant 0 : i32
        %dma_start3A_278 = arith.constant 0 : i32
        %dma_start3A_279 = tpu.memref_slice %arg2[%dma_start3A_277, %dma_start3A_278] : memref<10000x128xf32, #tpu.memory_space<hbm>> -> memref<10000x128xf32, #tpu.memory_space<hbm>>
        tpu.enqueue_indirect_dma source(%dma_start3A_279 : memref<10000x128xf32, #tpu.memory_space<hbm>>) target(%arg10 : memref<100x128xf32, #tpu.memory_space<vmem>>) offsets(%dma_start3A_276 : memref<100xi32, #tpu.memory_space<vmem>>) semaphore(%arg17 : memref<!tpu.dma_semaphore, #tpu.memory_space<semaphore_mem>>)
        %dma_wait3A_280 = arith.constant 0 : i32
        %dma_wait3A_281 = tpu.memref_slice %arg7[%add3A_256, %dma_wait3A_280] : memref<25x100xi32, #tpu.memory_space<vmem>> -> memref<1x100xi32, #tpu.memory_space<vmem>>
        %dma_wait3A_282 = tpu.memref_squeeze %dma_wait3A_281 : memref<1x100xi32, #tpu.memory_space<vmem>> -> memref<100xi32, #tpu.memory_space<vmem>>
        %dma_wait3A_283 = arith.constant 0 : i32
        %dma_wait3A_284 = arith.constant 0 : i32
        %dma_wait3A_285 = tpu.memref_slice %arg2[%dma_wait3A_283, %dma_wait3A_284] : memref<10000x128xf32, #tpu.memory_space<hbm>> -> memref<10000x128xf32, #tpu.memory_space<hbm>>
        tpu.wait_indirect_dma semaphore(%arg18 : memref<!tpu.dma_semaphore, #tpu.memory_space<semaphore_mem>>) src(%dma_wait3A_285 : memref<10000x128xf32, #tpu.memory_space<hbm>>) dst(%arg11 : memref<100x128xf32, #tpu.memory_space<vmem>>)
        %dma_start3A_286 = arith.constant 0 : i32
        %dma_start3A_287 = tpu.memref_slice %arg8[%add3A_256, %dma_start3A_286] : memref<25x100xi32, #tpu.memory_space<vmem>> -> memref<1x100xi32, #tpu.memory_space<vmem>>
        %dma_start3A_288 = tpu.memref_squeeze %dma_start3A_287 : memref<1x100xi32, #tpu.memory_space<vmem>> -> memref<100xi32, #tpu.memory_space<vmem>>
        %dma_start3A_289 = arith.constant 0 : i32
        %dma_start3A_290 = arith.constant 0 : i32
        %dma_start3A_291 = tpu.memref_slice %arg14[%dma_start3A_289, %dma_start3A_290] : memref<10000x128xf32, #tpu.memory_space<vmem_shared>> -> memref<10000x128xf32, #tpu.memory_space<vmem_shared>>
        tpu.enqueue_indirect_dma source(%arg11 : memref<100x128xf32, #tpu.memory_space<vmem>>) target(%dma_start3A_291 : memref<10000x128xf32, #tpu.memory_space<vmem_shared>>) offsets(%dma_start3A_288 : memref<100xi32, #tpu.memory_space<vmem>>) semaphore(%arg21 : memref<!tpu.dma_semaphore, #tpu.memory_space<semaphore_mem>>) {add = true}
        %dma_start3A_292 = arith.constant 0 : i32
        %dma_start3A_293 = tpu.memref_slice %arg12[%dma_start3A_292] : memref<128xf32, #tpu.memory_space<vmem>> -> memref<100xf32, #tpu.memory_space<vmem>>
        %dma_start3A_294 = arith.constant 0 : i32
        %dma_start3A_295 = tpu.memref_slice %arg8[%add3A_256, %dma_start3A_294] : memref<25x100xi32, #tpu.memory_space<vmem>> -> memref<1x100xi32, #tpu.memory_space<vmem>>
        %dma_start3A_296 = tpu.memref_squeeze %dma_start3A_295 : memref<1x100xi32, #tpu.memory_space<vmem>> -> memref<100xi32, #tpu.memory_space<vmem>>
        %dma_start3A_297 = arith.constant 0 : i32
        %dma_start3A_298 = tpu.memref_slice %arg15[%dma_start3A_297] : memref<10000xf32, #tpu.memory_space<vmem_shared>> -> memref<10000xf32, #tpu.memory_space<vmem_shared>>
        tpu.enqueue_indirect_dma source(%dma_start3A_293 : memref<100xf32, #tpu.memory_space<vmem>>) target(%dma_start3A_298 : memref<10000xf32, #tpu.memory_space<vmem_shared>>) offsets(%dma_start3A_296 : memref<100xi32, #tpu.memory_space<vmem>>) semaphore(%arg24 : memref<!tpu.dma_semaphore, #tpu.memory_space<semaphore_mem>>) {add = true}
        %add3A_299 = arith.constant 1 : i32
        %add3A_300 = arith.addi %add3A_256, %add3A_299 : i32
        %sub3A_301 = arith.constant 1 : i32
        %sub3A_302 = arith.subi %add3A_300, %sub3A_301 : i32
        %dma_wait3A_303 = arith.constant 0 : i32
        %dma_wait3A_304 = tpu.memref_slice %arg8[%sub3A_302, %dma_wait3A_303] : memref<25x100xi32, #tpu.memory_space<vmem>> -> memref<1x100xi32, #tpu.memory_space<vmem>>
        %dma_wait3A_305 = tpu.memref_squeeze %dma_wait3A_304 : memref<1x100xi32, #tpu.memory_space<vmem>> -> memref<100xi32, #tpu.memory_space<vmem>>
        %dma_wait3A_306 = arith.constant 0 : i32
        %dma_wait3A_307 = arith.constant 0 : i32
        %dma_wait3A_308 = tpu.memref_slice %arg14[%dma_wait3A_306, %dma_wait3A_307] : memref<10000x128xf32, #tpu.memory_space<vmem_shared>> -> memref<10000x128xf32, #tpu.memory_space<vmem_shared>>
        tpu.wait_indirect_dma semaphore(%arg21 : memref<!tpu.dma_semaphore, #tpu.memory_space<semaphore_mem>>) src(%arg11 : memref<100x128xf32, #tpu.memory_space<vmem>>) dst(%dma_wait3A_308 : memref<10000x128xf32, #tpu.memory_space<vmem_shared>>)
        %dma_wait3A_309 = arith.constant 0 : i32
        %dma_wait3A_310 = tpu.memref_slice %arg12[%dma_wait3A_309] : memref<128xf32, #tpu.memory_space<vmem>> -> memref<100xf32, #tpu.memory_space<vmem>>
        %dma_wait3A_311 = arith.constant 0 : i32
        %dma_wait3A_312 = tpu.memref_slice %arg8[%sub3A_302, %dma_wait3A_311] : memref<25x100xi32, #tpu.memory_space<vmem>> -> memref<1x100xi32, #tpu.memory_space<vmem>>
        %dma_wait3A_313 = tpu.memref_squeeze %dma_wait3A_312 : memref<1x100xi32, #tpu.memory_space<vmem>> -> memref<100xi32, #tpu.memory_space<vmem>>
        %dma_wait3A_314 = arith.constant 0 : i32
        %dma_wait3A_315 = tpu.memref_slice %arg15[%dma_wait3A_314] : memref<10000xf32, #tpu.memory_space<vmem_shared>> -> memref<10000xf32, #tpu.memory_space<vmem_shared>>
        tpu.wait_indirect_dma semaphore(%arg24 : memref<!tpu.dma_semaphore, #tpu.memory_space<semaphore_mem>>) src(%dma_wait3A_310 : memref<100xf32, #tpu.memory_space<vmem>>) dst(%dma_wait3A_315 : memref<10000xf32, #tpu.memory_space<vmem_shared>>)
        %add3A_316 = arith.constant 2 : i32
        %add3A_317 = arith.addi %add3A_300, %add3A_316 : i32
        %dma_start3A_318 = arith.constant 0 : i32
        %dma_start3A_319 = tpu.memref_slice %arg7[%add3A_317, %dma_start3A_318] : memref<25x100xi32, #tpu.memory_space<vmem>> -> memref<1x100xi32, #tpu.memory_space<vmem>>
        %dma_start3A_320 = tpu.memref_squeeze %dma_start3A_319 : memref<1x100xi32, #tpu.memory_space<vmem>> -> memref<100xi32, #tpu.memory_space<vmem>>
        %dma_start3A_321 = arith.constant 0 : i32
        %dma_start3A_322 = arith.constant 0 : i32
        %dma_start3A_323 = tpu.memref_slice %arg2[%dma_start3A_321, %dma_start3A_322] : memref<10000x128xf32, #tpu.memory_space<hbm>> -> memref<10000x128xf32, #tpu.memory_space<hbm>>
        tpu.enqueue_indirect_dma source(%dma_start3A_323 : memref<10000x128xf32, #tpu.memory_space<hbm>>) target(%arg11 : memref<100x128xf32, #tpu.memory_space<vmem>>) offsets(%dma_start3A_320 : memref<100xi32, #tpu.memory_space<vmem>>) semaphore(%arg18 : memref<!tpu.dma_semaphore, #tpu.memory_space<semaphore_mem>>)
        %dma_wait3A_324 = arith.constant 0 : i32
        %dma_wait3A_325 = tpu.memref_slice %arg7[%add3A_300, %dma_wait3A_324] : memref<25x100xi32, #tpu.memory_space<vmem>> -> memref<1x100xi32, #tpu.memory_space<vmem>>
        %dma_wait3A_326 = tpu.memref_squeeze %dma_wait3A_325 : memref<1x100xi32, #tpu.memory_space<vmem>> -> memref<100xi32, #tpu.memory_space<vmem>>
        %dma_wait3A_327 = arith.constant 0 : i32
        %dma_wait3A_328 = arith.constant 0 : i32
        %dma_wait3A_329 = tpu.memref_slice %arg2[%dma_wait3A_327, %dma_wait3A_328] : memref<10000x128xf32, #tpu.memory_space<hbm>> -> memref<10000x128xf32, #tpu.memory_space<hbm>>
        tpu.wait_indirect_dma semaphore(%arg16 : memref<!tpu.dma_semaphore, #tpu.memory_space<semaphore_mem>>) src(%dma_wait3A_329 : memref<10000x128xf32, #tpu.memory_space<hbm>>) dst(%arg9 : memref<100x128xf32, #tpu.memory_space<vmem>>)
        %dma_start3A_330 = arith.constant 0 : i32
        %dma_start3A_331 = tpu.memref_slice %arg8[%add3A_300, %dma_start3A_330] : memref<25x100xi32, #tpu.memory_space<vmem>> -> memref<1x100xi32, #tpu.memory_space<vmem>>
        %dma_start3A_332 = tpu.memref_squeeze %dma_start3A_331 : memref<1x100xi32, #tpu.memory_space<vmem>> -> memref<100xi32, #tpu.memory_space<vmem>>
        %dma_start3A_333 = arith.constant 0 : i32
        %dma_start3A_334 = arith.constant 0 : i32
        %dma_start3A_335 = tpu.memref_slice %arg14[%dma_start3A_333, %dma_start3A_334] : memref<10000x128xf32, #tpu.memory_space<vmem_shared>> -> memref<10000x128xf32, #tpu.memory_space<vmem_shared>>
        tpu.enqueue_indirect_dma source(%arg9 : memref<100x128xf32, #tpu.memory_space<vmem>>) target(%dma_start3A_335 : memref<10000x128xf32, #tpu.memory_space<vmem_shared>>) offsets(%dma_start3A_332 : memref<100xi32, #tpu.memory_space<vmem>>) semaphore(%arg19 : memref<!tpu.dma_semaphore, #tpu.memory_space<semaphore_mem>>) {add = true}
        %dma_start3A_336 = arith.constant 0 : i32
        %dma_start3A_337 = tpu.memref_slice %arg12[%dma_start3A_336] : memref<128xf32, #tpu.memory_space<vmem>> -> memref<100xf32, #tpu.memory_space<vmem>>
        %dma_start3A_338 = arith.constant 0 : i32
        %dma_start3A_339 = tpu.memref_slice %arg8[%add3A_300, %dma_start3A_338] : memref<25x100xi32, #tpu.memory_space<vmem>> -> memref<1x100xi32, #tpu.memory_space<vmem>>
        %dma_start3A_340 = tpu.memref_squeeze %dma_start3A_339 : memref<1x100xi32, #tpu.memory_space<vmem>> -> memref<100xi32, #tpu.memory_space<vmem>>
        %dma_start3A_341 = arith.constant 0 : i32
        %dma_start3A_342 = tpu.memref_slice %arg15[%dma_start3A_341] : memref<10000xf32, #tpu.memory_space<vmem_shared>> -> memref<10000xf32, #tpu.memory_space<vmem_shared>>
        tpu.enqueue_indirect_dma source(%dma_start3A_337 : memref<100xf32, #tpu.memory_space<vmem>>) target(%dma_start3A_342 : memref<10000xf32, #tpu.memory_space<vmem_shared>>) offsets(%dma_start3A_340 : memref<100xi32, #tpu.memory_space<vmem>>) semaphore(%arg22 : memref<!tpu.dma_semaphore, #tpu.memory_space<semaphore_mem>>) {add = true}
        %add3A_343 = arith.constant 2 : i32
        %add3A_344 = arith.addi %add3A_256, %add3A_343 : i32
        %sub3A_345 = arith.constant 1 : i32
        %sub3A_346 = arith.subi %add3A_344, %sub3A_345 : i32
        %dma_wait3A_347 = arith.constant 0 : i32
        %dma_wait3A_348 = tpu.memref_slice %arg8[%sub3A_346, %dma_wait3A_347] : memref<25x100xi32, #tpu.memory_space<vmem>> -> memref<1x100xi32, #tpu.memory_space<vmem>>
        %dma_wait3A_349 = tpu.memref_squeeze %dma_wait3A_348 : memref<1x100xi32, #tpu.memory_space<vmem>> -> memref<100xi32, #tpu.memory_space<vmem>>
        %dma_wait3A_350 = arith.constant 0 : i32
        %dma_wait3A_351 = arith.constant 0 : i32
        %dma_wait3A_352 = tpu.memref_slice %arg14[%dma_wait3A_350, %dma_wait3A_351] : memref<10000x128xf32, #tpu.memory_space<vmem_shared>> -> memref<10000x128xf32, #tpu.memory_space<vmem_shared>>
        tpu.wait_indirect_dma semaphore(%arg19 : memref<!tpu.dma_semaphore, #tpu.memory_space<semaphore_mem>>) src(%arg9 : memref<100x128xf32, #tpu.memory_space<vmem>>) dst(%dma_wait3A_352 : memref<10000x128xf32, #tpu.memory_space<vmem_shared>>)
        %dma_wait3A_353 = arith.constant 0 : i32
        %dma_wait3A_354 = tpu.memref_slice %arg12[%dma_wait3A_353] : memref<128xf32, #tpu.memory_space<vmem>> -> memref<100xf32, #tpu.memory_space<vmem>>
        %dma_wait3A_355 = arith.constant 0 : i32
        %dma_wait3A_356 = tpu.memref_slice %arg8[%sub3A_346, %dma_wait3A_355] : memref<25x100xi32, #tpu.memory_space<vmem>> -> memref<1x100xi32, #tpu.memory_space<vmem>>
        %dma_wait3A_357 = tpu.memref_squeeze %dma_wait3A_356 : memref<1x100xi32, #tpu.memory_space<vmem>> -> memref<100xi32, #tpu.memory_space<vmem>>
        %dma_wait3A_358 = arith.constant 0 : i32
        %dma_wait3A_359 = tpu.memref_slice %arg15[%dma_wait3A_358] : memref<10000xf32, #tpu.memory_space<vmem_shared>> -> memref<10000xf32, #tpu.memory_space<vmem_shared>>
        tpu.wait_indirect_dma semaphore(%arg22 : memref<!tpu.dma_semaphore, #tpu.memory_space<semaphore_mem>>) src(%dma_wait3A_354 : memref<100xf32, #tpu.memory_space<vmem>>) dst(%dma_wait3A_359 : memref<10000xf32, #tpu.memory_space<vmem_shared>>)
        %add3A_360 = arith.constant 2 : i32
        %add3A_361 = arith.addi %add3A_344, %add3A_360 : i32
        %dma_start3A_362 = arith.constant 0 : i32
        %dma_start3A_363 = tpu.memref_slice %arg7[%add3A_361, %dma_start3A_362] : memref<25x100xi32, #tpu.memory_space<vmem>> -> memref<1x100xi32, #tpu.memory_space<vmem>>
        %dma_start3A_364 = tpu.memref_squeeze %dma_start3A_363 : memref<1x100xi32, #tpu.memory_space<vmem>> -> memref<100xi32, #tpu.memory_space<vmem>>
        %dma_start3A_365 = arith.constant 0 : i32
        %dma_start3A_366 = arith.constant 0 : i32
        %dma_start3A_367 = tpu.memref_slice %arg2[%dma_start3A_365, %dma_start3A_366] : memref<10000x128xf32, #tpu.memory_space<hbm>> -> memref<10000x128xf32, #tpu.memory_space<hbm>>
        tpu.enqueue_indirect_dma source(%dma_start3A_367 : memref<10000x128xf32, #tpu.memory_space<hbm>>) target(%arg9 : memref<100x128xf32, #tpu.memory_space<vmem>>) offsets(%dma_start3A_364 : memref<100xi32, #tpu.memory_space<vmem>>) semaphore(%arg16 : memref<!tpu.dma_semaphore, #tpu.memory_space<semaphore_mem>>)
        %dma_wait3A_368 = arith.constant 0 : i32
        %dma_wait3A_369 = tpu.memref_slice %arg7[%add3A_344, %dma_wait3A_368] : memref<25x100xi32, #tpu.memory_space<vmem>> -> memref<1x100xi32, #tpu.memory_space<vmem>>
        %dma_wait3A_370 = tpu.memref_squeeze %dma_wait3A_369 : memref<1x100xi32, #tpu.memory_space<vmem>> -> memref<100xi32, #tpu.memory_space<vmem>>
        %dma_wait3A_371 = arith.constant 0 : i32
        %dma_wait3A_372 = arith.constant 0 : i32
        %dma_wait3A_373 = tpu.memref_slice %arg2[%dma_wait3A_371, %dma_wait3A_372] : memref<10000x128xf32, #tpu.memory_space<hbm>> -> memref<10000x128xf32, #tpu.memory_space<hbm>>
        tpu.wait_indirect_dma semaphore(%arg17 : memref<!tpu.dma_semaphore, #tpu.memory_space<semaphore_mem>>) src(%dma_wait3A_373 : memref<10000x128xf32, #tpu.memory_space<hbm>>) dst(%arg10 : memref<100x128xf32, #tpu.memory_space<vmem>>)
        %dma_start3A_374 = arith.constant 0 : i32
        %dma_start3A_375 = tpu.memref_slice %arg8[%add3A_344, %dma_start3A_374] : memref<25x100xi32, #tpu.memory_space<vmem>> -> memref<1x100xi32, #tpu.memory_space<vmem>>
        %dma_start3A_376 = tpu.memref_squeeze %dma_start3A_375 : memref<1x100xi32, #tpu.memory_space<vmem>> -> memref<100xi32, #tpu.memory_space<vmem>>
        %dma_start3A_377 = arith.constant 0 : i32
        %dma_start3A_378 = arith.constant 0 : i32
        %dma_start3A_379 = tpu.memref_slice %arg14[%dma_start3A_377, %dma_start3A_378] : memref<10000x128xf32, #tpu.memory_space<vmem_shared>> -> memref<10000x128xf32, #tpu.memory_space<vmem_shared>>
        tpu.enqueue_indirect_dma source(%arg10 : memref<100x128xf32, #tpu.memory_space<vmem>>) target(%dma_start3A_379 : memref<10000x128xf32, #tpu.memory_space<vmem_shared>>) offsets(%dma_start3A_376 : memref<100xi32, #tpu.memory_space<vmem>>) semaphore(%arg20 : memref<!tpu.dma_semaphore, #tpu.memory_space<semaphore_mem>>) {add = true}
        %dma_start3A_380 = arith.constant 0 : i32
        %dma_start3A_381 = tpu.memref_slice %arg12[%dma_start3A_380] : memref<128xf32, #tpu.memory_space<vmem>> -> memref<100xf32, #tpu.memory_space<vmem>>
        %dma_start3A_382 = arith.constant 0 : i32
        %dma_start3A_383 = tpu.memref_slice %arg8[%add3A_344, %dma_start3A_382] : memref<25x100xi32, #tpu.memory_space<vmem>> -> memref<1x100xi32, #tpu.memory_space<vmem>>
        %dma_start3A_384 = tpu.memref_squeeze %dma_start3A_383 : memref<1x100xi32, #tpu.memory_space<vmem>> -> memref<100xi32, #tpu.memory_space<vmem>>
        %dma_start3A_385 = arith.constant 0 : i32
        %dma_start3A_386 = tpu.memref_slice %arg15[%dma_start3A_385] : memref<10000xf32, #tpu.memory_space<vmem_shared>> -> memref<10000xf32, #tpu.memory_space<vmem_shared>>
        tpu.enqueue_indirect_dma source(%dma_start3A_381 : memref<100xf32, #tpu.memory_space<vmem>>) target(%dma_start3A_386 : memref<10000xf32, #tpu.memory_space<vmem_shared>>) offsets(%dma_start3A_384 : memref<100xi32, #tpu.memory_space<vmem>>) semaphore(%arg23 : memref<!tpu.dma_semaphore, #tpu.memory_space<semaphore_mem>>) {add = true}
      }
      %scan3A_163 = arith.constant 7 : i32
      %dma_wait3A_164 = arith.constant 23 : i32
      %dma_wait3A_165 = arith.constant 0 : i32
      %dma_wait3A_166 = tpu.memref_slice %arg7[%dma_wait3A_164, %dma_wait3A_165] : memref<25x100xi32, #tpu.memory_space<vmem>> -> memref<1x100xi32, #tpu.memory_space<vmem>>
      %dma_wait3A_167 = tpu.memref_squeeze %dma_wait3A_166 : memref<1x100xi32, #tpu.memory_space<vmem>> -> memref<100xi32, #tpu.memory_space<vmem>>
      %dma_wait3A_168 = arith.constant 0 : i32
      %dma_wait3A_169 = arith.constant 0 : i32
      %dma_wait3A_170 = tpu.memref_slice %arg2[%dma_wait3A_168, %dma_wait3A_169] : memref<10000x128xf32, #tpu.memory_space<hbm>> -> memref<10000x128xf32, #tpu.memory_space<hbm>>
      tpu.wait_indirect_dma semaphore(%arg18 : memref<!tpu.dma_semaphore, #tpu.memory_space<semaphore_mem>>) src(%dma_wait3A_170 : memref<10000x128xf32, #tpu.memory_space<hbm>>) dst(%arg11 : memref<100x128xf32, #tpu.memory_space<vmem>>)
      %dma_start3A_171 = arith.constant 23 : i32
      %dma_start3A_172 = arith.constant 0 : i32
      %dma_start3A_173 = tpu.memref_slice %arg8[%dma_start3A_171, %dma_start3A_172] : memref<25x100xi32, #tpu.memory_space<vmem>> -> memref<1x100xi32, #tpu.memory_space<vmem>>
      %dma_start3A_174 = tpu.memref_squeeze %dma_start3A_173 : memref<1x100xi32, #tpu.memory_space<vmem>> -> memref<100xi32, #tpu.memory_space<vmem>>
      %dma_start3A_175 = arith.constant 0 : i32
      %dma_start3A_176 = arith.constant 0 : i32
      %dma_start3A_177 = tpu.memref_slice %arg14[%dma_start3A_175, %dma_start3A_176] : memref<10000x128xf32, #tpu.memory_space<vmem_shared>> -> memref<10000x128xf32, #tpu.memory_space<vmem_shared>>
      tpu.enqueue_indirect_dma source(%arg11 : memref<100x128xf32, #tpu.memory_space<vmem>>) target(%dma_start3A_177 : memref<10000x128xf32, #tpu.memory_space<vmem_shared>>) offsets(%dma_start3A_174 : memref<100xi32, #tpu.memory_space<vmem>>) semaphore(%arg21 : memref<!tpu.dma_semaphore, #tpu.memory_space<semaphore_mem>>) {add = true}
      %dma_start3A_178 = arith.constant 23 : i32
      %dma_start3A_179 = arith.constant 0 : i32
      %dma_start3A_180 = tpu.memref_slice %arg12[%dma_start3A_179] : memref<128xf32, #tpu.memory_space<vmem>> -> memref<100xf32, #tpu.memory_space<vmem>>
      %dma_start3A_181 = arith.constant 0 : i32
      %dma_start3A_182 = tpu.memref_slice %arg8[%dma_start3A_178, %dma_start3A_181] : memref<25x100xi32, #tpu.memory_space<vmem>> -> memref<1x100xi32, #tpu.memory_space<vmem>>
      %dma_start3A_183 = tpu.memref_squeeze %dma_start3A_182 : memref<1x100xi32, #tpu.memory_space<vmem>> -> memref<100xi32, #tpu.memory_space<vmem>>
      %dma_start3A_184 = arith.constant 0 : i32
      %dma_start3A_185 = tpu.memref_slice %arg15[%dma_start3A_184] : memref<10000xf32, #tpu.memory_space<vmem_shared>> -> memref<10000xf32, #tpu.memory_space<vmem_shared>>
      tpu.enqueue_indirect_dma source(%dma_start3A_180 : memref<100xf32, #tpu.memory_space<vmem>>) target(%dma_start3A_185 : memref<10000xf32, #tpu.memory_space<vmem_shared>>) offsets(%dma_start3A_183 : memref<100xi32, #tpu.memory_space<vmem>>) semaphore(%arg24 : memref<!tpu.dma_semaphore, #tpu.memory_space<semaphore_mem>>) {add = true}
      %dma_wait3A_186 = arith.constant 24 : i32
      %dma_wait3A_187 = arith.constant 0 : i32
      %dma_wait3A_188 = tpu.memref_slice %arg7[%dma_wait3A_186, %dma_wait3A_187] : memref<25x100xi32, #tpu.memory_space<vmem>> -> memref<1x100xi32, #tpu.memory_space<vmem>>
      %dma_wait3A_189 = tpu.memref_squeeze %dma_wait3A_188 : memref<1x100xi32, #tpu.memory_space<vmem>> -> memref<100xi32, #tpu.memory_space<vmem>>
      %dma_wait3A_190 = arith.constant 0 : i32
      %dma_wait3A_191 = arith.constant 0 : i32
      %dma_wait3A_192 = tpu.memref_slice %arg2[%dma_wait3A_190, %dma_wait3A_191] : memref<10000x128xf32, #tpu.memory_space<hbm>> -> memref<10000x128xf32, #tpu.memory_space<hbm>>
      tpu.wait_indirect_dma semaphore(%arg16 : memref<!tpu.dma_semaphore, #tpu.memory_space<semaphore_mem>>) src(%dma_wait3A_192 : memref<10000x128xf32, #tpu.memory_space<hbm>>) dst(%arg9 : memref<100x128xf32, #tpu.memory_space<vmem>>)
      %dma_start3A_193 = arith.constant 24 : i32
      %dma_start3A_194 = arith.constant 0 : i32
      %dma_start3A_195 = tpu.memref_slice %arg8[%dma_start3A_193, %dma_start3A_194] : memref<25x100xi32, #tpu.memory_space<vmem>> -> memref<1x100xi32, #tpu.memory_space<vmem>>
      %dma_start3A_196 = tpu.memref_squeeze %dma_start3A_195 : memref<1x100xi32, #tpu.memory_space<vmem>> -> memref<100xi32, #tpu.memory_space<vmem>>
      %dma_start3A_197 = arith.constant 0 : i32
      %dma_start3A_198 = arith.constant 0 : i32
      %dma_start3A_199 = tpu.memref_slice %arg14[%dma_start3A_197, %dma_start3A_198] : memref<10000x128xf32, #tpu.memory_space<vmem_shared>> -> memref<10000x128xf32, #tpu.memory_space<vmem_shared>>
      tpu.enqueue_indirect_dma source(%arg9 : memref<100x128xf32, #tpu.memory_space<vmem>>) target(%dma_start3A_199 : memref<10000x128xf32, #tpu.memory_space<vmem_shared>>) offsets(%dma_start3A_196 : memref<100xi32, #tpu.memory_space<vmem>>) semaphore(%arg19 : memref<!tpu.dma_semaphore, #tpu.memory_space<semaphore_mem>>) {add = true}
      %dma_start3A_200 = arith.constant 24 : i32
      %dma_start3A_201 = arith.constant 0 : i32
      %dma_start3A_202 = tpu.memref_slice %arg12[%dma_start3A_201] : memref<128xf32, #tpu.memory_space<vmem>> -> memref<100xf32, #tpu.memory_space<vmem>>
      %dma_start3A_203 = arith.constant 0 : i32
      %dma_start3A_204 = tpu.memref_slice %arg8[%dma_start3A_200, %dma_start3A_203] : memref<25x100xi32, #tpu.memory_space<vmem>> -> memref<1x100xi32, #tpu.memory_space<vmem>>
      %dma_start3A_205 = tpu.memref_squeeze %dma_start3A_204 : memref<1x100xi32, #tpu.memory_space<vmem>> -> memref<100xi32, #tpu.memory_space<vmem>>
      %dma_start3A_206 = arith.constant 0 : i32
      %dma_start3A_207 = tpu.memref_slice %arg15[%dma_start3A_206] : memref<10000xf32, #tpu.memory_space<vmem_shared>> -> memref<10000xf32, #tpu.memory_space<vmem_shared>>
      tpu.enqueue_indirect_dma source(%dma_start3A_202 : memref<100xf32, #tpu.memory_space<vmem>>) target(%dma_start3A_207 : memref<10000xf32, #tpu.memory_space<vmem_shared>>) offsets(%dma_start3A_205 : memref<100xi32, #tpu.memory_space<vmem>>) semaphore(%arg22 : memref<!tpu.dma_semaphore, #tpu.memory_space<semaphore_mem>>) {add = true}
      %dma_wait3A_208 = arith.constant 22 : i32
      %dma_wait3A_209 = arith.constant 0 : i32
      %dma_wait3A_210 = tpu.memref_slice %arg8[%dma_wait3A_208, %dma_wait3A_209] : memref<25x100xi32, #tpu.memory_space<vmem>> -> memref<1x100xi32, #tpu.memory_space<vmem>>
      %dma_wait3A_211 = tpu.memref_squeeze %dma_wait3A_210 : memref<1x100xi32, #tpu.memory_space<vmem>> -> memref<100xi32, #tpu.memory_space<vmem>>
      %dma_wait3A_212 = arith.constant 0 : i32
      %dma_wait3A_213 = arith.constant 0 : i32
      %dma_wait3A_214 = tpu.memref_slice %arg14[%dma_wait3A_212, %dma_wait3A_213] : memref<10000x128xf32, #tpu.memory_space<vmem_shared>> -> memref<10000x128xf32, #tpu.memory_space<vmem_shared>>
      tpu.wait_indirect_dma semaphore(%arg20 : memref<!tpu.dma_semaphore, #tpu.memory_space<semaphore_mem>>) src(%arg10 : memref<100x128xf32, #tpu.memory_space<vmem>>) dst(%dma_wait3A_214 : memref<10000x128xf32, #tpu.memory_space<vmem_shared>>)
      %dma_wait3A_215 = arith.constant 22 : i32
      %dma_wait3A_216 = arith.constant 0 : i32
      %dma_wait3A_217 = tpu.memref_slice %arg12[%dma_wait3A_216] : memref<128xf32, #tpu.memory_space<vmem>> -> memref<100xf32, #tpu.memory_space<vmem>>
      %dma_wait3A_218 = arith.constant 0 : i32
      %dma_wait3A_219 = tpu.memref_slice %arg8[%dma_wait3A_215, %dma_wait3A_218] : memref<25x100xi32, #tpu.memory_space<vmem>> -> memref<1x100xi32, #tpu.memory_space<vmem>>
      %dma_wait3A_220 = tpu.memref_squeeze %dma_wait3A_219 : memref<1x100xi32, #tpu.memory_space<vmem>> -> memref<100xi32, #tpu.memory_space<vmem>>
      %dma_wait3A_221 = arith.constant 0 : i32
      %dma_wait3A_222 = tpu.memref_slice %arg15[%dma_wait3A_221] : memref<10000xf32, #tpu.memory_space<vmem_shared>> -> memref<10000xf32, #tpu.memory_space<vmem_shared>>
      tpu.wait_indirect_dma semaphore(%arg23 : memref<!tpu.dma_semaphore, #tpu.memory_space<semaphore_mem>>) src(%dma_wait3A_217 : memref<100xf32, #tpu.memory_space<vmem>>) dst(%dma_wait3A_222 : memref<10000xf32, #tpu.memory_space<vmem_shared>>)
      %dma_wait3A_223 = arith.constant 23 : i32
      %dma_wait3A_224 = arith.constant 0 : i32
      %dma_wait3A_225 = tpu.memref_slice %arg8[%dma_wait3A_223, %dma_wait3A_224] : memref<25x100xi32, #tpu.memory_space<vmem>> -> memref<1x100xi32, #tpu.memory_space<vmem>>
      %dma_wait3A_226 = tpu.memref_squeeze %dma_wait3A_225 : memref<1x100xi32, #tpu.memory_space<vmem>> -> memref<100xi32, #tpu.memory_space<vmem>>
      %dma_wait3A_227 = arith.constant 0 : i32
      %dma_wait3A_228 = arith.constant 0 : i32
      %dma_wait3A_229 = tpu.memref_slice %arg14[%dma_wait3A_227, %dma_wait3A_228] : memref<10000x128xf32, #tpu.memory_space<vmem_shared>> -> memref<10000x128xf32, #tpu.memory_space<vmem_shared>>
      tpu.wait_indirect_dma semaphore(%arg21 : memref<!tpu.dma_semaphore, #tpu.memory_space<semaphore_mem>>) src(%arg11 : memref<100x128xf32, #tpu.memory_space<vmem>>) dst(%dma_wait3A_229 : memref<10000x128xf32, #tpu.memory_space<vmem_shared>>)
      %dma_wait3A_230 = arith.constant 23 : i32
      %dma_wait3A_231 = arith.constant 0 : i32
      %dma_wait3A_232 = tpu.memref_slice %arg12[%dma_wait3A_231] : memref<128xf32, #tpu.memory_space<vmem>> -> memref<100xf32, #tpu.memory_space<vmem>>
      %dma_wait3A_233 = arith.constant 0 : i32
      %dma_wait3A_234 = tpu.memref_slice %arg8[%dma_wait3A_230, %dma_wait3A_233] : memref<25x100xi32, #tpu.memory_space<vmem>> -> memref<1x100xi32, #tpu.memory_space<vmem>>
      %dma_wait3A_235 = tpu.memref_squeeze %dma_wait3A_234 : memref<1x100xi32, #tpu.memory_space<vmem>> -> memref<100xi32, #tpu.memory_space<vmem>>
      %dma_wait3A_236 = arith.constant 0 : i32
      %dma_wait3A_237 = tpu.memref_slice %arg15[%dma_wait3A_236] : memref<10000xf32, #tpu.memory_space<vmem_shared>> -> memref<10000xf32, #tpu.memory_space<vmem_shared>>
      tpu.wait_indirect_dma semaphore(%arg24 : memref<!tpu.dma_semaphore, #tpu.memory_space<semaphore_mem>>) src(%dma_wait3A_232 : memref<100xf32, #tpu.memory_space<vmem>>) dst(%dma_wait3A_237 : memref<10000xf32, #tpu.memory_space<vmem_shared>>)
      %dma_wait3A_238 = arith.constant 24 : i32
      %dma_wait3A_239 = arith.constant 0 : i32
      %dma_wait3A_240 = tpu.memref_slice %arg8[%dma_wait3A_238, %dma_wait3A_239] : memref<25x100xi32, #tpu.memory_space<vmem>> -> memref<1x100xi32, #tpu.memory_space<vmem>>
      %dma_wait3A_241 = tpu.memref_squeeze %dma_wait3A_240 : memref<1x100xi32, #tpu.memory_space<vmem>> -> memref<100xi32, #tpu.memory_space<vmem>>
      %dma_wait3A_242 = arith.constant 0 : i32
      %dma_wait3A_243 = arith.constant 0 : i32
      %dma_wait3A_244 = tpu.memref_slice %arg14[%dma_wait3A_242, %dma_wait3A_243] : memref<10000x128xf32, #tpu.memory_space<vmem_shared>> -> memref<10000x128xf32, #tpu.memory_space<vmem_shared>>
      tpu.wait_indirect_dma semaphore(%arg19 : memref<!tpu.dma_semaphore, #tpu.memory_space<semaphore_mem>>) src(%arg9 : memref<100x128xf32, #tpu.memory_space<vmem>>) dst(%dma_wait3A_244 : memref<10000x128xf32, #tpu.memory_space<vmem_shared>>)
      %dma_wait3A_245 = arith.constant 24 : i32
      %dma_wait3A_246 = arith.constant 0 : i32
      %dma_wait3A_247 = tpu.memref_slice %arg12[%dma_wait3A_246] : memref<128xf32, #tpu.memory_space<vmem>> -> memref<100xf32, #tpu.memory_space<vmem>>
      %dma_wait3A_248 = arith.constant 0 : i32
      %dma_wait3A_249 = tpu.memref_slice %arg8[%dma_wait3A_245, %dma_wait3A_248] : memref<25x100xi32, #tpu.memory_space<vmem>> -> memref<1x100xi32, #tpu.memory_space<vmem>>
      %dma_wait3A_250 = tpu.memref_squeeze %dma_wait3A_249 : memref<1x100xi32, #tpu.memory_space<vmem>> -> memref<100xi32, #tpu.memory_space<vmem>>
      %dma_wait3A_251 = arith.constant 0 : i32
      %dma_wait3A_252 = tpu.memref_slice %arg15[%dma_wait3A_251] : memref<10000xf32, #tpu.memory_space<vmem_shared>> -> memref<10000xf32, #tpu.memory_space<vmem_shared>>
      tpu.wait_indirect_dma semaphore(%arg22 : memref<!tpu.dma_semaphore, #tpu.memory_space<semaphore_mem>>) src(%dma_wait3A_247 : memref<100xf32, #tpu.memory_space<vmem>>) dst(%dma_wait3A_252 : memref<10000xf32, #tpu.memory_space<vmem_shared>>)
    }
    %scan3A_58 = arith.constant 8 : i32
    %barrier3A_59 = arith.constant 0 : index
    tpu.barrier barrier_id(%barrier3A_59)
    %lt3A_60 = arith.constant 10 : i32
    %lt3A_61 = arith.cmpi slt, %arg1, %lt3A_60 : i32
    %convert_element_type3A_62 = arith.extui %lt3A_61 : i1 to i32
    %cond3A_63 = arith.constant 0 : i32
    %cond3A_64 = arith.cmpi ne, %convert_element_type3A_62, %cond3A_63 : i32
    scf.if %cond3A_64 {
      %mul3A = arith.constant 1000 : i32
      %mul3A_70 = arith.muli %arg1, %mul3A : i32
      %add3A = arith.constant 0 : i32
      %add3A_71 = arith.addi %mul3A_70, %add3A : i32
      "tpu.region"() ({
        %run_scoped3A = tpu.sem_alloc : memref<!tpu.dma_semaphore, #tpu.memory_space<semaphore_mem>>
        %dma_start3A_407 = arith.constant 0 : i32
        %dma_start3A_408 = arith.constant 0 : i32
        %dma_start3A_409 = tpu.memref_slice %arg9[%dma_start3A_407, %dma_start3A_408] : memref<100x128xf32, #tpu.memory_space<vmem>> -> memref<96x128xf32, #tpu.memory_space<vmem>>
        %dma_start3A_410 = arith.constant 0 : i32
        %dma_start3A_411 = tpu.memref_slice %arg14[%add3A_71, %dma_start3A_410] : memref<10000x128xf32, #tpu.memory_space<vmem_shared>> -> memref<96x128xf32, #tpu.memory_space<vmem_shared>>
        %dma_start3A_412 = arith.constant 0 : i32
        %dma_start3A_413 = arith.constant 0 : i32
        %dma_start3A_414 = tpu.memref_slice %arg9[%dma_start3A_412, %dma_start3A_413] : memref<100x128xf32, #tpu.memory_space<vmem>> -> memref<96x128xf32, #tpu.memory_space<vmem>>
        %dma_start3A_415 = arith.constant 0 : i32
        %dma_start3A_416 = tpu.memref_slice %arg14[%add3A_71, %dma_start3A_415] : memref<10000x128xf32, #tpu.memory_space<vmem_shared>> -> memref<96x128xf32, #tpu.memory_space<vmem_shared>>
        tpu.enqueue_dma source(%dma_start3A_416 : memref<96x128xf32, #tpu.memory_space<vmem_shared>>) target(%dma_start3A_414 : memref<96x128xf32, #tpu.memory_space<vmem>>) target_semaphore(%run_scoped3A : memref<!tpu.dma_semaphore, #tpu.memory_space<semaphore_mem>>)
        %dma_wait3A_417 = arith.constant 0 : i32
        %dma_wait3A_418 = arith.constant 0 : i32
        %dma_wait3A_419 = tpu.memref_slice %arg9[%dma_wait3A_417, %dma_wait3A_418] : memref<100x128xf32, #tpu.memory_space<vmem>> -> memref<96x128xf32, #tpu.memory_space<vmem>>
        %dma_wait3A_420 = arith.constant 0 : i32
        %dma_wait3A_421 = tpu.memref_slice %arg14[%add3A_71, %dma_wait3A_420] : memref<10000x128xf32, #tpu.memory_space<vmem_shared>> -> memref<96x128xf32, #tpu.memory_space<vmem_shared>>
        %dma_wait3A_422 = arith.constant 0 : i32
        %dma_wait3A_423 = arith.constant 0 : i32
        %dma_wait3A_424 = tpu.memref_slice %arg9[%dma_wait3A_422, %dma_wait3A_423] : memref<100x128xf32, #tpu.memory_space<vmem>> -> memref<96x128xf32, #tpu.memory_space<vmem>>
        %dma_wait3A_425 = arith.constant 0 : i32
        %dma_wait3A_426 = tpu.memref_slice %arg14[%add3A_71, %dma_wait3A_425] : memref<10000x128xf32, #tpu.memory_space<vmem_shared>> -> memref<96x128xf32, #tpu.memory_space<vmem_shared>>
        tpu.wait_dma2 semaphore(%run_scoped3A : memref<!tpu.dma_semaphore, #tpu.memory_space<semaphore_mem>>) src(%dma_wait3A_426 : memref<96x128xf32, #tpu.memory_space<vmem_shared>>) dst(%dma_wait3A_424 : memref<96x128xf32, #tpu.memory_space<vmem>>)
        tpu.yield
      }) : () -> ()
      %dma_start3A = arith.constant 0 : i32
      %dma_start3A_72 = arith.constant 0 : i32
      %dma_start3A_73 = tpu.memref_slice %arg9[%dma_start3A, %dma_start3A_72] : memref<100x128xf32, #tpu.memory_space<vmem>> -> memref<96x128xf32, #tpu.memory_space<vmem>>
      %dma_start3A_74 = arith.constant 0 : i32
      %dma_start3A_75 = tpu.memref_slice %arg4[%arg0, %add3A_71, %dma_start3A_74] : memref<2x10000x128xf32, #tpu.memory_space<hbm>> -> memref<1x96x128xf32, #tpu.memory_space<hbm>>
      %dma_start3A_76 = tpu.memref_squeeze %dma_start3A_75 : memref<1x96x128xf32, #tpu.memory_space<hbm>> -> memref<96x128xf32, #tpu.memory_space<hbm>>
      %dma_start3A_77 = arith.constant 0 : i32
      %dma_start3A_78 = tpu.memref_slice %arg4[%arg0, %add3A_71, %dma_start3A_77] : memref<2x10000x128xf32, #tpu.memory_space<hbm>> -> memref<1x96x128xf32, #tpu.memory_space<hbm>>
      %dma_start3A_79 = tpu.memref_squeeze %dma_start3A_78 : memref<1x96x128xf32, #tpu.memory_space<hbm>> -> memref<96x128xf32, #tpu.memory_space<hbm>>
      %dma_start3A_80 = arith.constant 0 : i32
      %dma_start3A_81 = arith.constant 0 : i32
      %dma_start3A_82 = tpu.memref_slice %arg9[%dma_start3A_80, %dma_start3A_81] : memref<100x128xf32, #tpu.memory_space<vmem>> -> memref<96x128xf32, #tpu.memory_space<vmem>>
      tpu.enqueue_dma source(%dma_start3A_82 : memref<96x128xf32, #tpu.memory_space<vmem>>) target(%dma_start3A_79 : memref<96x128xf32, #tpu.memory_space<hbm>>) target_semaphore(%arg19 : memref<!tpu.dma_semaphore, #tpu.memory_space<semaphore_mem>>)
      %mul3A_83 = arith.constant 1000 : i32
      %mul3A_84 = arith.muli %arg1, %mul3A_83 : i32
      %add3A_85 = arith.constant 96 : i32
      %add3A_86 = arith.addi %mul3A_84, %add3A_85 : i32
      "tpu.region"() ({
        %run_scoped3A = tpu.sem_alloc : memref<!tpu.dma_semaphore, #tpu.memory_space<semaphore_mem>>
        %dma_start3A_407 = arith.constant 0 : i32
        %dma_start3A_408 = arith.constant 0 : i32
        %dma_start3A_409 = tpu.memref_slice %arg10[%dma_start3A_407, %dma_start3A_408] : memref<100x128xf32, #tpu.memory_space<vmem>> -> memref<96x128xf32, #tpu.memory_space<vmem>>
        %dma_start3A_410 = arith.constant 0 : i32
        %dma_start3A_411 = tpu.memref_slice %arg14[%add3A_86, %dma_start3A_410] : memref<10000x128xf32, #tpu.memory_space<vmem_shared>> -> memref<96x128xf32, #tpu.memory_space<vmem_shared>>
        %dma_start3A_412 = arith.constant 0 : i32
        %dma_start3A_413 = arith.constant 0 : i32
        %dma_start3A_414 = tpu.memref_slice %arg10[%dma_start3A_412, %dma_start3A_413] : memref<100x128xf32, #tpu.memory_space<vmem>> -> memref<96x128xf32, #tpu.memory_space<vmem>>
        %dma_start3A_415 = arith.constant 0 : i32
        %dma_start3A_416 = tpu.memref_slice %arg14[%add3A_86, %dma_start3A_415] : memref<10000x128xf32, #tpu.memory_space<vmem_shared>> -> memref<96x128xf32, #tpu.memory_space<vmem_shared>>
        tpu.enqueue_dma source(%dma_start3A_416 : memref<96x128xf32, #tpu.memory_space<vmem_shared>>) target(%dma_start3A_414 : memref<96x128xf32, #tpu.memory_space<vmem>>) target_semaphore(%run_scoped3A : memref<!tpu.dma_semaphore, #tpu.memory_space<semaphore_mem>>)
        %dma_wait3A_417 = arith.constant 0 : i32
        %dma_wait3A_418 = arith.constant 0 : i32
        %dma_wait3A_419 = tpu.memref_slice %arg10[%dma_wait3A_417, %dma_wait3A_418] : memref<100x128xf32, #tpu.memory_space<vmem>> -> memref<96x128xf32, #tpu.memory_space<vmem>>
        %dma_wait3A_420 = arith.constant 0 : i32
        %dma_wait3A_421 = tpu.memref_slice %arg14[%add3A_86, %dma_wait3A_420] : memref<10000x128xf32, #tpu.memory_space<vmem_shared>> -> memref<96x128xf32, #tpu.memory_space<vmem_shared>>
        %dma_wait3A_422 = arith.constant 0 : i32
        %dma_wait3A_423 = arith.constant 0 : i32
        %dma_wait3A_424 = tpu.memref_slice %arg10[%dma_wait3A_422, %dma_wait3A_423] : memref<100x128xf32, #tpu.memory_space<vmem>> -> memref<96x128xf32, #tpu.memory_space<vmem>>
        %dma_wait3A_425 = arith.constant 0 : i32
        %dma_wait3A_426 = tpu.memref_slice %arg14[%add3A_86, %dma_wait3A_425] : memref<10000x128xf32, #tpu.memory_space<vmem_shared>> -> memref<96x128xf32, #tpu.memory_space<vmem_shared>>
        tpu.wait_dma2 semaphore(%run_scoped3A : memref<!tpu.dma_semaphore, #tpu.memory_space<semaphore_mem>>) src(%dma_wait3A_426 : memref<96x128xf32, #tpu.memory_space<vmem_shared>>) dst(%dma_wait3A_424 : memref<96x128xf32, #tpu.memory_space<vmem>>)
        tpu.yield
      }) : () -> ()
      %dma_start3A_87 = arith.constant 0 : i32
      %dma_start3A_88 = arith.constant 0 : i32
      %dma_start3A_89 = tpu.memref_slice %arg10[%dma_start3A_87, %dma_start3A_88] : memref<100x128xf32, #tpu.memory_space<vmem>> -> memref<96x128xf32, #tpu.memory_space<vmem>>
      %dma_start3A_90 = arith.constant 0 : i32
      %dma_start3A_91 = tpu.memref_slice %arg4[%arg0, %add3A_86, %dma_start3A_90] : memref<2x10000x128xf32, #tpu.memory_space<hbm>> -> memref<1x96x128xf32, #tpu.memory_space<hbm>>
      %dma_start3A_92 = tpu.memref_squeeze %dma_start3A_91 : memref<1x96x128xf32, #tpu.memory_space<hbm>> -> memref<96x128xf32, #tpu.memory_space<hbm>>
      %dma_start3A_93 = arith.constant 0 : i32
      %dma_start3A_94 = tpu.memref_slice %arg4[%arg0, %add3A_86, %dma_start3A_93] : memref<2x10000x128xf32, #tpu.memory_space<hbm>> -> memref<1x96x128xf32, #tpu.memory_space<hbm>>
      %dma_start3A_95 = tpu.memref_squeeze %dma_start3A_94 : memref<1x96x128xf32, #tpu.memory_space<hbm>> -> memref<96x128xf32, #tpu.memory_space<hbm>>
      %dma_start3A_96 = arith.constant 0 : i32
      %dma_start3A_97 = arith.constant 0 : i32
      %dma_start3A_98 = tpu.memref_slice %arg10[%dma_start3A_96, %dma_start3A_97] : memref<100x128xf32, #tpu.memory_space<vmem>> -> memref<96x128xf32, #tpu.memory_space<vmem>>
      tpu.enqueue_dma source(%dma_start3A_98 : memref<96x128xf32, #tpu.memory_space<vmem>>) target(%dma_start3A_95 : memref<96x128xf32, #tpu.memory_space<hbm>>) target_semaphore(%arg20 : memref<!tpu.dma_semaphore, #tpu.memory_space<semaphore_mem>>)
      %mul3A_99 = arith.constant 1000 : i32
      %mul3A_100 = arith.muli %arg1, %mul3A_99 : i32
      %add3A_101 = arith.constant 192 : i32
      %add3A_102 = arith.addi %mul3A_100, %add3A_101 : i32
      %dma_wait3A = arith.constant 0 : i32
      %dma_wait3A_103 = arith.constant 0 : i32
      %dma_wait3A_104 = arith.constant 0 : i32
      %dma_wait3A_105 = tpu.memref_slice %arg9[%dma_wait3A_103, %dma_wait3A_104] : memref<100x128xf32, #tpu.memory_space<vmem>> -> memref<96x128xf32, #tpu.memory_space<vmem>>
      %dma_wait3A_106 = arith.constant 0 : i32
      %dma_wait3A_107 = arith.constant 0 : i32
      %dma_wait3A_108 = tpu.memref_slice %arg4[%dma_wait3A, %dma_wait3A_106, %dma_wait3A_107] : memref<2x10000x128xf32, #tpu.memory_space<hbm>> -> memref<1x96x128xf32, #tpu.memory_space<hbm>>
      %dma_wait3A_109 = tpu.memref_squeeze %dma_wait3A_108 : memref<1x96x128xf32, #tpu.memory_space<hbm>> -> memref<96x128xf32, #tpu.memory_space<hbm>>
      %dma_wait3A_110 = arith.constant 0 : i32
      %dma_wait3A_111 = arith.constant 0 : i32
      %dma_wait3A_112 = tpu.memref_slice %arg4[%dma_wait3A, %dma_wait3A_110, %dma_wait3A_111] : memref<2x10000x128xf32, #tpu.memory_space<hbm>> -> memref<1x96x128xf32, #tpu.memory_space<hbm>>
      %dma_wait3A_113 = tpu.memref_squeeze %dma_wait3A_112 : memref<1x96x128xf32, #tpu.memory_space<hbm>> -> memref<96x128xf32, #tpu.memory_space<hbm>>
      %dma_wait3A_114 = arith.constant 0 : i32
      %dma_wait3A_115 = arith.constant 0 : i32
      %dma_wait3A_116 = tpu.memref_slice %arg9[%dma_wait3A_114, %dma_wait3A_115] : memref<100x128xf32, #tpu.memory_space<vmem>> -> memref<96x128xf32, #tpu.memory_space<vmem>>
      tpu.wait_dma2 semaphore(%arg19 : memref<!tpu.dma_semaphore, #tpu.memory_space<semaphore_mem>>) src(%dma_wait3A_116 : memref<96x128xf32, #tpu.memory_space<vmem>>) dst(%dma_wait3A_113 : memref<96x128xf32, #tpu.memory_space<hbm>>)
      "tpu.region"() ({
        %run_scoped3A = tpu.sem_alloc : memref<!tpu.dma_semaphore, #tpu.memory_space<semaphore_mem>>
        %dma_start3A_407 = arith.constant 0 : i32
        %dma_start3A_408 = arith.constant 0 : i32
        %dma_start3A_409 = tpu.memref_slice %arg9[%dma_start3A_407, %dma_start3A_408] : memref<100x128xf32, #tpu.memory_space<vmem>> -> memref<96x128xf32, #tpu.memory_space<vmem>>
        %dma_start3A_410 = arith.constant 0 : i32
        %dma_start3A_411 = tpu.memref_slice %arg14[%add3A_102, %dma_start3A_410] : memref<10000x128xf32, #tpu.memory_space<vmem_shared>> -> memref<96x128xf32, #tpu.memory_space<vmem_shared>>
        %dma_start3A_412 = arith.constant 0 : i32
        %dma_start3A_413 = arith.constant 0 : i32
        %dma_start3A_414 = tpu.memref_slice %arg9[%dma_start3A_412, %dma_start3A_413] : memref<100x128xf32, #tpu.memory_space<vmem>> -> memref<96x128xf32, #tpu.memory_space<vmem>>
        %dma_start3A_415 = arith.constant 0 : i32
        %dma_start3A_416 = tpu.memref_slice %arg14[%add3A_102, %dma_start3A_415] : memref<10000x128xf32, #tpu.memory_space<vmem_shared>> -> memref<96x128xf32, #tpu.memory_space<vmem_shared>>
        tpu.enqueue_dma source(%dma_start3A_416 : memref<96x128xf32, #tpu.memory_space<vmem_shared>>) target(%dma_start3A_414 : memref<96x128xf32, #tpu.memory_space<vmem>>) target_semaphore(%run_scoped3A : memref<!tpu.dma_semaphore, #tpu.memory_space<semaphore_mem>>)
        %dma_wait3A_417 = arith.constant 0 : i32
        %dma_wait3A_418 = arith.constant 0 : i32
        %dma_wait3A_419 = tpu.memref_slice %arg9[%dma_wait3A_417, %dma_wait3A_418] : memref<100x128xf32, #tpu.memory_space<vmem>> -> memref<96x128xf32, #tpu.memory_space<vmem>>
        %dma_wait3A_420 = arith.constant 0 : i32
        %dma_wait3A_421 = tpu.memref_slice %arg14[%add3A_102, %dma_wait3A_420] : memref<10000x128xf32, #tpu.memory_space<vmem_shared>> -> memref<96x128xf32, #tpu.memory_space<vmem_shared>>
        %dma_wait3A_422 = arith.constant 0 : i32
        %dma_wait3A_423 = arith.constant 0 : i32
        %dma_wait3A_424 = tpu.memref_slice %arg9[%dma_wait3A_422, %dma_wait3A_423] : memref<100x128xf32, #tpu.memory_space<vmem>> -> memref<96x128xf32, #tpu.memory_space<vmem>>
        %dma_wait3A_425 = arith.constant 0 : i32
        %dma_wait3A_426 = tpu.memref_slice %arg14[%add3A_102, %dma_wait3A_425] : memref<10000x128xf32, #tpu.memory_space<vmem_shared>> -> memref<96x128xf32, #tpu.memory_space<vmem_shared>>
        tpu.wait_dma2 semaphore(%run_scoped3A : memref<!tpu.dma_semaphore, #tpu.memory_space<semaphore_mem>>) src(%dma_wait3A_426 : memref<96x128xf32, #tpu.memory_space<vmem_shared>>) dst(%dma_wait3A_424 : memref<96x128xf32, #tpu.memory_space<vmem>>)
        tpu.yield
      }) : () -> ()
      %dma_start3A_117 = arith.constant 0 : i32
      %dma_start3A_118 = arith.constant 0 : i32
      %dma_start3A_119 = tpu.memref_slice %arg9[%dma_start3A_117, %dma_start3A_118] : memref<100x128xf32, #tpu.memory_space<vmem>> -> memref<96x128xf32, #tpu.memory_space<vmem>>
      %dma_start3A_120 = arith.constant 0 : i32
      %dma_start3A_121 = tpu.memref_slice %arg4[%arg0, %add3A_102, %dma_start3A_120] : memref<2x10000x128xf32, #tpu.memory_space<hbm>> -> memref<1x96x128xf32, #tpu.memory_space<hbm>>
      %dma_start3A_122 = tpu.memref_squeeze %dma_start3A_121 : memref<1x96x128xf32, #tpu.memory_space<hbm>> -> memref<96x128xf32, #tpu.memory_space<hbm>>
      %dma_start3A_123 = arith.constant 0 : i32
      %dma_start3A_124 = tpu.memref_slice %arg4[%arg0, %add3A_102, %dma_start3A_123] : memref<2x10000x128xf32, #tpu.memory_space<hbm>> -> memref<1x96x128xf32, #tpu.memory_space<hbm>>
      %dma_start3A_125 = tpu.memref_squeeze %dma_start3A_124 : memref<1x96x128xf32, #tpu.memory_space<hbm>> -> memref<96x128xf32, #tpu.memory_space<hbm>>
      %dma_start3A_126 = arith.constant 0 : i32
      %dma_start3A_127 = arith.constant 0 : i32
      %dma_start3A_128 = tpu.memref_slice %arg9[%dma_start3A_126, %dma_start3A_127] : memref<100x128xf32, #tpu.memory_space<vmem>> -> memref<96x128xf32, #tpu.memory_space<vmem>>
      tpu.enqueue_dma source(%dma_start3A_128 : memref<96x128xf32, #tpu.memory_space<vmem>>) target(%dma_start3A_125 : memref<96x128xf32, #tpu.memory_space<hbm>>) target_semaphore(%arg19 : memref<!tpu.dma_semaphore, #tpu.memory_space<semaphore_mem>>)
      %mul3A_129 = arith.constant 1000 : i32
      %mul3A_130 = arith.muli %arg1, %mul3A_129 : i32
      %add3A_131 = arith.constant 288 : i32
      %add3A_132 = arith.addi %mul3A_130, %add3A_131 : i32
      %dma_wait3A_133 = arith.constant 0 : i32
      %dma_wait3A_134 = arith.constant 0 : i32
      %dma_wait3A_135 = arith.constant 0 : i32
      %dma_wait3A_136 = tpu.memref_slice %arg10[%dma_wait3A_134, %dma_wait3A_135] : memref<100x128xf32, #tpu.memory_space<vmem>> -> memref<96x128xf32, #tpu.memory_space<vmem>>
      %dma_wait3A_137 = arith.constant 0 : i32
      %dma_wait3A_138 = arith.constant 0 : i32
      %dma_wait3A_139 = tpu.memref_slice %arg4[%dma_wait3A_133, %dma_wait3A_137, %dma_wait3A_138] : memref<2x10000x128xf32, #tpu.memory_space<hbm>> -> memref<1x96x128xf32, #tpu.memory_space<hbm>>
      %dma_wait3A_140 = tpu.memref_squeeze %dma_wait3A_139 : memref<1x96x128xf32, #tpu.memory_space<hbm>> -> memref<96x128xf32, #tpu.memory_space<hbm>>
      %dma_wait3A_141 = arith.constant 0 : i32
      %dma_wait3A_142 = arith.constant 0 : i32
      %dma_wait3A_143 = tpu.memref_slice %arg4[%dma_wait3A_133, %dma_wait3A_141, %dma_wait3A_142] : memref<2x10000x128xf32, #tpu.memory_space<hbm>> -> memref<1x96x128xf32, #tpu.memory_space<hbm>>
      %dma_wait3A_144 = tpu.memref_squeeze %dma_wait3A_143 : memref<1x96x128xf32, #tpu.memory_space<hbm>> -> memref<96x128xf32, #tpu.memory_space<hbm>>
      %dma_wait3A_145 = arith.constant 0 : i32
      %dma_wait3A_146 = arith.constant 0 : i32
      %dma_wait3A_147 = tpu.memref_slice %arg10[%dma_wait3A_145, %dma_wait3A_146] : memref<100x128xf32, #tpu.memory_space<vmem>> -> memref<96x128xf32, #tpu.memory_space<vmem>>
      tpu.wait_dma2 semaphore(%arg20 : memref<!tpu.dma_semaphore, #tpu.memory_space<semaphore_mem>>) src(%dma_wait3A_147 : memref<96x128xf32, #tpu.memory_space<vmem>>) dst(%dma_wait3A_144 : memref<96x128xf32, #tpu.memory_space<hbm>>)
      "tpu.region"() ({
        %run_scoped3A = tpu.sem_alloc : memref<!tpu.dma_semaphore, #tpu.memory_space<semaphore_mem>>
        %dma_start3A_407 = arith.constant 0 : i32
        %dma_start3A_408 = arith.constant 0 : i32
        %dma_start3A_409 = tpu.memref_slice %arg10[%dma_start3A_407, %dma_start3A_408] : memref<100x128xf32, #tpu.memory_space<vmem>> -> memref<96x128xf32, #tpu.memory_space<vmem>>
        %dma_start3A_410 = arith.constant 0 : i32
        %dma_start3A_411 = tpu.memref_slice %arg14[%add3A_132, %dma_start3A_410] : memref<10000x128xf32, #tpu.memory_space<vmem_shared>> -> memref<96x128xf32, #tpu.memory_space<vmem_shared>>
        %dma_start3A_412 = arith.constant 0 : i32
        %dma_start3A_413 = arith.constant 0 : i32
        %dma_start3A_414 = tpu.memref_slice %arg10[%dma_start3A_412, %dma_start3A_413] : memref<100x128xf32, #tpu.memory_space<vmem>> -> memref<96x128xf32, #tpu.memory_space<vmem>>
        %dma_start3A_415 = arith.constant 0 : i32
        %dma_start3A_416 = tpu.memref_slice %arg14[%add3A_132, %dma_start3A_415] : memref<10000x128xf32, #tpu.memory_space<vmem_shared>> -> memref<96x128xf32, #tpu.memory_space<vmem_shared>>
        tpu.enqueue_dma source(%dma_start3A_416 : memref<96x128xf32, #tpu.memory_space<vmem_shared>>) target(%dma_start3A_414 : memref<96x128xf32, #tpu.memory_space<vmem>>) target_semaphore(%run_scoped3A : memref<!tpu.dma_semaphore, #tpu.memory_space<semaphore_mem>>)
        %dma_wait3A_417 = arith.constant 0 : i32
        %dma_wait3A_418 = arith.constant 0 : i32
        %dma_wait3A_419 = tpu.memref_slice %arg10[%dma_wait3A_417, %dma_wait3A_418] : memref<100x128xf32, #tpu.memory_space<vmem>> -> memref<96x128xf32, #tpu.memory_space<vmem>>
        %dma_wait3A_420 = arith.constant 0 : i32
        %dma_wait3A_421 = tpu.memref_slice %arg14[%add3A_132, %dma_wait3A_420] : memref<10000x128xf32, #tpu.memory_space<vmem_shared>> -> memref<96x128xf32, #tpu.memory_space<vmem_shared>>
        %dma_wait3A_422 = arith.constant 0 : i32
        %dma_wait3A_423 = arith.constant 0 : i32
        %dma_wait3A_424 = tpu.memref_slice %arg10[%dma_wait3A_422, %dma_wait3A_423] : memref<100x128xf32, #tpu.memory_space<vmem>> -> memref<96x128xf32, #tpu.memory_space<vmem>>
        %dma_wait3A_425 = arith.constant 0 : i32
        %dma_wait3A_426 = tpu.memref_slice %arg14[%add3A_132, %dma_wait3A_425] : memref<10000x128xf32, #tpu.memory_space<vmem_shared>> -> memref<96x128xf32, #tpu.memory_space<vmem_shared>>
        tpu.wait_dma2 semaphore(%run_scoped3A : memref<!tpu.dma_semaphore, #tpu.memory_space<semaphore_mem>>) src(%dma_wait3A_426 : memref<96x128xf32, #tpu.memory_space<vmem_shared>>) dst(%dma_wait3A_424 : memref<96x128xf32, #tpu.memory_space<vmem>>)
        tpu.yield
      }) : () -> ()
      %dma_start3A_148 = arith.constant 0 : i32
      %dma_start3A_149 = arith.constant 0 : i32
      %dma_start3A_150 = tpu.memref_slice %arg10[%dma_start3A_148, %dma_start3A_149] : memref<100x128xf32, #tpu.memory_space<vmem>> -> memref<96x128xf32, #tpu.memory_space<vmem>>
      %dma_start3A_151 = arith.constant 0 : i32
      %dma_start3A_152 = tpu.memref_slice %arg4[%arg0, %add3A_132, %dma_start3A_151] : memref<2x10000x128xf32, #tpu.memory_space<hbm>> -> memref<1x96x128xf32, #tpu.memory_space<hbm>>
      %dma_start3A_153 = tpu.memref_squeeze %dma_start3A_152 : memref<1x96x128xf32, #tpu.memory_space<hbm>> -> memref<96x128xf32, #tpu.memory_space<hbm>>
      %dma_start3A_154 = arith.constant 0 : i32
      %dma_start3A_155 = tpu.memref_slice %arg4[%arg0, %add3A_132, %dma_start3A_154] : memref<2x10000x128xf32, #tpu.memory_space<hbm>> -> memref<1x96x128xf32, #tpu.memory_space<hbm>>
      %dma_start3A_156 = tpu.memref_squeeze %dma_start3A_155 : memref<1x96x128xf32, #tpu.memory_space<hbm>> -> memref<96x128xf32, #tpu.memory_space<hbm>>
      %dma_start3A_157 = arith.constant 0 : i32
      %dma_start3A_158 = arith.constant 0 : i32
      %dma_start3A_159 = tpu.memref_slice %arg10[%dma_start3A_157, %dma_start3A_158] : memref<100x128xf32, #tpu.memory_space<vmem>> -> memref<96x128xf32, #tpu.memory_space<vmem>>
      tpu.enqueue_dma source(%dma_start3A_159 : memref<96x128xf32, #tpu.memory_space<vmem>>) target(%dma_start3A_156 : memref<96x128xf32, #tpu.memory_space<hbm>>) target_semaphore(%arg20 : memref<!tpu.dma_semaphore, #tpu.memory_space<semaphore_mem>>)
      %mul3A_160 = arith.constant 1000 : i32
      %mul3A_161 = arith.muli %arg1, %mul3A_160 : i32
      %add3A_162 = arith.constant 384 : i32
      %add3A_163 = arith.addi %mul3A_161, %add3A_162 : i32
      %dma_wait3A_164 = arith.constant 0 : i32
      %dma_wait3A_165 = arith.constant 0 : i32
      %dma_wait3A_166 = arith.constant 0 : i32
      %dma_wait3A_167 = tpu.memref_slice %arg9[%dma_wait3A_165, %dma_wait3A_166] : memref<100x128xf32, #tpu.memory_space<vmem>> -> memref<96x128xf32, #tpu.memory_space<vmem>>
      %dma_wait3A_168 = arith.constant 0 : i32
      %dma_wait3A_169 = arith.constant 0 : i32
      %dma_wait3A_170 = tpu.memref_slice %arg4[%dma_wait3A_164, %dma_wait3A_168, %dma_wait3A_169] : memref<2x10000x128xf32, #tpu.memory_space<hbm>> -> memref<1x96x128xf32, #tpu.memory_space<hbm>>
      %dma_wait3A_171 = tpu.memref_squeeze %dma_wait3A_170 : memref<1x96x128xf32, #tpu.memory_space<hbm>> -> memref<96x128xf32, #tpu.memory_space<hbm>>
      %dma_wait3A_172 = arith.constant 0 : i32
      %dma_wait3A_173 = arith.constant 0 : i32
      %dma_wait3A_174 = tpu.memref_slice %arg4[%dma_wait3A_164, %dma_wait3A_172, %dma_wait3A_173] : memref<2x10000x128xf32, #tpu.memory_space<hbm>> -> memref<1x96x128xf32, #tpu.memory_space<hbm>>
      %dma_wait3A_175 = tpu.memref_squeeze %dma_wait3A_174 : memref<1x96x128xf32, #tpu.memory_space<hbm>> -> memref<96x128xf32, #tpu.memory_space<hbm>>
      %dma_wait3A_176 = arith.constant 0 : i32
      %dma_wait3A_177 = arith.constant 0 : i32
      %dma_wait3A_178 = tpu.memref_slice %arg9[%dma_wait3A_176, %dma_wait3A_177] : memref<100x128xf32, #tpu.memory_space<vmem>> -> memref<96x128xf32, #tpu.memory_space<vmem>>
      tpu.wait_dma2 semaphore(%arg19 : memref<!tpu.dma_semaphore, #tpu.memory_space<semaphore_mem>>) src(%dma_wait3A_178 : memref<96x128xf32, #tpu.memory_space<vmem>>) dst(%dma_wait3A_175 : memref<96x128xf32, #tpu.memory_space<hbm>>)
      "tpu.region"() ({
        %run_scoped3A = tpu.sem_alloc : memref<!tpu.dma_semaphore, #tpu.memory_space<semaphore_mem>>
        %dma_start3A_407 = arith.constant 0 : i32
        %dma_start3A_408 = arith.constant 0 : i32
        %dma_start3A_409 = tpu.memref_slice %arg9[%dma_start3A_407, %dma_start3A_408] : memref<100x128xf32, #tpu.memory_space<vmem>> -> memref<96x128xf32, #tpu.memory_space<vmem>>
        %dma_start3A_410 = arith.constant 0 : i32
        %dma_start3A_411 = tpu.memref_slice %arg14[%add3A_163, %dma_start3A_410] : memref<10000x128xf32, #tpu.memory_space<vmem_shared>> -> memref<96x128xf32, #tpu.memory_space<vmem_shared>>
        %dma_start3A_412 = arith.constant 0 : i32
        %dma_start3A_413 = arith.constant 0 : i32
        %dma_start3A_414 = tpu.memref_slice %arg9[%dma_start3A_412, %dma_start3A_413] : memref<100x128xf32, #tpu.memory_space<vmem>> -> memref<96x128xf32, #tpu.memory_space<vmem>>
        %dma_start3A_415 = arith.constant 0 : i32
        %dma_start3A_416 = tpu.memref_slice %arg14[%add3A_163, %dma_start3A_415] : memref<10000x128xf32, #tpu.memory_space<vmem_shared>> -> memref<96x128xf32, #tpu.memory_space<vmem_shared>>
        tpu.enqueue_dma source(%dma_start3A_416 : memref<96x128xf32, #tpu.memory_space<vmem_shared>>) target(%dma_start3A_414 : memref<96x128xf32, #tpu.memory_space<vmem>>) target_semaphore(%run_scoped3A : memref<!tpu.dma_semaphore, #tpu.memory_space<semaphore_mem>>)
        %dma_wait3A_417 = arith.constant 0 : i32
        %dma_wait3A_418 = arith.constant 0 : i32
        %dma_wait3A_419 = tpu.memref_slice %arg9[%dma_wait3A_417, %dma_wait3A_418] : memref<100x128xf32, #tpu.memory_space<vmem>> -> memref<96x128xf32, #tpu.memory_space<vmem>>
        %dma_wait3A_420 = arith.constant 0 : i32
        %dma_wait3A_421 = tpu.memref_slice %arg14[%add3A_163, %dma_wait3A_420] : memref<10000x128xf32, #tpu.memory_space<vmem_shared>> -> memref<96x128xf32, #tpu.memory_space<vmem_shared>>
        %dma_wait3A_422 = arith.constant 0 : i32
        %dma_wait3A_423 = arith.constant 0 : i32
        %dma_wait3A_424 = tpu.memref_slice %arg9[%dma_wait3A_422, %dma_wait3A_423] : memref<100x128xf32, #tpu.memory_space<vmem>> -> memref<96x128xf32, #tpu.memory_space<vmem>>
        %dma_wait3A_425 = arith.constant 0 : i32
        %dma_wait3A_426 = tpu.memref_slice %arg14[%add3A_163, %dma_wait3A_425] : memref<10000x128xf32, #tpu.memory_space<vmem_shared>> -> memref<96x128xf32, #tpu.memory_space<vmem_shared>>
        tpu.wait_dma2 semaphore(%run_scoped3A : memref<!tpu.dma_semaphore, #tpu.memory_space<semaphore_mem>>) src(%dma_wait3A_426 : memref<96x128xf32, #tpu.memory_space<vmem_shared>>) dst(%dma_wait3A_424 : memref<96x128xf32, #tpu.memory_space<vmem>>)
        tpu.yield
      }) : () -> ()
      %dma_start3A_179 = arith.constant 0 : i32
      %dma_start3A_180 = arith.constant 0 : i32
      %dma_start3A_181 = tpu.memref_slice %arg9[%dma_start3A_179, %dma_start3A_180] : memref<100x128xf32, #tpu.memory_space<vmem>> -> memref<96x128xf32, #tpu.memory_space<vmem>>
      %dma_start3A_182 = arith.constant 0 : i32
      %dma_start3A_183 = tpu.memref_slice %arg4[%arg0, %add3A_163, %dma_start3A_182] : memref<2x10000x128xf32, #tpu.memory_space<hbm>> -> memref<1x96x128xf32, #tpu.memory_space<hbm>>
      %dma_start3A_184 = tpu.memref_squeeze %dma_start3A_183 : memref<1x96x128xf32, #tpu.memory_space<hbm>> -> memref<96x128xf32, #tpu.memory_space<hbm>>
      %dma_start3A_185 = arith.constant 0 : i32
      %dma_start3A_186 = tpu.memref_slice %arg4[%arg0, %add3A_163, %dma_start3A_185] : memref<2x10000x128xf32, #tpu.memory_space<hbm>> -> memref<1x96x128xf32, #tpu.memory_space<hbm>>
      %dma_start3A_187 = tpu.memref_squeeze %dma_start3A_186 : memref<1x96x128xf32, #tpu.memory_space<hbm>> -> memref<96x128xf32, #tpu.memory_space<hbm>>
      %dma_start3A_188 = arith.constant 0 : i32
      %dma_start3A_189 = arith.constant 0 : i32
      %dma_start3A_190 = tpu.memref_slice %arg9[%dma_start3A_188, %dma_start3A_189] : memref<100x128xf32, #tpu.memory_space<vmem>> -> memref<96x128xf32, #tpu.memory_space<vmem>>
      tpu.enqueue_dma source(%dma_start3A_190 : memref<96x128xf32, #tpu.memory_space<vmem>>) target(%dma_start3A_187 : memref<96x128xf32, #tpu.memory_space<hbm>>) target_semaphore(%arg19 : memref<!tpu.dma_semaphore, #tpu.memory_space<semaphore_mem>>)
      %mul3A_191 = arith.constant 1000 : i32
      %mul3A_192 = arith.muli %arg1, %mul3A_191 : i32
      %add3A_193 = arith.constant 480 : i32
      %add3A_194 = arith.addi %mul3A_192, %add3A_193 : i32
      %dma_wait3A_195 = arith.constant 0 : i32
      %dma_wait3A_196 = arith.constant 0 : i32
      %dma_wait3A_197 = arith.constant 0 : i32
      %dma_wait3A_198 = tpu.memref_slice %arg10[%dma_wait3A_196, %dma_wait3A_197] : memref<100x128xf32, #tpu.memory_space<vmem>> -> memref<96x128xf32, #tpu.memory_space<vmem>>
      %dma_wait3A_199 = arith.constant 0 : i32
      %dma_wait3A_200 = arith.constant 0 : i32
      %dma_wait3A_201 = tpu.memref_slice %arg4[%dma_wait3A_195, %dma_wait3A_199, %dma_wait3A_200] : memref<2x10000x128xf32, #tpu.memory_space<hbm>> -> memref<1x96x128xf32, #tpu.memory_space<hbm>>
      %dma_wait3A_202 = tpu.memref_squeeze %dma_wait3A_201 : memref<1x96x128xf32, #tpu.memory_space<hbm>> -> memref<96x128xf32, #tpu.memory_space<hbm>>
      %dma_wait3A_203 = arith.constant 0 : i32
      %dma_wait3A_204 = arith.constant 0 : i32
      %dma_wait3A_205 = tpu.memref_slice %arg4[%dma_wait3A_195, %dma_wait3A_203, %dma_wait3A_204] : memref<2x10000x128xf32, #tpu.memory_space<hbm>> -> memref<1x96x128xf32, #tpu.memory_space<hbm>>
      %dma_wait3A_206 = tpu.memref_squeeze %dma_wait3A_205 : memref<1x96x128xf32, #tpu.memory_space<hbm>> -> memref<96x128xf32, #tpu.memory_space<hbm>>
      %dma_wait3A_207 = arith.constant 0 : i32
      %dma_wait3A_208 = arith.constant 0 : i32
      %dma_wait3A_209 = tpu.memref_slice %arg10[%dma_wait3A_207, %dma_wait3A_208] : memref<100x128xf32, #tpu.memory_space<vmem>> -> memref<96x128xf32, #tpu.memory_space<vmem>>
      tpu.wait_dma2 semaphore(%arg20 : memref<!tpu.dma_semaphore, #tpu.memory_space<semaphore_mem>>) src(%dma_wait3A_209 : memref<96x128xf32, #tpu.memory_space<vmem>>) dst(%dma_wait3A_206 : memref<96x128xf32, #tpu.memory_space<hbm>>)
      "tpu.region"() ({
        %run_scoped3A = tpu.sem_alloc : memref<!tpu.dma_semaphore, #tpu.memory_space<semaphore_mem>>
        %dma_start3A_407 = arith.constant 0 : i32
        %dma_start3A_408 = arith.constant 0 : i32
        %dma_start3A_409 = tpu.memref_slice %arg10[%dma_start3A_407, %dma_start3A_408] : memref<100x128xf32, #tpu.memory_space<vmem>> -> memref<96x128xf32, #tpu.memory_space<vmem>>
        %dma_start3A_410 = arith.constant 0 : i32
        %dma_start3A_411 = tpu.memref_slice %arg14[%add3A_194, %dma_start3A_410] : memref<10000x128xf32, #tpu.memory_space<vmem_shared>> -> memref<96x128xf32, #tpu.memory_space<vmem_shared>>
        %dma_start3A_412 = arith.constant 0 : i32
        %dma_start3A_413 = arith.constant 0 : i32
        %dma_start3A_414 = tpu.memref_slice %arg10[%dma_start3A_412, %dma_start3A_413] : memref<100x128xf32, #tpu.memory_space<vmem>> -> memref<96x128xf32, #tpu.memory_space<vmem>>
        %dma_start3A_415 = arith.constant 0 : i32
        %dma_start3A_416 = tpu.memref_slice %arg14[%add3A_194, %dma_start3A_415] : memref<10000x128xf32, #tpu.memory_space<vmem_shared>> -> memref<96x128xf32, #tpu.memory_space<vmem_shared>>
        tpu.enqueue_dma source(%dma_start3A_416 : memref<96x128xf32, #tpu.memory_space<vmem_shared>>) target(%dma_start3A_414 : memref<96x128xf32, #tpu.memory_space<vmem>>) target_semaphore(%run_scoped3A : memref<!tpu.dma_semaphore, #tpu.memory_space<semaphore_mem>>)
        %dma_wait3A_417 = arith.constant 0 : i32
        %dma_wait3A_418 = arith.constant 0 : i32
        %dma_wait3A_419 = tpu.memref_slice %arg10[%dma_wait3A_417, %dma_wait3A_418] : memref<100x128xf32, #tpu.memory_space<vmem>> -> memref<96x128xf32, #tpu.memory_space<vmem>>
        %dma_wait3A_420 = arith.constant 0 : i32
        %dma_wait3A_421 = tpu.memref_slice %arg14[%add3A_194, %dma_wait3A_420] : memref<10000x128xf32, #tpu.memory_space<vmem_shared>> -> memref<96x128xf32, #tpu.memory_space<vmem_shared>>
        %dma_wait3A_422 = arith.constant 0 : i32
        %dma_wait3A_423 = arith.constant 0 : i32
        %dma_wait3A_424 = tpu.memref_slice %arg10[%dma_wait3A_422, %dma_wait3A_423] : memref<100x128xf32, #tpu.memory_space<vmem>> -> memref<96x128xf32, #tpu.memory_space<vmem>>
        %dma_wait3A_425 = arith.constant 0 : i32
        %dma_wait3A_426 = tpu.memref_slice %arg14[%add3A_194, %dma_wait3A_425] : memref<10000x128xf32, #tpu.memory_space<vmem_shared>> -> memref<96x128xf32, #tpu.memory_space<vmem_shared>>
        tpu.wait_dma2 semaphore(%run_scoped3A : memref<!tpu.dma_semaphore, #tpu.memory_space<semaphore_mem>>) src(%dma_wait3A_426 : memref<96x128xf32, #tpu.memory_space<vmem_shared>>) dst(%dma_wait3A_424 : memref<96x128xf32, #tpu.memory_space<vmem>>)
        tpu.yield
      }) : () -> ()
      %dma_start3A_210 = arith.constant 0 : i32
      %dma_start3A_211 = arith.constant 0 : i32
      %dma_start3A_212 = tpu.memref_slice %arg10[%dma_start3A_210, %dma_start3A_211] : memref<100x128xf32, #tpu.memory_space<vmem>> -> memref<96x128xf32, #tpu.memory_space<vmem>>
      %dma_start3A_213 = arith.constant 0 : i32
      %dma_start3A_214 = tpu.memref_slice %arg4[%arg0, %add3A_194, %dma_start3A_213] : memref<2x10000x128xf32, #tpu.memory_space<hbm>> -> memref<1x96x128xf32, #tpu.memory_space<hbm>>
      %dma_start3A_215 = tpu.memref_squeeze %dma_start3A_214 : memref<1x96x128xf32, #tpu.memory_space<hbm>> -> memref<96x128xf32, #tpu.memory_space<hbm>>
      %dma_start3A_216 = arith.constant 0 : i32
      %dma_start3A_217 = tpu.memref_slice %arg4[%arg0, %add3A_194, %dma_start3A_216] : memref<2x10000x128xf32, #tpu.memory_space<hbm>> -> memref<1x96x128xf32, #tpu.memory_space<hbm>>
      %dma_start3A_218 = tpu.memref_squeeze %dma_start3A_217 : memref<1x96x128xf32, #tpu.memory_space<hbm>> -> memref<96x128xf32, #tpu.memory_space<hbm>>
      %dma_start3A_219 = arith.constant 0 : i32
      %dma_start3A_220 = arith.constant 0 : i32
      %dma_start3A_221 = tpu.memref_slice %arg10[%dma_start3A_219, %dma_start3A_220] : memref<100x128xf32, #tpu.memory_space<vmem>> -> memref<96x128xf32, #tpu.memory_space<vmem>>
      tpu.enqueue_dma source(%dma_start3A_221 : memref<96x128xf32, #tpu.memory_space<vmem>>) target(%dma_start3A_218 : memref<96x128xf32, #tpu.memory_space<hbm>>) target_semaphore(%arg20 : memref<!tpu.dma_semaphore, #tpu.memory_space<semaphore_mem>>)
      %mul3A_222 = arith.constant 1000 : i32
      %mul3A_223 = arith.muli %arg1, %mul3A_222 : i32
      %add3A_224 = arith.constant 576 : i32
      %add3A_225 = arith.addi %mul3A_223, %add3A_224 : i32
      %dma_wait3A_226 = arith.constant 0 : i32
      %dma_wait3A_227 = arith.constant 0 : i32
      %dma_wait3A_228 = arith.constant 0 : i32
      %dma_wait3A_229 = tpu.memref_slice %arg9[%dma_wait3A_227, %dma_wait3A_228] : memref<100x128xf32, #tpu.memory_space<vmem>> -> memref<96x128xf32, #tpu.memory_space<vmem>>
      %dma_wait3A_230 = arith.constant 0 : i32
      %dma_wait3A_231 = arith.constant 0 : i32
      %dma_wait3A_232 = tpu.memref_slice %arg4[%dma_wait3A_226, %dma_wait3A_230, %dma_wait3A_231] : memref<2x10000x128xf32, #tpu.memory_space<hbm>> -> memref<1x96x128xf32, #tpu.memory_space<hbm>>
      %dma_wait3A_233 = tpu.memref_squeeze %dma_wait3A_232 : memref<1x96x128xf32, #tpu.memory_space<hbm>> -> memref<96x128xf32, #tpu.memory_space<hbm>>
      %dma_wait3A_234 = arith.constant 0 : i32
      %dma_wait3A_235 = arith.constant 0 : i32
      %dma_wait3A_236 = tpu.memref_slice %arg4[%dma_wait3A_226, %dma_wait3A_234, %dma_wait3A_235] : memref<2x10000x128xf32, #tpu.memory_space<hbm>> -> memref<1x96x128xf32, #tpu.memory_space<hbm>>
      %dma_wait3A_237 = tpu.memref_squeeze %dma_wait3A_236 : memref<1x96x128xf32, #tpu.memory_space<hbm>> -> memref<96x128xf32, #tpu.memory_space<hbm>>
      %dma_wait3A_238 = arith.constant 0 : i32
      %dma_wait3A_239 = arith.constant 0 : i32
      %dma_wait3A_240 = tpu.memref_slice %arg9[%dma_wait3A_238, %dma_wait3A_239] : memref<100x128xf32, #tpu.memory_space<vmem>> -> memref<96x128xf32, #tpu.memory_space<vmem>>
      tpu.wait_dma2 semaphore(%arg19 : memref<!tpu.dma_semaphore, #tpu.memory_space<semaphore_mem>>) src(%dma_wait3A_240 : memref<96x128xf32, #tpu.memory_space<vmem>>) dst(%dma_wait3A_237 : memref<96x128xf32, #tpu.memory_space<hbm>>)
      "tpu.region"() ({
        %run_scoped3A = tpu.sem_alloc : memref<!tpu.dma_semaphore, #tpu.memory_space<semaphore_mem>>
        %dma_start3A_407 = arith.constant 0 : i32
        %dma_start3A_408 = arith.constant 0 : i32
        %dma_start3A_409 = tpu.memref_slice %arg9[%dma_start3A_407, %dma_start3A_408] : memref<100x128xf32, #tpu.memory_space<vmem>> -> memref<96x128xf32, #tpu.memory_space<vmem>>
        %dma_start3A_410 = arith.constant 0 : i32
        %dma_start3A_411 = tpu.memref_slice %arg14[%add3A_225, %dma_start3A_410] : memref<10000x128xf32, #tpu.memory_space<vmem_shared>> -> memref<96x128xf32, #tpu.memory_space<vmem_shared>>
        %dma_start3A_412 = arith.constant 0 : i32
        %dma_start3A_413 = arith.constant 0 : i32
        %dma_start3A_414 = tpu.memref_slice %arg9[%dma_start3A_412, %dma_start3A_413] : memref<100x128xf32, #tpu.memory_space<vmem>> -> memref<96x128xf32, #tpu.memory_space<vmem>>
        %dma_start3A_415 = arith.constant 0 : i32
        %dma_start3A_416 = tpu.memref_slice %arg14[%add3A_225, %dma_start3A_415] : memref<10000x128xf32, #tpu.memory_space<vmem_shared>> -> memref<96x128xf32, #tpu.memory_space<vmem_shared>>
        tpu.enqueue_dma source(%dma_start3A_416 : memref<96x128xf32, #tpu.memory_space<vmem_shared>>) target(%dma_start3A_414 : memref<96x128xf32, #tpu.memory_space<vmem>>) target_semaphore(%run_scoped3A : memref<!tpu.dma_semaphore, #tpu.memory_space<semaphore_mem>>)
        %dma_wait3A_417 = arith.constant 0 : i32
        %dma_wait3A_418 = arith.constant 0 : i32
        %dma_wait3A_419 = tpu.memref_slice %arg9[%dma_wait3A_417, %dma_wait3A_418] : memref<100x128xf32, #tpu.memory_space<vmem>> -> memref<96x128xf32, #tpu.memory_space<vmem>>
        %dma_wait3A_420 = arith.constant 0 : i32
        %dma_wait3A_421 = tpu.memref_slice %arg14[%add3A_225, %dma_wait3A_420] : memref<10000x128xf32, #tpu.memory_space<vmem_shared>> -> memref<96x128xf32, #tpu.memory_space<vmem_shared>>
        %dma_wait3A_422 = arith.constant 0 : i32
        %dma_wait3A_423 = arith.constant 0 : i32
        %dma_wait3A_424 = tpu.memref_slice %arg9[%dma_wait3A_422, %dma_wait3A_423] : memref<100x128xf32, #tpu.memory_space<vmem>> -> memref<96x128xf32, #tpu.memory_space<vmem>>
        %dma_wait3A_425 = arith.constant 0 : i32
        %dma_wait3A_426 = tpu.memref_slice %arg14[%add3A_225, %dma_wait3A_425] : memref<10000x128xf32, #tpu.memory_space<vmem_shared>> -> memref<96x128xf32, #tpu.memory_space<vmem_shared>>
        tpu.wait_dma2 semaphore(%run_scoped3A : memref<!tpu.dma_semaphore, #tpu.memory_space<semaphore_mem>>) src(%dma_wait3A_426 : memref<96x128xf32, #tpu.memory_space<vmem_shared>>) dst(%dma_wait3A_424 : memref<96x128xf32, #tpu.memory_space<vmem>>)
        tpu.yield
      }) : () -> ()
      %dma_start3A_241 = arith.constant 0 : i32
      %dma_start3A_242 = arith.constant 0 : i32
      %dma_start3A_243 = tpu.memref_slice %arg9[%dma_start3A_241, %dma_start3A_242] : memref<100x128xf32, #tpu.memory_space<vmem>> -> memref<96x128xf32, #tpu.memory_space<vmem>>
      %dma_start3A_244 = arith.constant 0 : i32
      %dma_start3A_245 = tpu.memref_slice %arg4[%arg0, %add3A_225, %dma_start3A_244] : memref<2x10000x128xf32, #tpu.memory_space<hbm>> -> memref<1x96x128xf32, #tpu.memory_space<hbm>>
      %dma_start3A_246 = tpu.memref_squeeze %dma_start3A_245 : memref<1x96x128xf32, #tpu.memory_space<hbm>> -> memref<96x128xf32, #tpu.memory_space<hbm>>
      %dma_start3A_247 = arith.constant 0 : i32
      %dma_start3A_248 = tpu.memref_slice %arg4[%arg0, %add3A_225, %dma_start3A_247] : memref<2x10000x128xf32, #tpu.memory_space<hbm>> -> memref<1x96x128xf32, #tpu.memory_space<hbm>>
      %dma_start3A_249 = tpu.memref_squeeze %dma_start3A_248 : memref<1x96x128xf32, #tpu.memory_space<hbm>> -> memref<96x128xf32, #tpu.memory_space<hbm>>
      %dma_start3A_250 = arith.constant 0 : i32
      %dma_start3A_251 = arith.constant 0 : i32
      %dma_start3A_252 = tpu.memref_slice %arg9[%dma_start3A_250, %dma_start3A_251] : memref<100x128xf32, #tpu.memory_space<vmem>> -> memref<96x128xf32, #tpu.memory_space<vmem>>
      tpu.enqueue_dma source(%dma_start3A_252 : memref<96x128xf32, #tpu.memory_space<vmem>>) target(%dma_start3A_249 : memref<96x128xf32, #tpu.memory_space<hbm>>) target_semaphore(%arg19 : memref<!tpu.dma_semaphore, #tpu.memory_space<semaphore_mem>>)
      %mul3A_253 = arith.constant 1000 : i32
      %mul3A_254 = arith.muli %arg1, %mul3A_253 : i32
      %add3A_255 = arith.constant 672 : i32
      %add3A_256 = arith.addi %mul3A_254, %add3A_255 : i32
      %dma_wait3A_257 = arith.constant 0 : i32
      %dma_wait3A_258 = arith.constant 0 : i32
      %dma_wait3A_259 = arith.constant 0 : i32
      %dma_wait3A_260 = tpu.memref_slice %arg10[%dma_wait3A_258, %dma_wait3A_259] : memref<100x128xf32, #tpu.memory_space<vmem>> -> memref<96x128xf32, #tpu.memory_space<vmem>>
      %dma_wait3A_261 = arith.constant 0 : i32
      %dma_wait3A_262 = arith.constant 0 : i32
      %dma_wait3A_263 = tpu.memref_slice %arg4[%dma_wait3A_257, %dma_wait3A_261, %dma_wait3A_262] : memref<2x10000x128xf32, #tpu.memory_space<hbm>> -> memref<1x96x128xf32, #tpu.memory_space<hbm>>
      %dma_wait3A_264 = tpu.memref_squeeze %dma_wait3A_263 : memref<1x96x128xf32, #tpu.memory_space<hbm>> -> memref<96x128xf32, #tpu.memory_space<hbm>>
      %dma_wait3A_265 = arith.constant 0 : i32
      %dma_wait3A_266 = arith.constant 0 : i32
      %dma_wait3A_267 = tpu.memref_slice %arg4[%dma_wait3A_257, %dma_wait3A_265, %dma_wait3A_266] : memref<2x10000x128xf32, #tpu.memory_space<hbm>> -> memref<1x96x128xf32, #tpu.memory_space<hbm>>
      %dma_wait3A_268 = tpu.memref_squeeze %dma_wait3A_267 : memref<1x96x128xf32, #tpu.memory_space<hbm>> -> memref<96x128xf32, #tpu.memory_space<hbm>>
      %dma_wait3A_269 = arith.constant 0 : i32
      %dma_wait3A_270 = arith.constant 0 : i32
      %dma_wait3A_271 = tpu.memref_slice %arg10[%dma_wait3A_269, %dma_wait3A_270] : memref<100x128xf32, #tpu.memory_space<vmem>> -> memref<96x128xf32, #tpu.memory_space<vmem>>
      tpu.wait_dma2 semaphore(%arg20 : memref<!tpu.dma_semaphore, #tpu.memory_space<semaphore_mem>>) src(%dma_wait3A_271 : memref<96x128xf32, #tpu.memory_space<vmem>>) dst(%dma_wait3A_268 : memref<96x128xf32, #tpu.memory_space<hbm>>)
      "tpu.region"() ({
        %run_scoped3A = tpu.sem_alloc : memref<!tpu.dma_semaphore, #tpu.memory_space<semaphore_mem>>
        %dma_start3A_407 = arith.constant 0 : i32
        %dma_start3A_408 = arith.constant 0 : i32
        %dma_start3A_409 = tpu.memref_slice %arg10[%dma_start3A_407, %dma_start3A_408] : memref<100x128xf32, #tpu.memory_space<vmem>> -> memref<96x128xf32, #tpu.memory_space<vmem>>
        %dma_start3A_410 = arith.constant 0 : i32
        %dma_start3A_411 = tpu.memref_slice %arg14[%add3A_256, %dma_start3A_410] : memref<10000x128xf32, #tpu.memory_space<vmem_shared>> -> memref<96x128xf32, #tpu.memory_space<vmem_shared>>
        %dma_start3A_412 = arith.constant 0 : i32
        %dma_start3A_413 = arith.constant 0 : i32
        %dma_start3A_414 = tpu.memref_slice %arg10[%dma_start3A_412, %dma_start3A_413] : memref<100x128xf32, #tpu.memory_space<vmem>> -> memref<96x128xf32, #tpu.memory_space<vmem>>
        %dma_start3A_415 = arith.constant 0 : i32
        %dma_start3A_416 = tpu.memref_slice %arg14[%add3A_256, %dma_start3A_415] : memref<10000x128xf32, #tpu.memory_space<vmem_shared>> -> memref<96x128xf32, #tpu.memory_space<vmem_shared>>
        tpu.enqueue_dma source(%dma_start3A_416 : memref<96x128xf32, #tpu.memory_space<vmem_shared>>) target(%dma_start3A_414 : memref<96x128xf32, #tpu.memory_space<vmem>>) target_semaphore(%run_scoped3A : memref<!tpu.dma_semaphore, #tpu.memory_space<semaphore_mem>>)
        %dma_wait3A_417 = arith.constant 0 : i32
        %dma_wait3A_418 = arith.constant 0 : i32
        %dma_wait3A_419 = tpu.memref_slice %arg10[%dma_wait3A_417, %dma_wait3A_418] : memref<100x128xf32, #tpu.memory_space<vmem>> -> memref<96x128xf32, #tpu.memory_space<vmem>>
        %dma_wait3A_420 = arith.constant 0 : i32
        %dma_wait3A_421 = tpu.memref_slice %arg14[%add3A_256, %dma_wait3A_420] : memref<10000x128xf32, #tpu.memory_space<vmem_shared>> -> memref<96x128xf32, #tpu.memory_space<vmem_shared>>
        %dma_wait3A_422 = arith.constant 0 : i32
        %dma_wait3A_423 = arith.constant 0 : i32
        %dma_wait3A_424 = tpu.memref_slice %arg10[%dma_wait3A_422, %dma_wait3A_423] : memref<100x128xf32, #tpu.memory_space<vmem>> -> memref<96x128xf32, #tpu.memory_space<vmem>>
        %dma_wait3A_425 = arith.constant 0 : i32
        %dma_wait3A_426 = tpu.memref_slice %arg14[%add3A_256, %dma_wait3A_425] : memref<10000x128xf32, #tpu.memory_space<vmem_shared>> -> memref<96x128xf32, #tpu.memory_space<vmem_shared>>
        tpu.wait_dma2 semaphore(%run_scoped3A : memref<!tpu.dma_semaphore, #tpu.memory_space<semaphore_mem>>) src(%dma_wait3A_426 : memref<96x128xf32, #tpu.memory_space<vmem_shared>>) dst(%dma_wait3A_424 : memref<96x128xf32, #tpu.memory_space<vmem>>)
        tpu.yield
      }) : () -> ()
      %dma_start3A_272 = arith.constant 0 : i32
      %dma_start3A_273 = arith.constant 0 : i32
      %dma_start3A_274 = tpu.memref_slice %arg10[%dma_start3A_272, %dma_start3A_273] : memref<100x128xf32, #tpu.memory_space<vmem>> -> memref<96x128xf32, #tpu.memory_space<vmem>>
      %dma_start3A_275 = arith.constant 0 : i32
      %dma_start3A_276 = tpu.memref_slice %arg4[%arg0, %add3A_256, %dma_start3A_275] : memref<2x10000x128xf32, #tpu.memory_space<hbm>> -> memref<1x96x128xf32, #tpu.memory_space<hbm>>
      %dma_start3A_277 = tpu.memref_squeeze %dma_start3A_276 : memref<1x96x128xf32, #tpu.memory_space<hbm>> -> memref<96x128xf32, #tpu.memory_space<hbm>>
      %dma_start3A_278 = arith.constant 0 : i32
      %dma_start3A_279 = tpu.memref_slice %arg4[%arg0, %add3A_256, %dma_start3A_278] : memref<2x10000x128xf32, #tpu.memory_space<hbm>> -> memref<1x96x128xf32, #tpu.memory_space<hbm>>
      %dma_start3A_280 = tpu.memref_squeeze %dma_start3A_279 : memref<1x96x128xf32, #tpu.memory_space<hbm>> -> memref<96x128xf32, #tpu.memory_space<hbm>>
      %dma_start3A_281 = arith.constant 0 : i32
      %dma_start3A_282 = arith.constant 0 : i32
      %dma_start3A_283 = tpu.memref_slice %arg10[%dma_start3A_281, %dma_start3A_282] : memref<100x128xf32, #tpu.memory_space<vmem>> -> memref<96x128xf32, #tpu.memory_space<vmem>>
      tpu.enqueue_dma source(%dma_start3A_283 : memref<96x128xf32, #tpu.memory_space<vmem>>) target(%dma_start3A_280 : memref<96x128xf32, #tpu.memory_space<hbm>>) target_semaphore(%arg20 : memref<!tpu.dma_semaphore, #tpu.memory_space<semaphore_mem>>)
      %mul3A_284 = arith.constant 1000 : i32
      %mul3A_285 = arith.muli %arg1, %mul3A_284 : i32
      %add3A_286 = arith.constant 768 : i32
      %add3A_287 = arith.addi %mul3A_285, %add3A_286 : i32
      %dma_wait3A_288 = arith.constant 0 : i32
      %dma_wait3A_289 = arith.constant 0 : i32
      %dma_wait3A_290 = arith.constant 0 : i32
      %dma_wait3A_291 = tpu.memref_slice %arg9[%dma_wait3A_289, %dma_wait3A_290] : memref<100x128xf32, #tpu.memory_space<vmem>> -> memref<96x128xf32, #tpu.memory_space<vmem>>
      %dma_wait3A_292 = arith.constant 0 : i32
      %dma_wait3A_293 = arith.constant 0 : i32
      %dma_wait3A_294 = tpu.memref_slice %arg4[%dma_wait3A_288, %dma_wait3A_292, %dma_wait3A_293] : memref<2x10000x128xf32, #tpu.memory_space<hbm>> -> memref<1x96x128xf32, #tpu.memory_space<hbm>>
      %dma_wait3A_295 = tpu.memref_squeeze %dma_wait3A_294 : memref<1x96x128xf32, #tpu.memory_space<hbm>> -> memref<96x128xf32, #tpu.memory_space<hbm>>
      %dma_wait3A_296 = arith.constant 0 : i32
      %dma_wait3A_297 = arith.constant 0 : i32
      %dma_wait3A_298 = tpu.memref_slice %arg4[%dma_wait3A_288, %dma_wait3A_296, %dma_wait3A_297] : memref<2x10000x128xf32, #tpu.memory_space<hbm>> -> memref<1x96x128xf32, #tpu.memory_space<hbm>>
      %dma_wait3A_299 = tpu.memref_squeeze %dma_wait3A_298 : memref<1x96x128xf32, #tpu.memory_space<hbm>> -> memref<96x128xf32, #tpu.memory_space<hbm>>
      %dma_wait3A_300 = arith.constant 0 : i32
      %dma_wait3A_301 = arith.constant 0 : i32
      %dma_wait3A_302 = tpu.memref_slice %arg9[%dma_wait3A_300, %dma_wait3A_301] : memref<100x128xf32, #tpu.memory_space<vmem>> -> memref<96x128xf32, #tpu.memory_space<vmem>>
      tpu.wait_dma2 semaphore(%arg19 : memref<!tpu.dma_semaphore, #tpu.memory_space<semaphore_mem>>) src(%dma_wait3A_302 : memref<96x128xf32, #tpu.memory_space<vmem>>) dst(%dma_wait3A_299 : memref<96x128xf32, #tpu.memory_space<hbm>>)
      "tpu.region"() ({
        %run_scoped3A = tpu.sem_alloc : memref<!tpu.dma_semaphore, #tpu.memory_space<semaphore_mem>>
        %dma_start3A_407 = arith.constant 0 : i32
        %dma_start3A_408 = arith.constant 0 : i32
        %dma_start3A_409 = tpu.memref_slice %arg9[%dma_start3A_407, %dma_start3A_408] : memref<100x128xf32, #tpu.memory_space<vmem>> -> memref<96x128xf32, #tpu.memory_space<vmem>>
        %dma_start3A_410 = arith.constant 0 : i32
        %dma_start3A_411 = tpu.memref_slice %arg14[%add3A_287, %dma_start3A_410] : memref<10000x128xf32, #tpu.memory_space<vmem_shared>> -> memref<96x128xf32, #tpu.memory_space<vmem_shared>>
        %dma_start3A_412 = arith.constant 0 : i32
        %dma_start3A_413 = arith.constant 0 : i32
        %dma_start3A_414 = tpu.memref_slice %arg9[%dma_start3A_412, %dma_start3A_413] : memref<100x128xf32, #tpu.memory_space<vmem>> -> memref<96x128xf32, #tpu.memory_space<vmem>>
        %dma_start3A_415 = arith.constant 0 : i32
        %dma_start3A_416 = tpu.memref_slice %arg14[%add3A_287, %dma_start3A_415] : memref<10000x128xf32, #tpu.memory_space<vmem_shared>> -> memref<96x128xf32, #tpu.memory_space<vmem_shared>>
        tpu.enqueue_dma source(%dma_start3A_416 : memref<96x128xf32, #tpu.memory_space<vmem_shared>>) target(%dma_start3A_414 : memref<96x128xf32, #tpu.memory_space<vmem>>) target_semaphore(%run_scoped3A : memref<!tpu.dma_semaphore, #tpu.memory_space<semaphore_mem>>)
        %dma_wait3A_417 = arith.constant 0 : i32
        %dma_wait3A_418 = arith.constant 0 : i32
        %dma_wait3A_419 = tpu.memref_slice %arg9[%dma_wait3A_417, %dma_wait3A_418] : memref<100x128xf32, #tpu.memory_space<vmem>> -> memref<96x128xf32, #tpu.memory_space<vmem>>
        %dma_wait3A_420 = arith.constant 0 : i32
        %dma_wait3A_421 = tpu.memref_slice %arg14[%add3A_287, %dma_wait3A_420] : memref<10000x128xf32, #tpu.memory_space<vmem_shared>> -> memref<96x128xf32, #tpu.memory_space<vmem_shared>>
        %dma_wait3A_422 = arith.constant 0 : i32
        %dma_wait3A_423 = arith.constant 0 : i32
        %dma_wait3A_424 = tpu.memref_slice %arg9[%dma_wait3A_422, %dma_wait3A_423] : memref<100x128xf32, #tpu.memory_space<vmem>> -> memref<96x128xf32, #tpu.memory_space<vmem>>
        %dma_wait3A_425 = arith.constant 0 : i32
        %dma_wait3A_426 = tpu.memref_slice %arg14[%add3A_287, %dma_wait3A_425] : memref<10000x128xf32, #tpu.memory_space<vmem_shared>> -> memref<96x128xf32, #tpu.memory_space<vmem_shared>>
        tpu.wait_dma2 semaphore(%run_scoped3A : memref<!tpu.dma_semaphore, #tpu.memory_space<semaphore_mem>>) src(%dma_wait3A_426 : memref<96x128xf32, #tpu.memory_space<vmem_shared>>) dst(%dma_wait3A_424 : memref<96x128xf32, #tpu.memory_space<vmem>>)
        tpu.yield
      }) : () -> ()
      %dma_start3A_303 = arith.constant 0 : i32
      %dma_start3A_304 = arith.constant 0 : i32
      %dma_start3A_305 = tpu.memref_slice %arg9[%dma_start3A_303, %dma_start3A_304] : memref<100x128xf32, #tpu.memory_space<vmem>> -> memref<96x128xf32, #tpu.memory_space<vmem>>
      %dma_start3A_306 = arith.constant 0 : i32
      %dma_start3A_307 = tpu.memref_slice %arg4[%arg0, %add3A_287, %dma_start3A_306] : memref<2x10000x128xf32, #tpu.memory_space<hbm>> -> memref<1x96x128xf32, #tpu.memory_space<hbm>>
      %dma_start3A_308 = tpu.memref_squeeze %dma_start3A_307 : memref<1x96x128xf32, #tpu.memory_space<hbm>> -> memref<96x128xf32, #tpu.memory_space<hbm>>
      %dma_start3A_309 = arith.constant 0 : i32
      %dma_start3A_310 = tpu.memref_slice %arg4[%arg0, %add3A_287, %dma_start3A_309] : memref<2x10000x128xf32, #tpu.memory_space<hbm>> -> memref<1x96x128xf32, #tpu.memory_space<hbm>>
      %dma_start3A_311 = tpu.memref_squeeze %dma_start3A_310 : memref<1x96x128xf32, #tpu.memory_space<hbm>> -> memref<96x128xf32, #tpu.memory_space<hbm>>
      %dma_start3A_312 = arith.constant 0 : i32
      %dma_start3A_313 = arith.constant 0 : i32
      %dma_start3A_314 = tpu.memref_slice %arg9[%dma_start3A_312, %dma_start3A_313] : memref<100x128xf32, #tpu.memory_space<vmem>> -> memref<96x128xf32, #tpu.memory_space<vmem>>
      tpu.enqueue_dma source(%dma_start3A_314 : memref<96x128xf32, #tpu.memory_space<vmem>>) target(%dma_start3A_311 : memref<96x128xf32, #tpu.memory_space<hbm>>) target_semaphore(%arg19 : memref<!tpu.dma_semaphore, #tpu.memory_space<semaphore_mem>>)
      %mul3A_315 = arith.constant 1000 : i32
      %mul3A_316 = arith.muli %arg1, %mul3A_315 : i32
      %add3A_317 = arith.constant 864 : i32
      %add3A_318 = arith.addi %mul3A_316, %add3A_317 : i32
      %dma_wait3A_319 = arith.constant 0 : i32
      %dma_wait3A_320 = arith.constant 0 : i32
      %dma_wait3A_321 = arith.constant 0 : i32
      %dma_wait3A_322 = tpu.memref_slice %arg10[%dma_wait3A_320, %dma_wait3A_321] : memref<100x128xf32, #tpu.memory_space<vmem>> -> memref<96x128xf32, #tpu.memory_space<vmem>>
      %dma_wait3A_323 = arith.constant 0 : i32
      %dma_wait3A_324 = arith.constant 0 : i32
      %dma_wait3A_325 = tpu.memref_slice %arg4[%dma_wait3A_319, %dma_wait3A_323, %dma_wait3A_324] : memref<2x10000x128xf32, #tpu.memory_space<hbm>> -> memref<1x96x128xf32, #tpu.memory_space<hbm>>
      %dma_wait3A_326 = tpu.memref_squeeze %dma_wait3A_325 : memref<1x96x128xf32, #tpu.memory_space<hbm>> -> memref<96x128xf32, #tpu.memory_space<hbm>>
      %dma_wait3A_327 = arith.constant 0 : i32
      %dma_wait3A_328 = arith.constant 0 : i32
      %dma_wait3A_329 = tpu.memref_slice %arg4[%dma_wait3A_319, %dma_wait3A_327, %dma_wait3A_328] : memref<2x10000x128xf32, #tpu.memory_space<hbm>> -> memref<1x96x128xf32, #tpu.memory_space<hbm>>
      %dma_wait3A_330 = tpu.memref_squeeze %dma_wait3A_329 : memref<1x96x128xf32, #tpu.memory_space<hbm>> -> memref<96x128xf32, #tpu.memory_space<hbm>>
      %dma_wait3A_331 = arith.constant 0 : i32
      %dma_wait3A_332 = arith.constant 0 : i32
      %dma_wait3A_333 = tpu.memref_slice %arg10[%dma_wait3A_331, %dma_wait3A_332] : memref<100x128xf32, #tpu.memory_space<vmem>> -> memref<96x128xf32, #tpu.memory_space<vmem>>
      tpu.wait_dma2 semaphore(%arg20 : memref<!tpu.dma_semaphore, #tpu.memory_space<semaphore_mem>>) src(%dma_wait3A_333 : memref<96x128xf32, #tpu.memory_space<vmem>>) dst(%dma_wait3A_330 : memref<96x128xf32, #tpu.memory_space<hbm>>)
      "tpu.region"() ({
        %run_scoped3A = tpu.sem_alloc : memref<!tpu.dma_semaphore, #tpu.memory_space<semaphore_mem>>
        %dma_start3A_407 = arith.constant 0 : i32
        %dma_start3A_408 = arith.constant 0 : i32
        %dma_start3A_409 = tpu.memref_slice %arg10[%dma_start3A_407, %dma_start3A_408] : memref<100x128xf32, #tpu.memory_space<vmem>> -> memref<96x128xf32, #tpu.memory_space<vmem>>
        %dma_start3A_410 = arith.constant 0 : i32
        %dma_start3A_411 = tpu.memref_slice %arg14[%add3A_318, %dma_start3A_410] : memref<10000x128xf32, #tpu.memory_space<vmem_shared>> -> memref<96x128xf32, #tpu.memory_space<vmem_shared>>
        %dma_start3A_412 = arith.constant 0 : i32
        %dma_start3A_413 = arith.constant 0 : i32
        %dma_start3A_414 = tpu.memref_slice %arg10[%dma_start3A_412, %dma_start3A_413] : memref<100x128xf32, #tpu.memory_space<vmem>> -> memref<96x128xf32, #tpu.memory_space<vmem>>
        %dma_start3A_415 = arith.constant 0 : i32
        %dma_start3A_416 = tpu.memref_slice %arg14[%add3A_318, %dma_start3A_415] : memref<10000x128xf32, #tpu.memory_space<vmem_shared>> -> memref<96x128xf32, #tpu.memory_space<vmem_shared>>
        tpu.enqueue_dma source(%dma_start3A_416 : memref<96x128xf32, #tpu.memory_space<vmem_shared>>) target(%dma_start3A_414 : memref<96x128xf32, #tpu.memory_space<vmem>>) target_semaphore(%run_scoped3A : memref<!tpu.dma_semaphore, #tpu.memory_space<semaphore_mem>>)
        %dma_wait3A_417 = arith.constant 0 : i32
        %dma_wait3A_418 = arith.constant 0 : i32
        %dma_wait3A_419 = tpu.memref_slice %arg10[%dma_wait3A_417, %dma_wait3A_418] : memref<100x128xf32, #tpu.memory_space<vmem>> -> memref<96x128xf32, #tpu.memory_space<vmem>>
        %dma_wait3A_420 = arith.constant 0 : i32
        %dma_wait3A_421 = tpu.memref_slice %arg14[%add3A_318, %dma_wait3A_420] : memref<10000x128xf32, #tpu.memory_space<vmem_shared>> -> memref<96x128xf32, #tpu.memory_space<vmem_shared>>
        %dma_wait3A_422 = arith.constant 0 : i32
        %dma_wait3A_423 = arith.constant 0 : i32
        %dma_wait3A_424 = tpu.memref_slice %arg10[%dma_wait3A_422, %dma_wait3A_423] : memref<100x128xf32, #tpu.memory_space<vmem>> -> memref<96x128xf32, #tpu.memory_space<vmem>>
        %dma_wait3A_425 = arith.constant 0 : i32
        %dma_wait3A_426 = tpu.memref_slice %arg14[%add3A_318, %dma_wait3A_425] : memref<10000x128xf32, #tpu.memory_space<vmem_shared>> -> memref<96x128xf32, #tpu.memory_space<vmem_shared>>
        tpu.wait_dma2 semaphore(%run_scoped3A : memref<!tpu.dma_semaphore, #tpu.memory_space<semaphore_mem>>) src(%dma_wait3A_426 : memref<96x128xf32, #tpu.memory_space<vmem_shared>>) dst(%dma_wait3A_424 : memref<96x128xf32, #tpu.memory_space<vmem>>)
        tpu.yield
      }) : () -> ()
      %dma_start3A_334 = arith.constant 0 : i32
      %dma_start3A_335 = arith.constant 0 : i32
      %dma_start3A_336 = tpu.memref_slice %arg10[%dma_start3A_334, %dma_start3A_335] : memref<100x128xf32, #tpu.memory_space<vmem>> -> memref<96x128xf32, #tpu.memory_space<vmem>>
      %dma_start3A_337 = arith.constant 0 : i32
      %dma_start3A_338 = tpu.memref_slice %arg4[%arg0, %add3A_318, %dma_start3A_337] : memref<2x10000x128xf32, #tpu.memory_space<hbm>> -> memref<1x96x128xf32, #tpu.memory_space<hbm>>
      %dma_start3A_339 = tpu.memref_squeeze %dma_start3A_338 : memref<1x96x128xf32, #tpu.memory_space<hbm>> -> memref<96x128xf32, #tpu.memory_space<hbm>>
      %dma_start3A_340 = arith.constant 0 : i32
      %dma_start3A_341 = tpu.memref_slice %arg4[%arg0, %add3A_318, %dma_start3A_340] : memref<2x10000x128xf32, #tpu.memory_space<hbm>> -> memref<1x96x128xf32, #tpu.memory_space<hbm>>
      %dma_start3A_342 = tpu.memref_squeeze %dma_start3A_341 : memref<1x96x128xf32, #tpu.memory_space<hbm>> -> memref<96x128xf32, #tpu.memory_space<hbm>>
      %dma_start3A_343 = arith.constant 0 : i32
      %dma_start3A_344 = arith.constant 0 : i32
      %dma_start3A_345 = tpu.memref_slice %arg10[%dma_start3A_343, %dma_start3A_344] : memref<100x128xf32, #tpu.memory_space<vmem>> -> memref<96x128xf32, #tpu.memory_space<vmem>>
      tpu.enqueue_dma source(%dma_start3A_345 : memref<96x128xf32, #tpu.memory_space<vmem>>) target(%dma_start3A_342 : memref<96x128xf32, #tpu.memory_space<hbm>>) target_semaphore(%arg20 : memref<!tpu.dma_semaphore, #tpu.memory_space<semaphore_mem>>)
      %mul3A_346 = arith.constant 1000 : i32
      %mul3A_347 = arith.muli %arg1, %mul3A_346 : i32
      %add3A_348 = arith.constant 960 : i32
      %add3A_349 = arith.addi %mul3A_347, %add3A_348 : i32
      "tpu.region"() ({
        %run_scoped3A = tpu.sem_alloc : memref<!tpu.dma_semaphore, #tpu.memory_space<semaphore_mem>>
        %dma_start3A_407 = arith.constant 0 : i32
        %dma_start3A_408 = arith.constant 0 : i32
        %dma_start3A_409 = tpu.memref_slice %arg11[%dma_start3A_407, %dma_start3A_408] : memref<100x128xf32, #tpu.memory_space<vmem>> -> memref<40x128xf32, #tpu.memory_space<vmem>>
        %dma_start3A_410 = arith.constant 0 : i32
        %dma_start3A_411 = tpu.memref_slice %arg14[%add3A_349, %dma_start3A_410] : memref<10000x128xf32, #tpu.memory_space<vmem_shared>> -> memref<40x128xf32, #tpu.memory_space<vmem_shared>>
        %dma_start3A_412 = arith.constant 0 : i32
        %dma_start3A_413 = arith.constant 0 : i32
        %dma_start3A_414 = tpu.memref_slice %arg11[%dma_start3A_412, %dma_start3A_413] : memref<100x128xf32, #tpu.memory_space<vmem>> -> memref<40x128xf32, #tpu.memory_space<vmem>>
        %dma_start3A_415 = arith.constant 0 : i32
        %dma_start3A_416 = tpu.memref_slice %arg14[%add3A_349, %dma_start3A_415] : memref<10000x128xf32, #tpu.memory_space<vmem_shared>> -> memref<40x128xf32, #tpu.memory_space<vmem_shared>>
        tpu.enqueue_dma source(%dma_start3A_416 : memref<40x128xf32, #tpu.memory_space<vmem_shared>>) target(%dma_start3A_414 : memref<40x128xf32, #tpu.memory_space<vmem>>) target_semaphore(%run_scoped3A : memref<!tpu.dma_semaphore, #tpu.memory_space<semaphore_mem>>)
        %dma_wait3A_417 = arith.constant 0 : i32
        %dma_wait3A_418 = arith.constant 0 : i32
        %dma_wait3A_419 = tpu.memref_slice %arg11[%dma_wait3A_417, %dma_wait3A_418] : memref<100x128xf32, #tpu.memory_space<vmem>> -> memref<40x128xf32, #tpu.memory_space<vmem>>
        %dma_wait3A_420 = arith.constant 0 : i32
        %dma_wait3A_421 = tpu.memref_slice %arg14[%add3A_349, %dma_wait3A_420] : memref<10000x128xf32, #tpu.memory_space<vmem_shared>> -> memref<40x128xf32, #tpu.memory_space<vmem_shared>>
        %dma_wait3A_422 = arith.constant 0 : i32
        %dma_wait3A_423 = arith.constant 0 : i32
        %dma_wait3A_424 = tpu.memref_slice %arg11[%dma_wait3A_422, %dma_wait3A_423] : memref<100x128xf32, #tpu.memory_space<vmem>> -> memref<40x128xf32, #tpu.memory_space<vmem>>
        %dma_wait3A_425 = arith.constant 0 : i32
        %dma_wait3A_426 = tpu.memref_slice %arg14[%add3A_349, %dma_wait3A_425] : memref<10000x128xf32, #tpu.memory_space<vmem_shared>> -> memref<40x128xf32, #tpu.memory_space<vmem_shared>>
        tpu.wait_dma2 semaphore(%run_scoped3A : memref<!tpu.dma_semaphore, #tpu.memory_space<semaphore_mem>>) src(%dma_wait3A_426 : memref<40x128xf32, #tpu.memory_space<vmem_shared>>) dst(%dma_wait3A_424 : memref<40x128xf32, #tpu.memory_space<vmem>>)
        tpu.yield
      }) : () -> ()
      %dma_start3A_350 = arith.constant 0 : i32
      %dma_start3A_351 = arith.constant 0 : i32
      %dma_start3A_352 = tpu.memref_slice %arg11[%dma_start3A_350, %dma_start3A_351] : memref<100x128xf32, #tpu.memory_space<vmem>> -> memref<40x128xf32, #tpu.memory_space<vmem>>
      %dma_start3A_353 = arith.constant 0 : i32
      %dma_start3A_354 = tpu.memref_slice %arg4[%arg0, %add3A_349, %dma_start3A_353] : memref<2x10000x128xf32, #tpu.memory_space<hbm>> -> memref<1x40x128xf32, #tpu.memory_space<hbm>>
      %dma_start3A_355 = tpu.memref_squeeze %dma_start3A_354 : memref<1x40x128xf32, #tpu.memory_space<hbm>> -> memref<40x128xf32, #tpu.memory_space<hbm>>
      %dma_start3A_356 = arith.constant 0 : i32
      %dma_start3A_357 = tpu.memref_slice %arg4[%arg0, %add3A_349, %dma_start3A_356] : memref<2x10000x128xf32, #tpu.memory_space<hbm>> -> memref<1x40x128xf32, #tpu.memory_space<hbm>>
      %dma_start3A_358 = tpu.memref_squeeze %dma_start3A_357 : memref<1x40x128xf32, #tpu.memory_space<hbm>> -> memref<40x128xf32, #tpu.memory_space<hbm>>
      %dma_start3A_359 = arith.constant 0 : i32
      %dma_start3A_360 = arith.constant 0 : i32
      %dma_start3A_361 = tpu.memref_slice %arg11[%dma_start3A_359, %dma_start3A_360] : memref<100x128xf32, #tpu.memory_space<vmem>> -> memref<40x128xf32, #tpu.memory_space<vmem>>
      tpu.enqueue_dma source(%dma_start3A_361 : memref<40x128xf32, #tpu.memory_space<vmem>>) target(%dma_start3A_358 : memref<40x128xf32, #tpu.memory_space<hbm>>) target_semaphore(%arg21 : memref<!tpu.dma_semaphore, #tpu.memory_space<semaphore_mem>>)
      %dma_wait3A_362 = arith.constant 0 : i32
      %dma_wait3A_363 = arith.constant 0 : i32
      %dma_wait3A_364 = arith.constant 0 : i32
      %dma_wait3A_365 = tpu.memref_slice %arg9[%dma_wait3A_363, %dma_wait3A_364] : memref<100x128xf32, #tpu.memory_space<vmem>> -> memref<96x128xf32, #tpu.memory_space<vmem>>
      %dma_wait3A_366 = arith.constant 0 : i32
      %dma_wait3A_367 = arith.constant 0 : i32
      %dma_wait3A_368 = tpu.memref_slice %arg4[%dma_wait3A_362, %dma_wait3A_366, %dma_wait3A_367] : memref<2x10000x128xf32, #tpu.memory_space<hbm>> -> memref<1x96x128xf32, #tpu.memory_space<hbm>>
      %dma_wait3A_369 = tpu.memref_squeeze %dma_wait3A_368 : memref<1x96x128xf32, #tpu.memory_space<hbm>> -> memref<96x128xf32, #tpu.memory_space<hbm>>
      %dma_wait3A_370 = arith.constant 0 : i32
      %dma_wait3A_371 = arith.constant 0 : i32
      %dma_wait3A_372 = tpu.memref_slice %arg4[%dma_wait3A_362, %dma_wait3A_370, %dma_wait3A_371] : memref<2x10000x128xf32, #tpu.memory_space<hbm>> -> memref<1x96x128xf32, #tpu.memory_space<hbm>>
      %dma_wait3A_373 = tpu.memref_squeeze %dma_wait3A_372 : memref<1x96x128xf32, #tpu.memory_space<hbm>> -> memref<96x128xf32, #tpu.memory_space<hbm>>
      %dma_wait3A_374 = arith.constant 0 : i32
      %dma_wait3A_375 = arith.constant 0 : i32
      %dma_wait3A_376 = tpu.memref_slice %arg9[%dma_wait3A_374, %dma_wait3A_375] : memref<100x128xf32, #tpu.memory_space<vmem>> -> memref<96x128xf32, #tpu.memory_space<vmem>>
      tpu.wait_dma2 semaphore(%arg19 : memref<!tpu.dma_semaphore, #tpu.memory_space<semaphore_mem>>) src(%dma_wait3A_376 : memref<96x128xf32, #tpu.memory_space<vmem>>) dst(%dma_wait3A_373 : memref<96x128xf32, #tpu.memory_space<hbm>>)
      %dma_wait3A_377 = arith.constant 0 : i32
      %dma_wait3A_378 = arith.constant 0 : i32
      %dma_wait3A_379 = arith.constant 0 : i32
      %dma_wait3A_380 = tpu.memref_slice %arg10[%dma_wait3A_378, %dma_wait3A_379] : memref<100x128xf32, #tpu.memory_space<vmem>> -> memref<96x128xf32, #tpu.memory_space<vmem>>
      %dma_wait3A_381 = arith.constant 0 : i32
      %dma_wait3A_382 = arith.constant 0 : i32
      %dma_wait3A_383 = tpu.memref_slice %arg4[%dma_wait3A_377, %dma_wait3A_381, %dma_wait3A_382] : memref<2x10000x128xf32, #tpu.memory_space<hbm>> -> memref<1x96x128xf32, #tpu.memory_space<hbm>>
      %dma_wait3A_384 = tpu.memref_squeeze %dma_wait3A_383 : memref<1x96x128xf32, #tpu.memory_space<hbm>> -> memref<96x128xf32, #tpu.memory_space<hbm>>
      %dma_wait3A_385 = arith.constant 0 : i32
      %dma_wait3A_386 = arith.constant 0 : i32
      %dma_wait3A_387 = tpu.memref_slice %arg4[%dma_wait3A_377, %dma_wait3A_385, %dma_wait3A_386] : memref<2x10000x128xf32, #tpu.memory_space<hbm>> -> memref<1x96x128xf32, #tpu.memory_space<hbm>>
      %dma_wait3A_388 = tpu.memref_squeeze %dma_wait3A_387 : memref<1x96x128xf32, #tpu.memory_space<hbm>> -> memref<96x128xf32, #tpu.memory_space<hbm>>
      %dma_wait3A_389 = arith.constant 0 : i32
      %dma_wait3A_390 = arith.constant 0 : i32
      %dma_wait3A_391 = tpu.memref_slice %arg10[%dma_wait3A_389, %dma_wait3A_390] : memref<100x128xf32, #tpu.memory_space<vmem>> -> memref<96x128xf32, #tpu.memory_space<vmem>>
      tpu.wait_dma2 semaphore(%arg20 : memref<!tpu.dma_semaphore, #tpu.memory_space<semaphore_mem>>) src(%dma_wait3A_391 : memref<96x128xf32, #tpu.memory_space<vmem>>) dst(%dma_wait3A_388 : memref<96x128xf32, #tpu.memory_space<hbm>>)
      %dma_wait3A_392 = arith.constant 0 : i32
      %dma_wait3A_393 = arith.constant 0 : i32
      %dma_wait3A_394 = arith.constant 0 : i32
      %dma_wait3A_395 = tpu.memref_slice %arg11[%dma_wait3A_393, %dma_wait3A_394] : memref<100x128xf32, #tpu.memory_space<vmem>> -> memref<40x128xf32, #tpu.memory_space<vmem>>
      %dma_wait3A_396 = arith.constant 0 : i32
      %dma_wait3A_397 = arith.constant 0 : i32
      %dma_wait3A_398 = tpu.memref_slice %arg4[%dma_wait3A_392, %dma_wait3A_396, %dma_wait3A_397] : memref<2x10000x128xf32, #tpu.memory_space<hbm>> -> memref<1x40x128xf32, #tpu.memory_space<hbm>>
      %dma_wait3A_399 = tpu.memref_squeeze %dma_wait3A_398 : memref<1x40x128xf32, #tpu.memory_space<hbm>> -> memref<40x128xf32, #tpu.memory_space<hbm>>
      %dma_wait3A_400 = arith.constant 0 : i32
      %dma_wait3A_401 = arith.constant 0 : i32
      %dma_wait3A_402 = tpu.memref_slice %arg4[%dma_wait3A_392, %dma_wait3A_400, %dma_wait3A_401] : memref<2x10000x128xf32, #tpu.memory_space<hbm>> -> memref<1x40x128xf32, #tpu.memory_space<hbm>>
      %dma_wait3A_403 = tpu.memref_squeeze %dma_wait3A_402 : memref<1x40x128xf32, #tpu.memory_space<hbm>> -> memref<40x128xf32, #tpu.memory_space<hbm>>
      %dma_wait3A_404 = arith.constant 0 : i32
      %dma_wait3A_405 = arith.constant 0 : i32
      %dma_wait3A_406 = tpu.memref_slice %arg11[%dma_wait3A_404, %dma_wait3A_405] : memref<100x128xf32, #tpu.memory_space<vmem>> -> memref<40x128xf32, #tpu.memory_space<vmem>>
      tpu.wait_dma2 semaphore(%arg21 : memref<!tpu.dma_semaphore, #tpu.memory_space<semaphore_mem>>) src(%dma_wait3A_406 : memref<40x128xf32, #tpu.memory_space<vmem>>) dst(%dma_wait3A_403 : memref<40x128xf32, #tpu.memory_space<hbm>>)
    } else {
    }
    %lt3A_65 = arith.constant 5 : i32
    %lt3A_66 = arith.cmpi slt, %arg1, %lt3A_65 : i32
    %convert_element_type3A_67 = arith.extui %lt3A_66 : i1 to i32
    %cond3A_68 = arith.constant 0 : i32
    %cond3A_69 = arith.cmpi ne, %convert_element_type3A_67, %cond3A_68 : i32
    scf.if %cond3A_69 {
      %mul3A = arith.constant 2000 : i32
      %mul3A_70 = arith.muli %arg1, %mul3A : i32
      "tpu.region"() ({
        %run_scoped3A = tpu.sem_alloc : memref<!tpu.dma_semaphore, #tpu.memory_space<semaphore_mem>>
        %dma_start3A = tpu.memref_slice %arg15[%mul3A_70] : memref<10000xf32, #tpu.memory_space<vmem_shared>> -> memref<2000xf32, #tpu.memory_space<vmem_shared>>
        %dma_start3A_80 = tpu.memref_slice %arg15[%mul3A_70] : memref<10000xf32, #tpu.memory_space<vmem_shared>> -> memref<2000xf32, #tpu.memory_space<vmem_shared>>
        tpu.enqueue_dma source(%dma_start3A_80 : memref<2000xf32, #tpu.memory_space<vmem_shared>>) target(%arg13 : memref<2000xf32, #tpu.memory_space<vmem>>) target_semaphore(%run_scoped3A : memref<!tpu.dma_semaphore, #tpu.memory_space<semaphore_mem>>)
        %dma_wait3A = tpu.memref_slice %arg15[%mul3A_70] : memref<10000xf32, #tpu.memory_space<vmem_shared>> -> memref<2000xf32, #tpu.memory_space<vmem_shared>>
        %dma_wait3A_81 = tpu.memref_slice %arg15[%mul3A_70] : memref<10000xf32, #tpu.memory_space<vmem_shared>> -> memref<2000xf32, #tpu.memory_space<vmem_shared>>
        tpu.wait_dma2 semaphore(%run_scoped3A : memref<!tpu.dma_semaphore, #tpu.memory_space<semaphore_mem>>) src(%dma_wait3A_81 : memref<2000xf32, #tpu.memory_space<vmem_shared>>) dst(%arg13 : memref<2000xf32, #tpu.memory_space<vmem>>)
        tpu.yield
      }) : () -> ()
      %eq3A = arith.constant 0 : i32
      %eq3A_71 = arith.cmpi eq, %arg0, %eq3A : i32
      %convert_element_type3A_72 = arith.extui %eq3A_71 : i1 to i32
      %cond3A_73 = arith.constant 0 : i32
      %cond3A_74 = arith.cmpi ne, %convert_element_type3A_72, %cond3A_73 : i32
      scf.if %cond3A_74 {
        %mul3A_80 = arith.constant 2000 : i32
        %mul3A_81 = arith.muli %arg1, %mul3A_80 : i32
        "tpu.region"() ({
          %run_scoped3A = tpu.sem_alloc : memref<!tpu.dma_semaphore, #tpu.memory_space<semaphore_mem>>
          %dma_start3A = tpu.memref_slice %arg5[%mul3A_81] : memref<10000xf32, #tpu.memory_space<hbm>> -> memref<2000xf32, #tpu.memory_space<hbm>>
          %dma_start3A_82 = tpu.memref_slice %arg5[%mul3A_81] : memref<10000xf32, #tpu.memory_space<hbm>> -> memref<2000xf32, #tpu.memory_space<hbm>>
          tpu.enqueue_dma source(%arg13 : memref<2000xf32, #tpu.memory_space<vmem>>) target(%dma_start3A_82 : memref<2000xf32, #tpu.memory_space<hbm>>) target_semaphore(%run_scoped3A : memref<!tpu.dma_semaphore, #tpu.memory_space<semaphore_mem>>)
          %dma_wait3A = tpu.memref_slice %arg5[%mul3A_81] : memref<10000xf32, #tpu.memory_space<hbm>> -> memref<2000xf32, #tpu.memory_space<hbm>>
          %dma_wait3A_83 = tpu.memref_slice %arg5[%mul3A_81] : memref<10000xf32, #tpu.memory_space<hbm>> -> memref<2000xf32, #tpu.memory_space<hbm>>
          tpu.wait_dma2 semaphore(%run_scoped3A : memref<!tpu.dma_semaphore, #tpu.memory_space<semaphore_mem>>) src(%arg13 : memref<2000xf32, #tpu.memory_space<vmem>>) dst(%dma_wait3A_83 : memref<2000xf32, #tpu.memory_space<hbm>>)
          tpu.yield
        }) : () -> ()
      } else {
      }
      %eq3A_75 = arith.constant 1 : i32
      %eq3A_76 = arith.cmpi eq, %arg0, %eq3A_75 : i32
      %convert_element_type3A_77 = arith.extui %eq3A_76 : i1 to i32
      %cond3A_78 = arith.constant 0 : i32
      %cond3A_79 = arith.cmpi ne, %convert_element_type3A_77, %cond3A_78 : i32
      scf.if %cond3A_79 {
        %mul3A_80 = arith.constant 2000 : i32
        %mul3A_81 = arith.muli %arg1, %mul3A_80 : i32
        "tpu.region"() ({
          %run_scoped3A = tpu.sem_alloc : memref<!tpu.dma_semaphore, #tpu.memory_space<semaphore_mem>>
          %dma_start3A = tpu.memref_slice %arg6[%mul3A_81] : memref<10000xf32, #tpu.memory_space<hbm>> -> memref<2000xf32, #tpu.memory_space<hbm>>
          %dma_start3A_82 = tpu.memref_slice %arg6[%mul3A_81] : memref<10000xf32, #tpu.memory_space<hbm>> -> memref<2000xf32, #tpu.memory_space<hbm>>
          tpu.enqueue_dma source(%arg13 : memref<2000xf32, #tpu.memory_space<vmem>>) target(%dma_start3A_82 : memref<2000xf32, #tpu.memory_space<hbm>>) target_semaphore(%run_scoped3A : memref<!tpu.dma_semaphore, #tpu.memory_space<semaphore_mem>>)
          %dma_wait3A = tpu.memref_slice %arg6[%mul3A_81] : memref<10000xf32, #tpu.memory_space<hbm>> -> memref<2000xf32, #tpu.memory_space<hbm>>
          %dma_wait3A_83 = tpu.memref_slice %arg6[%mul3A_81] : memref<10000xf32, #tpu.memory_space<hbm>> -> memref<2000xf32, #tpu.memory_space<hbm>>
          tpu.wait_dma2 semaphore(%run_scoped3A : memref<!tpu.dma_semaphore, #tpu.memory_space<semaphore_mem>>) src(%arg13 : memref<2000xf32, #tpu.memory_space<vmem>>) dst(%dma_wait3A_83 : memref<2000xf32, #tpu.memory_space<hbm>>)
          tpu.yield
        }) : () -> ()
      } else {
      }
    } else {
    }
    return
  }
}

module attributes {stable_mosaic.version = 14 : i64} {
  func.func @body(%arg0: i32, %arg1: memref<400x128xf32, #tpu.memory_space<vmem>>, %arg2: memref<400x128xf32, #tpu.memory_space<vmem>>, %arg3: memref<400x128xf32, #tpu.memory_space<vmem>>, %arg4: memref<400x1xf32, #tpu.memory_space<vmem>>, %arg5: memref<400x1xf32, #tpu.memory_space<vmem>>, %arg6: memref<8x128xf32, #tpu.memory_space<vmem>>, %arg7: memref<128x128xf32, #tpu.memory_space<vmem>>, %arg8: memref<128x128xf32, #tpu.memory_space<vmem>>, %arg9: memref<128x128xf32, #tpu.memory_space<vmem>>, %arg10: memref<128x128xf32, #tpu.memory_space<vmem>>, %arg11: memref<1x128xf32, #tpu.memory_space<vmem>>, %arg12: memref<1x128xf32, #tpu.memory_space<vmem>>, %arg13: memref<1x128xf32, #tpu.memory_space<vmem>>, %arg14: memref<1x128xf32, #tpu.memory_space<vmem>>, %arg15: memref<400x128xf32, #tpu.memory_space<vmem>>, %arg16: memref<8x128xf32, #tpu.memory_space<vmem>>) attributes {dimension_semantics = [#tpu.dimension_semantics<arbitrary>], iteration_bounds = array<i64: 25>, scalar_prefetch = 0 : i64, scratch_operands = 0 : i64, tpu.core_type = #tpu.core_type<tc>, window_params = [{transform_indices = @transform_0, window_bounds = array<i64: 400, 128>}, {transform_indices = @transform_1, window_bounds = array<i64: 400, 128>}, {transform_indices = @transform_2, window_bounds = array<i64: 400, 128>}, {transform_indices = @transform_3, window_bounds = array<i64: 400, 1>}, {transform_indices = @transform_4, window_bounds = array<i64: 400, 1>}, {pipeline_mode = #tpu.pipeline_mode<synchronous>, transform_indices = @transform_5, window_bounds = array<i64: 8, 128>}, {pipeline_mode = #tpu.pipeline_mode<synchronous>, transform_indices = @transform_6, window_bounds = array<i64: 128, 128>}, {pipeline_mode = #tpu.pipeline_mode<synchronous>, transform_indices = @transform_7, window_bounds = array<i64: 128, 128>}, {pipeline_mode = #tpu.pipeline_mode<synchronous>, transform_indices = @transform_8, window_bounds = array<i64: 128, 128>}, {pipeline_mode = #tpu.pipeline_mode<synchronous>, transform_indices = @transform_9, window_bounds = array<i64: 128, 128>}, {pipeline_mode = #tpu.pipeline_mode<synchronous>, transform_indices = @transform_10, window_bounds = array<i64: 1, 128>}, {pipeline_mode = #tpu.pipeline_mode<synchronous>, transform_indices = @transform_11, window_bounds = array<i64: 1, 128>}, {pipeline_mode = #tpu.pipeline_mode<synchronous>, transform_indices = @transform_12, window_bounds = array<i64: 1, 128>}, {pipeline_mode = #tpu.pipeline_mode<synchronous>, transform_indices = @transform_13, window_bounds = array<i64: 1, 128>}, {transform_indices = @transform_14, window_bounds = array<i64: 400, 128>}, {pipeline_mode = #tpu.pipeline_mode<synchronous>, transform_indices = @transform_15, window_bounds = array<i64: 8, 128>}]} {
    %get3A = arith.constant 0 : index
    %get3A_0 = arith.constant 0 : index
    %get3A_1 = vector.load %arg6[%get3A, %get3A_0] : memref<8x128xf32, #tpu.memory_space<vmem>>, vector<8x128xf32>
    %get3A_2 = arith.constant 0 : index
    %get3A_3 = arith.constant 0 : index
    %get3A_4 = vector.load %arg7[%get3A_2, %get3A_3] : memref<128x128xf32, #tpu.memory_space<vmem>>, vector<128x128xf32>
    %dot_general3A = arith.constant dense<0.000000e+00> : vector<8x128xf32>
    %dot_general3A_5 = tpu.matmul %get3A_1, %get3A_4, %dot_general3A {dimension_numbers = #tpu.dot_dimension_numbers<[1], [1], [0], [0], [0, 0, 1, 0], [], []>, transpose_lhs_hint = false} : vector<8x128xf32>, vector<128x128xf32>, vector<8x128xf32> -> vector<8x128xf32>
    %get3A_6 = arith.constant 0 : index
    %get3A_7 = arith.constant 0 : index
    %get3A_8 = vector.load %arg8[%get3A_6, %get3A_7] : memref<128x128xf32, #tpu.memory_space<vmem>>, vector<128x128xf32>
    %dot_general3A_9 = arith.constant dense<0.000000e+00> : vector<8x128xf32>
    %dot_general3A_10 = tpu.matmul %get3A_1, %get3A_8, %dot_general3A_9 {dimension_numbers = #tpu.dot_dimension_numbers<[1], [1], [0], [0], [0, 0, 1, 0], [], []>, transpose_lhs_hint = false} : vector<8x128xf32>, vector<128x128xf32>, vector<8x128xf32> -> vector<8x128xf32>
    %get3A_11 = arith.constant 0 : index
    %get3A_12 = arith.constant 0 : index
    %get3A_13 = vector.load %arg9[%get3A_11, %get3A_12] : memref<128x128xf32, #tpu.memory_space<vmem>>, vector<128x128xf32>
    %dot_general3A_14 = arith.constant dense<0.000000e+00> : vector<8x128xf32>
    %dot_general3A_15 = tpu.matmul %get3A_1, %get3A_13, %dot_general3A_14 {dimension_numbers = #tpu.dot_dimension_numbers<[1], [1], [0], [0], [0, 0, 1, 0], [], []>, transpose_lhs_hint = false} : vector<8x128xf32>, vector<128x128xf32>, vector<8x128xf32> -> vector<8x128xf32>
    %get3A_16 = arith.constant 0 : index
    %get3A_17 = arith.constant 0 : index
    %get3A_18 = vector.load %arg11[%get3A_16, %get3A_17] : memref<1x128xf32, #tpu.memory_space<vmem>>, vector<1x128xf32>
    %slice3A = vector.extract_strided_slice %dot_general3A_5 {offsets = [1, 0], sizes = [1, 128], strides = [1, 1]} : vector<8x128xf32> to vector<1x128xf32>
    %sub3A = arith.subf %get3A_18, %slice3A : vector<1x128xf32>
    %get3A_19 = arith.constant 0 : index
    %get3A_20 = arith.constant 0 : index
    %get3A_21 = vector.load %arg12[%get3A_19, %get3A_20] : memref<1x128xf32, #tpu.memory_space<vmem>>, vector<1x128xf32>
    %slice3A_22 = vector.extract_strided_slice %dot_general3A_10 {offsets = [2, 0], sizes = [1, 128], strides = [1, 1]} : vector<8x128xf32> to vector<1x128xf32>
    %sub3A_23 = arith.subf %get3A_21, %slice3A_22 : vector<1x128xf32>
    %get3A_24 = arith.constant 0 : index
    %get3A_25 = arith.constant 0 : index
    %get3A_26 = vector.load %arg13[%get3A_24, %get3A_25] : memref<1x128xf32, #tpu.memory_space<vmem>>, vector<1x128xf32>
    %slice3A_27 = vector.extract_strided_slice %dot_general3A_15 {offsets = [2, 0], sizes = [1, 128], strides = [1, 1]} : vector<8x128xf32> to vector<1x128xf32>
    %sub3A_28 = arith.subf %get3A_26, %slice3A_27 : vector<1x128xf32>
    %get3A_29 = arith.constant 0 : index
    %get3A_30 = arith.constant 0 : index
    %get3A_31 = vector.load %arg4[%get3A_29, %get3A_30] : memref<400x1xf32, #tpu.memory_space<vmem>>, vector<400x1xf32>
    %get3A_32 = arith.constant 0 : index
    %get3A_33 = arith.constant 0 : index
    %get3A_34 = vector.load %arg5[%get3A_32, %get3A_33] : memref<400x1xf32, #tpu.memory_space<vmem>>, vector<400x1xf32>
    %get3A_35 = arith.constant 0 : index
    %get3A_36 = arith.constant 0 : index
    %get3A_37 = vector.load %arg2[%get3A_35, %get3A_36] : memref<400x128xf32, #tpu.memory_space<vmem>>, vector<400x128xf32>
    %max3A = arith.constant 1.000000e+00 : f32
    %max3A_38 = vector.broadcast %max3A : f32 to vector<400x1xf32>
    %max3A_39 = arith.maximumf %get3A_31, %max3A_38 : vector<400x1xf32>
    %div3A = arith.constant 1.000000e+00 : f32
    %div3A_40 = vector.broadcast %div3A : f32 to vector<400x1xf32>
    %div3A_41 = arith.divf %div3A_40, %max3A_39 : vector<400x1xf32>
    %mul3A = vector.broadcast %div3A_41 : vector<400x1xf32> to vector<400x128xf32>
    %mul3A_42 = arith.mulf %get3A_37, %mul3A : vector<400x128xf32>
    %get3A_43 = arith.constant 0 : index
    %get3A_44 = arith.constant 0 : index
    %get3A_45 = vector.load %arg3[%get3A_43, %get3A_44] : memref<400x128xf32, #tpu.memory_space<vmem>>, vector<400x128xf32>
    %max3A_46 = arith.constant 1.000000e+00 : f32
    %max3A_47 = vector.broadcast %max3A_46 : f32 to vector<400x1xf32>
    %max3A_48 = arith.maximumf %get3A_34, %max3A_47 : vector<400x1xf32>
    %div3A_49 = arith.constant 1.000000e+00 : f32
    %div3A_50 = vector.broadcast %div3A_49 : f32 to vector<400x1xf32>
    %div3A_51 = arith.divf %div3A_50, %max3A_48 : vector<400x1xf32>
    %mul3A_52 = vector.broadcast %div3A_51 : vector<400x1xf32> to vector<400x128xf32>
    %mul3A_53 = arith.mulf %get3A_45, %mul3A_52 : vector<400x128xf32>
    %get3A_54 = arith.constant 0 : index
    %get3A_55 = arith.constant 0 : index
    %get3A_56 = vector.load %arg7[%get3A_54, %get3A_55] : memref<128x128xf32, #tpu.memory_space<vmem>>, vector<128x128xf32>
    %dot_general3A_57 = arith.constant dense<0.000000e+00> : vector<400x128xf32>
    %dot_general3A_58 = tpu.matmul %mul3A_42, %get3A_56, %dot_general3A_57 {dimension_numbers = #tpu.dot_dimension_numbers<[1], [1], [0], [0], [0, 0, 1, 0], [], []>, transpose_lhs_hint = false} : vector<400x128xf32>, vector<128x128xf32>, vector<400x128xf32> -> vector<400x128xf32>
    %get3A_59 = arith.constant 0 : index
    %get3A_60 = arith.constant 0 : index
    %get3A_61 = vector.load %arg8[%get3A_59, %get3A_60] : memref<128x128xf32, #tpu.memory_space<vmem>>, vector<128x128xf32>
    %dot_general3A_62 = arith.constant dense<0.000000e+00> : vector<400x128xf32>
    %dot_general3A_63 = tpu.matmul %mul3A_53, %get3A_61, %dot_general3A_62 {dimension_numbers = #tpu.dot_dimension_numbers<[1], [1], [0], [0], [0, 0, 1, 0], [], []>, transpose_lhs_hint = false} : vector<400x128xf32>, vector<128x128xf32>, vector<400x128xf32> -> vector<400x128xf32>
    %add3A = arith.addf %dot_general3A_58, %dot_general3A_63 : vector<400x128xf32>
    %get3A_64 = arith.constant 0 : index
    %get3A_65 = arith.constant 0 : index
    %get3A_66 = vector.load %arg1[%get3A_64, %get3A_65] : memref<400x128xf32, #tpu.memory_space<vmem>>, vector<400x128xf32>
    %get3A_67 = arith.constant 0 : index
    %get3A_68 = arith.constant 0 : index
    %get3A_69 = vector.load %arg9[%get3A_67, %get3A_68] : memref<128x128xf32, #tpu.memory_space<vmem>>, vector<128x128xf32>
    %dot_general3A_70 = arith.constant dense<0.000000e+00> : vector<400x128xf32>
    %dot_general3A_71 = tpu.matmul %get3A_66, %get3A_69, %dot_general3A_70 {dimension_numbers = #tpu.dot_dimension_numbers<[1], [1], [0], [0], [0, 0, 1, 0], [], []>, transpose_lhs_hint = false} : vector<400x128xf32>, vector<128x128xf32>, vector<400x128xf32> -> vector<400x128xf32>
    %add3A_72 = arith.addf %add3A, %dot_general3A_71 : vector<400x128xf32>
    %gt3A = arith.constant 0.000000e+00 : f32
    %gt3A_73 = vector.broadcast %gt3A : f32 to vector<400x1xf32>
    %gt3A_74 = arith.cmpf ogt, %get3A_31, %gt3A_73 : vector<400x1xf32>
    %jit3A = arith.constant 1.000000e+00 : f32
    %jit3A_75 = arith.constant 0.000000e+00 : f32
    %broadcast_in_dim3A = vector.broadcast %jit3A : f32 to vector<400x1xf32>
    %broadcast_in_dim3A_76 = vector.broadcast %jit3A_75 : f32 to vector<400x1xf32>
    %select_n3A = arith.select %gt3A_74, %broadcast_in_dim3A, %broadcast_in_dim3A_76 : vector<400x1xi1>, vector<400x1xf32>
    %gt3A_77 = arith.constant 0.000000e+00 : f32
    %gt3A_78 = vector.broadcast %gt3A_77 : f32 to vector<400x1xf32>
    %gt3A_79 = arith.cmpf ogt, %get3A_34, %gt3A_78 : vector<400x1xf32>
    %jit3A_80 = arith.constant 1.000000e+00 : f32
    %jit3A_81 = arith.constant 0.000000e+00 : f32
    %broadcast_in_dim3A_82 = vector.broadcast %jit3A_80 : f32 to vector<400x1xf32>
    %broadcast_in_dim3A_83 = vector.broadcast %jit3A_81 : f32 to vector<400x1xf32>
    %select_n3A_84 = arith.select %gt3A_79, %broadcast_in_dim3A_82, %broadcast_in_dim3A_83 : vector<400x1xi1>, vector<400x1xf32>
    %mul3A_85 = vector.broadcast %select_n3A : vector<400x1xf32> to vector<400x128xf32>
    %mul3A_86 = vector.broadcast %sub3A : vector<1x128xf32> to vector<400x128xf32>
    %mul3A_87 = arith.mulf %mul3A_85, %mul3A_86 : vector<400x128xf32>
    %add3A_88 = arith.addf %add3A_72, %mul3A_87 : vector<400x128xf32>
    %mul3A_89 = vector.broadcast %select_n3A_84 : vector<400x1xf32> to vector<400x128xf32>
    %mul3A_90 = vector.broadcast %sub3A_23 : vector<1x128xf32> to vector<400x128xf32>
    %mul3A_91 = arith.mulf %mul3A_89, %mul3A_90 : vector<400x128xf32>
    %add3A_92 = arith.addf %add3A_88, %mul3A_91 : vector<400x128xf32>
    %add3A_93 = vector.broadcast %sub3A_28 : vector<1x128xf32> to vector<400x128xf32>
    %add3A_94 = arith.addf %add3A_92, %add3A_93 : vector<400x128xf32>
    %swap3A = arith.constant 0 : index
    %swap3A_95 = arith.constant 0 : index
    %swap3A_96 = vector.load %arg15[%swap3A, %swap3A_95] : memref<400x128xf32, #tpu.memory_space<vmem>>, vector<400x128xf32>
    tpu.vector_store %arg15[%swap3A, %swap3A_95], %add3A_94 {strides = array<i32>} : memref<400x128xf32, #tpu.memory_space<vmem>>, vector<400x128xf32>,
    %eq3A = arith.constant 0 : i32
    %eq3A_97 = arith.cmpi eq, %arg0, %eq3A : i32
    %convert_element_type3A = arith.extui %eq3A_97 : i1 to i32
    %cond3A = arith.constant 0 : i32
    %cond3A_98 = arith.cmpi ne, %convert_element_type3A, %cond3A : i32
    scf.if %cond3A_98 {
      %get3A_99 = arith.constant 0 : index
      %get3A_100 = arith.constant 0 : index
      %get3A_101 = vector.load %arg10[%get3A_99, %get3A_100] : memref<128x128xf32, #tpu.memory_space<vmem>>, vector<128x128xf32>
      %dot_general3A_102 = arith.constant dense<0.000000e+00> : vector<8x128xf32>
      %dot_general3A_103 = tpu.matmul %get3A_1, %get3A_101, %dot_general3A_102 {dimension_numbers = #tpu.dot_dimension_numbers<[1], [1], [0], [0], [0, 0, 1, 0], [], []>, transpose_lhs_hint = false} : vector<8x128xf32>, vector<128x128xf32>, vector<8x128xf32> -> vector<8x128xf32>
      %get3A_104 = arith.constant 0 : index
      %get3A_105 = arith.constant 0 : index
      %get3A_106 = vector.load %arg14[%get3A_104, %get3A_105] : memref<1x128xf32, #tpu.memory_space<vmem>>, vector<1x128xf32>
      %add3A_107 = vector.broadcast %get3A_106 : vector<1x128xf32> to vector<8x128xf32>
      %add3A_108 = arith.addf %dot_general3A_103, %add3A_107 : vector<8x128xf32>
      %swap3A_109 = arith.constant 0 : index
      %swap3A_110 = arith.constant 0 : index
      %swap3A_111 = vector.load %arg16[%swap3A_109, %swap3A_110] : memref<8x128xf32, #tpu.memory_space<vmem>>, vector<8x128xf32>
      tpu.vector_store %arg16[%swap3A_109, %swap3A_110], %add3A_108 {strides = array<i32>} : memref<8x128xf32, #tpu.memory_space<vmem>>, vector<8x128xf32>,
    } else {
    }
    return
  }
  func.func @transform_0(%arg0: i32) -> (i32, i32) {
    %c0_i32 = arith.constant 0 : i32
    %c0_i32_0 = arith.constant 0 : i32
    return %arg0, %c0_i32 : i32, i32
  }
  func.func @transform_1(%arg0: i32) -> (i32, i32) {
    %c0_i32 = arith.constant 0 : i32
    %c0_i32_0 = arith.constant 0 : i32
    return %arg0, %c0_i32 : i32, i32
  }
  func.func @transform_2(%arg0: i32) -> (i32, i32) {
    %c0_i32 = arith.constant 0 : i32
    %c0_i32_0 = arith.constant 0 : i32
    return %arg0, %c0_i32 : i32, i32
  }
  func.func @transform_3(%arg0: i32) -> (i32, i32) {
    %c0_i32 = arith.constant 0 : i32
    %c0_i32_0 = arith.constant 0 : i32
    return %arg0, %c0_i32 : i32, i32
  }
  func.func @transform_4(%arg0: i32) -> (i32, i32) {
    %c0_i32 = arith.constant 0 : i32
    %c0_i32_0 = arith.constant 0 : i32
    return %arg0, %c0_i32 : i32, i32
  }
  func.func @transform_5(%arg0: i32) -> (i32, i32) {
    %c0_i32 = arith.constant 0 : i32
    %c0_i32_0 = arith.constant 0 : i32
    %c0_i32_1 = arith.constant 0 : i32
    return %c0_i32, %c0_i32_0 : i32, i32
  }
  func.func @transform_6(%arg0: i32) -> (i32, i32) {
    %c0_i32 = arith.constant 0 : i32
    %c0_i32_0 = arith.constant 0 : i32
    %c0_i32_1 = arith.constant 0 : i32
    return %c0_i32, %c0_i32_0 : i32, i32
  }
  func.func @transform_7(%arg0: i32) -> (i32, i32) {
    %c0_i32 = arith.constant 0 : i32
    %c0_i32_0 = arith.constant 0 : i32
    %c0_i32_1 = arith.constant 0 : i32
    return %c0_i32, %c0_i32_0 : i32, i32
  }
  func.func @transform_8(%arg0: i32) -> (i32, i32) {
    %c0_i32 = arith.constant 0 : i32
    %c0_i32_0 = arith.constant 0 : i32
    %c0_i32_1 = arith.constant 0 : i32
    return %c0_i32, %c0_i32_0 : i32, i32
  }
  func.func @transform_9(%arg0: i32) -> (i32, i32) {
    %c0_i32 = arith.constant 0 : i32
    %c0_i32_0 = arith.constant 0 : i32
    %c0_i32_1 = arith.constant 0 : i32
    return %c0_i32, %c0_i32_0 : i32, i32
  }
  func.func @transform_10(%arg0: i32) -> (i32, i32) {
    %c0_i32 = arith.constant 0 : i32
    %c0_i32_0 = arith.constant 0 : i32
    %c0_i32_1 = arith.constant 0 : i32
    return %c0_i32, %c0_i32_0 : i32, i32
  }
  func.func @transform_11(%arg0: i32) -> (i32, i32) {
    %c0_i32 = arith.constant 0 : i32
    %c0_i32_0 = arith.constant 0 : i32
    %c0_i32_1 = arith.constant 0 : i32
    return %c0_i32, %c0_i32_0 : i32, i32
  }
  func.func @transform_12(%arg0: i32) -> (i32, i32) {
    %c0_i32 = arith.constant 0 : i32
    %c0_i32_0 = arith.constant 0 : i32
    %c0_i32_1 = arith.constant 0 : i32
    return %c0_i32, %c0_i32_0 : i32, i32
  }
  func.func @transform_13(%arg0: i32) -> (i32, i32) {
    %c0_i32 = arith.constant 0 : i32
    %c0_i32_0 = arith.constant 0 : i32
    %c0_i32_1 = arith.constant 0 : i32
    return %c0_i32, %c0_i32_0 : i32, i32
  }
  func.func @transform_14(%arg0: i32) -> (i32, i32) {
    %c0_i32 = arith.constant 0 : i32
    %c0_i32_0 = arith.constant 0 : i32
    return %arg0, %c0_i32 : i32, i32
  }
  func.func @transform_15(%arg0: i32) -> (i32, i32) {
    %c0_i32 = arith.constant 0 : i32
    %c0_i32_0 = arith.constant 0 : i32
    %c0_i32_1 = arith.constant 0 : i32
    return %c0_i32, %c0_i32_0 : i32, i32
  }
}

</mosaic_0001>

<sc_bundles>
// kernel: kernel.4.cloned.1.call-start
scs
__scs_entry_jumppad:
0x0: {  	(pc) =	sbr.rel $0x88, $3  }
0x1: {  	(tag) =	ssettag $0x0;
	lr =	simm.s32 $0x1  }
0x2: {  	[smem:$0x3F96] =	sst lr;
	_ =	strace $0xD0000000  }
0x3: {  	_ = 	snop  }
0x4: {  	_ = 	snop  }
0x5: {  	_ = 	snop  }
0x6: {  	_ = 	snop  }
0x7: {  	_ = 	snop  }
__scs_overlays_trampoline_lowered:
0x8: {  	[smem:$0x3FA5] =	sst s0  }
0x9: {  	[smem:$0x3FA6] =	sst s1  }
0xa: {  	[smem:$0x3FA7] =	sst s2  }
0xb: {  	[smem:$0x3FA8] =	sst s3  }
0xc: {  	[smem:$0x3FA9] =	sst s4  }
0xd: {  	[smem:$0x3FAA] =	sst s5  }
0xe: {  	[smem:$0x3FAB] =	sst s6  }
0xf: {  	[smem:$0x3FAC] =	sst s7  }
0x10: {  	[smem:$0x3FAD] =	sst s8  }
0x11: {  	[smem:$0x3FAE] =	sst s9;
	s0 =	simm.s32 @!p0 $0x0  }
0x12: {  	s1 =	sld [smem:$0x3F94];
	s0 =	simm.s32 @p0 $0x1  }
0x13: {  	[smem:$0x3FAF] =	sst s0;
	s0 =	simm.s32 @!p1 $0x0  }
0x14: {  	s2 =	sld [smem:$0x3F93];
	s0 =	simm.s32 @p1 $0x1  }
0x15: {  	[smem:$0x3FB0] =	sst s0;
	s0 =	simm.s32 @!p2 $0x0  }
0x16: {  	s3 =	sld [smem:$0x3FDB];
	s0 =	simm.s32 @p2 $0x1  }
0x17: {  	s4 =	simm.s32 $0x1BF5;
	[smem:$0x3FB2] =	sst s0  }
0x18: {  	s0 =	sld [smem:$0x3F95];
	_ =	swait.ge [sflag:s4], $0x0  }
0x19: {  	s7 =	sld [smem:$0x3F96]  }
0x1a: {  	s8 =	sadd.s32 $0xFFFFE003, lr  }
0x1b: {  	s9 =	sadd.s32 $0xFFFFFEF7, lr;
	s5 =	simm.s32 $0xFFFFFFFF;
	p2 =	slt.u32 s8, $0xFFFFF086  }
0x1c: {  	p1 =	slt.u32 s9, $0xF7A;
	s5 =	simm.s32 @!p2 $0x0  }
0x1d: {  	s5 =	simm.s32 @p1 $0x1;
	p0 =	seq.s32 s7, s2  }
0x1e: {  	s7 =	smul.u32 @!p0 $0xF7A, s2;
	p2 =	seq.s32 @!p0 s5, $0x0  }
0x1f: {  	s9 =	smul.u32 $0xF7A, s1;
	s8 =	simm.s32 @!p0 $0x1BF5;
	p2 =	por !p2, p0  }
0x20: {  	[sflag:s8] =	ssyncset.s32 @!p0 $0xFFFFF086;
	s6 =	sadd.s32 @!p0 s3, s7;
	s7 =	simm.s32 @!p0 $0x108  }
0x21: {  	s3 =	sadd.s32 s3, s9;
	s6 =	sadd.s32 @!p0 $0x88, s6;
	s7 =	simm.s32 @p2 $0x1082  }
0x22: {  	[simem:s7], [sflag:s8] =	dma.local @!p0 [hbm:s6], $0xF7A  }
0x23: {  	s9 =	sor.u32 $0xD0000000, s2;
	s6 =	simm.s32 $0x108;
	_ =	swait.ge @!p0 [sflag:s8], $0x0  }
0x24: {  	s3 =	sadd.s32 $0x88, s3;
	s6 =	simm.s32 @!p1 $0x1082;
	[sflag:s4] =	ssyncset.s32 $0xFFFFF086  }
0x25: {  	[simem:s6], [sflag:s4] =	dma.local [hbm:s3], $0xF7A  }
0x26: {  	[smem:$0x3F96] =	sst s1;
	(tag) =	ssettag s2;
	_ =	strace s9  }
0x27: {  	s1 =	sld [smem:$0x3FA6]  }
0x28: {  	s2 =	sld [smem:$0x3FA7]  }
0x29: {  	s4 =	sld [smem:$0x3FA9]  }
0x2a: {  	p0 =	seq.s32 s5, $0x0;
	s5 =	sld [smem:$0x3FAA]  }
0x2b: {  	s6 =	sld [smem:$0x3FAB]  }
0x2c: {  	s7 =	sld [smem:$0x3FAC]  }
0x2d: {  	s3 =	simm.s32 $0x108;
	s8 =	sld [smem:$0x3FAD]  }
0x2e: {  	s3 =	simm.s32 @!p0 $0x1082;
	s9 =	sld [smem:$0x3FAE]  }
0x2f: {  	lr =	sadd.s32 s0, s3;
	s0 =	sld [smem:$0x3FA5]  }
0x30: {  	s3 =	sld [smem:$0x3FA8]  }
0x31: {  	[smem:$0x3FB1] =	sst s10  }
0x32: {  	s10 =	sld [smem:$0x3FAF];
	_ =	sdelay $0x3  }
0x33: {  	p0 =	seq.s32 s10, $0x1;
	s10 =	sld [smem:$0x3FB1];
	_ =	sdelay $0x3  }
0x34: {  	[smem:$0x3FB1] =	sst s10  }
0x35: {  	s10 =	sld [smem:$0x3FB0];
	_ =	sdelay $0x3  }
0x36: {  	p1 =	seq.s32 s10, $0x1;
	s10 =	sld [smem:$0x3FB1];
	_ =	sdelay $0x3  }
0x37: {  	[smem:$0x3FB1] =	sst s10  }
0x38: {  	s10 =	sld [smem:$0x3FB2]  }
0x39: {  	_ = 	snop;
	(pc) =	sbr.ind lr, $3  }
0x3a: {  	_ = 	snop  }
0x3b: {  	_ = 	snop  }
0x3c: {  	p2 =	seq.s32 s10, $0x1;
	s10 =	sld [smem:$0x3FB1]  }
0x3d: {  	_ =	shalt  }
0x3e: {  	_ =	shalt  }
0x3f: {  	_ =	shalt  }
0x40: {  	_ =	shalt  }
0x41: {  	_ =	shalt  }
0x42: {  	_ =	shalt  }
0x43: {  	_ =	shalt  }
0x44: {  	_ =	shalt  }
0x45: {  	_ =	shalt  }
0x46: {  	_ =	shalt  }
0x47: {  	_ =	shalt  }
0x48: {  	_ =	shalt  }
0x49: {  	_ =	shalt  }
0x4a: {  	_ =	shalt  }
0x4b: {  	_ =	shalt  }
0x4c: {  	_ =	shalt  }
0x4d: {  	_ =	shalt  }
0x4e: {  	_ =	shalt  }
0x4f: {  	_ =	shalt  }
0x50: {  	_ =	shalt  }
0x51: {  	_ =	shalt  }
0x52: {  	_ =	shalt  }
0x53: {  	_ =	shalt  }
0x54: {  	_ =	shalt  }
0x55: {  	_ =	shalt  }
0x56: {  	_ =	shalt  }
0x57: {  	_ =	shalt  }
0x58: {  	_ =	shalt  }
0x59: {  	_ =	shalt  }
0x5a: {  	_ =	shalt  }
0x5b: {  	_ =	shalt  }
0x5c: {  	_ =	shalt  }
0x5d: {  	_ =	shalt  }
0x5e: {  	_ =	shalt  }
0x5f: {  	_ =	shalt  }
0x60: {  	_ =	shalt  }
0x61: {  	_ =	shalt  }
0x62: {  	_ =	shalt  }
0x63: {  	_ =	shalt  }
0x64: {  	_ =	shalt  }
0x65: {  	_ =	shalt  }
0x66: {  	_ =	shalt  }
0x67: {  	_ =	shalt  }
0x68: {  	_ =	shalt  }
0x69: {  	_ =	shalt  }
0x6a: {  	_ =	shalt  }
0x6b: {  	_ =	shalt  }
0x6c: {  	_ =	shalt  }
0x6d: {  	_ =	shalt  }
0x6e: {  	_ =	shalt  }
0x6f: {  	_ =	shalt  }
0x70: {  	_ =	shalt  }
0x71: {  	_ =	shalt  }
0x72: {  	_ =	shalt  }
0x73: {  	_ =	shalt  }
0x74: {  	_ =	shalt  }
0x75: {  	_ =	shalt  }
0x76: {  	_ =	shalt  }
0x77: {  	_ =	shalt  }
0x78: {  	_ =	shalt  }
0x79: {  	_ =	shalt  }
0x7a: {  	_ =	shalt  }
0x7b: {  	_ =	shalt  }
0x7c: {  	_ =	shalt  }
0x7d: {  	_ =	shalt  }
0x7e: {  	_ =	shalt  }
0x7f: {  	_ =	shalt  }
0x80: {  	_ =	shalt  }
0x81: {  	_ =	shalt  }
0x82: {  	_ =	shalt  }
0x83: {  	_ =	shalt  }
0x84: {  	_ =	shalt  }
0x85: {  	_ =	shalt  }
0x86: {  	_ =	shalt  }
0x87: {  	_ =	shalt  }
.Lfunc_end0:
.L_simem_size_0:
called_computation_lowered:
.L_overlay_start_0:
0x88: {  	s2 =	sld [smem:$0x3FD9]  }
0x89: {  	s3 =	sld [smem:$0x3FFE];
	_ =	sdelay $0x1  }
0x8a: {  	s1 =	srdreg.scid  }
0x8b: {  	s0 =	sand.u32 $0x1, s1  }
0x8c: {  	s14 =	sshll.u32 s0, $0xA;
	s2 =	sadd.s32 s3, s2  }
0x8d: {  	s2 =	sadd.s32 s2, s14  }
0x8e: {  	[smem:$0x3FBD] =	sst s2  }
0x8f: {  	_ = 	snop  }
0x90: {  	s2 =	sld [smem:$0x3FD0];
	_ =	sdelay $0x2  }
0x91: {  	s4 =	simm.s32 $0xA;
	s5 =	simm.s32 $0x10;
	s15 =	sld [smem:$0x3FC9]  }
0x92: {  	[smem:s5], [sflag:s4] =	dma.local [hbm:s2], $0x1  }
0x93: {  	_ =	swait.eq [sflag:s4], $0x1  }
0x94: {  	[sflag:s4] =	ssyncset.done $0x0  }
0x95: {  	[sflag:s4] =	ssyncadd.s32 $0xFFFFFFFF  }
0x96: {  	s16 =	sld [smem:$0x10];
	(tm) =	ssettm $0x1  }
0x97: {  	s17 =	sld [smem:$0x3FFB];
	_ =	sdelay $0x3  }
0x98: {  	_ =	strace s17  }
0x99: {  	s4 =	sld [smem:$0x3FFC];
	_ =	sdelay $0x3  }
0x9a: {  	_ =	strace s4  }
0x9b: {  	s4 =	sld [smem:$0x3FFD];
	_ =	sdelay $0x3  }
0x9c: {  	_ =	strace s4  }
0x9d: {  	_ =	strace $0x8FFFFFFF  }
0x9e: {  	s18 =	sld [smem:$0x3FDB];
	_ =	sdelay $0x1  }
0x9f: {  	s19 =	simm.s32 $_scs_section_size  }
0xa0: {  	s6 =	simm.s32 $_size__tile_overlayer_lowered;
	s7 =	simm.s32 $_tile_overlayer_lowered  }
0xa1: {  	s22 =	simm.s32 $0x1BFF;
	s21 =	sshll.u32 s7, $0x1;
	s4 =	sadd.s32 s19, s18  }
0xa2: {  	s8 =	simm.s32 $0x0;
	s20 =	sshll.u32 s6, $0x1;
	s6 =	sadd.s32 s21, s4  }
0xa3: {  	[timem:s8], [sflag:s22] =	dma.local [hbm:s6], s20  }
0xa4: {  	_ =	swait.ge [sflag:s22], s20  }
0xa5: {  	s5 =	ssub.s32 $0x0, s20;
	[sflag:s22] =	ssyncset.done $0x0  }
0xa6: {  	[sflag:s22] =	ssyncadd.s32 s5;
	_ =	sdelay $0x1  }
0xa7: {  	s23 =	simm.s32 $0x1B8B  }
0xa8: {  	_ =	swait.ge [sflag:s23], $0x1  }
0xa9: {  	[sflag:s23] =	ssyncset.done $0x0  }
0xaa: {  	s25 =	simm.s32 $0x1B8E;
	s24 =	sld [smem:$0x3FFE];
	[sflag:s23] =	ssyncadd.s32 $0xFFFFFFFF  }
0xab: {  	s26 =	simm.s32 $execute0_lowered;
	[smem:$0x3FD2] =	sst s25  }
0xac: {  	s6 =	sshll.u32 s26, $0x1;
	_ =	strace $0x80000046;
	[dreg:$0x1] =	wrdreg $0xFFFFFFFF  }
0xad: {  	s28 =	simm.s32 $_size_execute0_lowered;
	s4 =	sadd.s32 s4, s6;
	[dreg:$0x0] =	wrdreg $0x0  }
0xae: {  	s6 =	sshll.u32 s28, $0x1;
	[dreg:$0x2] =	wrdreg s4  }
0xaf: {  	[dreg:$0x3] =	wrdreg s6  }
0xb0: {  	[dreg:$0x4] =	wrdreg $0xC0  }
0xb1: {  	_ =	task [dreg:s8], $0x5FFFF  }
0xb2: {  	[dreg:$0x1] =	wrdreg $0xFFFFFFFF  }
0xb3: {  	[dreg:$0x0] =	wrdreg $0x60  }
0xb4: {  	[dreg:$0x2] =	wrdreg s15  }
0xb5: {  	[dreg:$0x3] =	wrdreg s16  }
0xb6: {  	[dreg:$0x4] =	wrdreg s24  }
0xb7: {  	[dreg:$0x5] =	wrdreg $0xC4800  }
0xb8: {  	[dreg:$0x6] =	wrdreg $0x1FD000  }
0xb9: {  	[dreg:$0x7] =	wrdreg $0x9  }
0xba: {  	_ =	task.clear_ibuf [dreg:s8], $0x8FFFF;
	_ =	strace $0x90000046  }
0xbb: {  	s29 =	simm.s32 $0x9;
	_ =	strace $0x80000048  }
0xbc: {  	_ =	swait.ge [sflag:s29], $0x1  }
0xbd: {  	[sflag:s29] =	ssyncadd.s32 $0xFFFFFFFF  }
0xbe: {  	_ =	strace $0x90000048  }
0xbf: {  	_ =	sfence  }
0xc0: {  	s30 =	sld [smem:$0x0];
	_ =	sdelay $0x2  }
0xc1: {  	s31 =	sshll.u32 s1, $0xD;
	s1 =	sshrl.u32 s1, $0x2  }
0xc2: {  	s3 =	sand.u32 $0x4000, s31;
	s1 =	sadd.s32 s1, s30  }
0xc3: {  	s0 =	sor.u32 s3, s0;
	s1 =	sshll.u32 s1, $0x11  }
0xc4: {  	s0 =	sor.u32 s1, s0  }
0xc5: {  	s0 =	sadd.s32 $0x8F2B, s0  }
0xc6: {  	[sflag:s0] =	ssyncadd.remote.s32 $0x1  }
0xc7: {  	_ =	sfence.sel $0xFFFF  }
0xc8: {  	[dreg:$0x0] =	wrdreg $0xFFFFFFFF;
	(pc) =	sbr.abs _section_cstart, $3  }
0xc9: {  	[dreg:$0x1] =	wrdreg $0xFFFFFFFF  }
0xca: {  	_ =	task.clear_ibuf [dreg:s8], $0x2FFFF;
	_ =	strace $0x9FFFFFFF  }
0xcb: {  	(tm) =	ssettm $0x7FFFFFFF  }
tec
execute0_lowered:
.L_overlay_start_1:
0x0: {  	(tag) =	ssettag $0x1  }
0x1: {  	s0 =	srdreg.scid  }
0x2: {  	s1 =	rddreg [dreg:$0x2];
	s24 =	stileid.u32  }
0x3: {  	s2 =	simm.s32 $0x0;
	s4 =	sand.u32 $0x1, s0;
	s6 =	smul.u32 $0x1F400, s24  }
0x4: {  	[smem:$0x7FF] =	sst s2;
	s7 =	sadd.s32 $0x2A00, s1;
	s20 =	sshll.u32 s24, $0xF  }
0x5: {  	s5 =	smul.u32 $0x138800, s4;
	s0 =	ssub.s32 $0x2, s4;
	s8 =	sshll.u32 s4, $0x13  }
0x6: {  	s9 =	sor.u32 $0x80000, s20;
	p0 =	seq.s32 s4, $0x1;
	s4 =	simm.s32 $0x51200  }
0x7: {  	s19 =	sshrl.u32 s0, $0x1;
	s2 =	sor.u32 s20, s8;
	s17 =	sadd.s32 $0x15000, s6  }
0x8: {  	s4 =	simm.s32 @!p0 $0x50C00;
	s0 =	ssub.s32 s0, s19;
	s3 =	sadd.s32 s6, s5  }
0x9: {  	s19 =	sadd.s32 $0x18000, s6;
	s1 =	sadd.s32 s4, s1;
	s10 =	sshrl.u32 s3, $0x3  }
0xa: {  	s3 =	ssub.s32 s9, s8;
	s8 =	sadd.s32 $0x3000, s6;
	s9 =	sadd.s32 $0x6000, s6  }
0xb: {  	s21 =	sadd.s32 s7, s10;
	s10 =	sadd.s32 $0x9000, s6;
	s11 =	sadd.s32 s5, s8  }
0xc: {  	s12 =	sadd.s32 s5, s9;
	[dreg:$0x6] =	wrdreg s21;
	s11 =	sshrl.u32 s11, $0x3  }
0xd: {  	s13 =	sadd.s32 s5, s10;
	s12 =	sshrl.u32 s12, $0x3;
	s11 =	sadd.s32 s7, s11  }
0xe: {  	s13 =	sshrl.u32 s13, $0x3;
	s22 =	sadd.s32 s7, s12;
	[dreg:$0x7] =	wrdreg s11  }
0xf: {  	s12 =	sadd.s32 $0xF000, s6;
	[dreg:$0x8] =	wrdreg s22;
	s23 =	sadd.s32 s7, s13  }
0x10: {  	s11 =	sadd.s32 $0xC000, s6;
	s13 =	sadd.s32 $0x12000, s6;
	s15 =	sadd.s32 s5, s12  }
0x11: {  	[dreg:$0x9] =	wrdreg s23;
	s14 =	sadd.s32 s5, s11;
	s15 =	sshrl.u32 s15, $0x3  }
0x12: {  	s16 =	sadd.s32 s5, s13;
	s14 =	sshrl.u32 s14, $0x3;
	s25 =	sadd.s32 s7, s15  }
0x13: {  	s16 =	sshrl.u32 s16, $0x3;
	s15 =	sadd.s32 s5, s19;
	[dreg:$0xb] =	wrdreg s25  }
0x14: {  	s14 =	sadd.s32 s7, s14;
	s4 =	sshrl.u32 s15, $0x3;
	s15 =	rddreg [dreg:$0x1]  }
0x15: {  	s20 =	sadd.s32 $0x1B000, s6;
	s26 =	sadd.s32 s7, s16;
	[dreg:$0xa] =	wrdreg s14  }
0x16: {  	s29 =	sadd.s32 s5, s17;
	s16 =	sadd.s32 s5, s20;
	[dreg:$0xc] =	wrdreg s26  }
0x17: {  	s4 =	sadd.s32 s7, s4;
	s18 =	sshrl.u32 s16, $0x3;
	s16 =	rddreg [dreg:$0x3]  }
0x18: {  	s14 =	sshrl.u32 s29, $0x3;
	[dreg:$0xe] =	wrdreg s4;
	s4 =	sadd.s32 s7, s18  }
0x19: {  	s14 =	sadd.s32 s7, s14;
	[dreg:$0xf] =	wrdreg s4;
	s4 =	sadd.s32 $0x1E000, s6  }
0x1a: {  	s18 =	rddreg [dreg:$0x4];
	s6 =	smul.u32 $0x7D0, s24;
	s5 =	sadd.s32 s5, s4  }
0x1b: {  	s22 =	smul.u32 $0x1F40, s24;
	[dreg:$0xd] =	wrdreg s14;
	s5 =	sshrl.u32 s5, $0x3  }
0x1c: {  	s14 =	rddreg [dreg:$0x0];
	s23 =	sshrl.u32 s6, $0x3;
	s5 =	sadd.s32 s7, s5  }
0x1d: {  	s1 =	sadd.s32 s1, s23;
	s23 =	sshrl.u32 s22, $0x2;
	[dreg:$0x10] =	wrdreg s5  }
0x1e: {  	[dreg:$0x11] =	wrdreg s1;
	s5 =	sadd.s32 s23, s18  }
0x1f: {  	s25 =	sadd.s32 s8, s16;
	_ =	strace $0x80000047;
	[dreg:$0x13] =	wrdreg s5  }
0x20: {  	s26 =	sadd.s32 s9, s16;
	[dreg:$0x14] =	wrdreg s25  }
0x21: {  	s29 =	sadd.s32 s10, s16;
	[dreg:$0x15] =	wrdreg s26  }
0x22: {  	s28 =	simm.s32 $0x2000;
	s7 =	sadd.s32 s11, s16;
	[dreg:$0x16] =	wrdreg s29  }
0x23: {  	s30 =	simm.s32 $0x5400;
	s8 =	sadd.s32 s12, s16;
	[dreg:$0x17] =	wrdreg s7  }
0x24: {  	s31 =	simm.s32 $0x0;
	s9 =	sadd.s32 s13, s16;
	[dreg:$0x18] =	wrdreg s8  }
0x25: {  	p0 =	sgt.u32 s24, $0x9;
	s10 =	sadd.s32 s17, s16;
	[dreg:$0x19] =	wrdreg s9  }
0x26: {  	p2 =	sgt.u32 @!p0 s24, $0x4;
	s11 =	sadd.s32 s19, s16;
	[dreg:$0x1a] =	wrdreg s10  }
0x27: {  	s0 =	smax.u32 s0, $0x1;
	s12 =	sadd.s32 s20, s16;
	[dreg:$0x1b] =	wrdreg s11  }
0x28: {  	s21 =	smul.u32 $0x7D000, s24;
	s4 =	sadd.s32 s4, s16;
	[dreg:$0x1c] =	wrdreg s12  }
0x29: {  	p1 =	por p2, p0;
	s13 =	sadd.s32 s6, s18;
	[dreg:$0x1d] =	wrdreg s4  }
0x2a: {  	p2 =	por !p2, p0;
	s21 =	sshrl.u32 s21, $0x2;
	[dreg:$0x1e] =	wrdreg s13  }
0x2b: {  	s6 =	simm.s32 $0x2;
	s1 =	sadd.s32 s21, s16;
	[dreg:$0x1f] =	wrdreg s0  }
0x2c: {  	s17 =	sadd.s32 $0x3000, s1;
	s19 =	sadd.s32 $0x6000, s1;
	[dreg:$0x12] =	wrdreg s1  }
0x2d: {  	s20 =	sadd.s32 $0x9000, s1;
	s21 =	sadd.s32 $0xC000, s1;
	[smem:$0x7F4] =	sst s17  }
0x2e: {  	s22 =	sadd.s32 $0xF000, s1;
	s23 =	sadd.s32 $0x12000, s1;
	[smem:$0x7F5] =	sst s19  }
0x2f: {  	s24 =	sadd.s32 $0x15000, s1;
	s25 =	sadd.s32 $0x18000, s1;
	[smem:$0x7F6] =	sst s20  }
0x30: {  	s26 =	sadd.s32 $0x1B000, s1;
	s29 =	sadd.s32 $0x1E000, s1;
	[smem:$0x7F7] =	sst s21  }
0x31: {  	s0 =	simm.s32 $0x1;
	s4 =	simm.s32 $0x7;
	[smem:$0x7F8] =	sst s22  }
0x32: {  	s5 =	simm.s32 $0x180;
	s7 =	simm.s32 $0x1080;
	[smem:$0x7F9] =	sst s23  }
0x33: {  	s8 =	simm.s32 $0x5;
	s9 =	simm.s32 $0x8;
	[smem:$0x7FA] =	sst s24  }
.Ltmp0:
0x34: {  	s10 =	simm.s32 $0x3;
	[smem:$0x7FB] =	sst s25;
	(pc) =	sbr.rel .LBB2_1-.Ltmp0, $4  }
0x35: {  	s11 =	simm.s32 $0x6;
	s12 =	simm.s32 $0x9;
	[smem:$0x7FC] =	sst s26  }
0x36: {  	s13 =	simm.s32 $0x1B80;
	[smem:$0x7FD] =	sst s29;
	s24 =	simm.s32 $0xA  }
0x37: {  	s25 =	simm.s32 $0x1000;
	s26 =	simm.s32 $0x64;
	s17 =	simm.s32 $0x8800  }
0x38: {  	v0 =	vimm.f32 $1.000000000e+00;
	v1 =	vimm.f32 $0.0e+00;
	s20 =	simm.s32 $0xBC00;
	s22 =	simm.s32 $0x4;
	s19 =	simm.s32 $0x1C00  }
.LBB2_11:
0x39: {  	s1 =	simm.s32 @p3 $0xBC80;
	s21 =	rddreg [dreg:$0x1e]  }
0x3a: {  	[tilespmem:s1], [sflag:$0xA] =	stream.linear.gather @p3 [spmem:s21], $0x7D0, $0x38;
	[tilespmem:$0x1FF78] =	vst v63  }
0x3b: {  	s21 =	simm.s32 @p3 $0xA  }
0x3c: {  	_ =	swait.ge @p3 [sflag:s21], $0x7D0  }
0x3d: {  	[sflag:s21] =	ssyncset.done @p3 $0x0  }
0x3e: {  	s23 =	simm.s32 @p3 $0x0;
	s29 =	rddreg [dreg:$0x11];
	[sflag:s21] =	ssyncadd.s32 @p3 $0xFFFFF830  }
0x3f: {  	[hbm4b:s29+s23] =	stream.linear.scatter @p3 [tilespmem:s1], [sflag:$0xA], $0x7D0, $0x38;
	[tilespmem:$0x1FF78] =	vst v63  }
0x40: {  	_ =	swait.ge @p3 [sflag:s21], $0x7D0  }
0x41: {  	s31 =	sadd.s32 $0x1, s31;
	s29 =	rddreg [dreg:$0x1f]  }
0x42: {  	p4 =	sne.s32 s31, s29  }
.Ltmp1:
0x43: {  	_ = 	snop;
	(pc) =	sbr.rel @!p4 .LBB2_12-.Ltmp1, $3  }
0x44: {  	_ =	sdelay $0x1  }
0x45: {  	[sflag:s21] =	ssyncset.done @p3 $0x0  }
0x46: {  	[sflag:s21] =	ssyncadd.s32 @p3 $0xFFFFF830  }
.LBB2_1:
0x47: {  	[tilespmem:$0xBC00] =	vst v0  }
0x48: {  	[tilespmem:$0xBC10] =	vst v0  }
0x49: {  	[tilespmem:$0xBC20] =	vst v0  }
0x4a: {  	[tilespmem:$0xBC30] =	vst v0  }
0x4b: {  	[tilespmem:$0xBC40] =	vst v0  }
0x4c: {  	[tilespmem:$0xBC50] =	vst v0  }
0x4d: {  	[tilespmem:$0xBC60] =	vst v0  }
0x4e: {  	[tilespmem:$0xBC70] =	vst v0;
	s1 =	simm.s32 $0x0;
	s21 =	simm.s32 $0x200  }
.LBB2_2:
0x4f: {  	p3 =	sne.s32 s21, $0xC600;
	[tilespmem:s1+$0x2070] =	vst v1  }
0x50: {  	[tilespmem:s1+$0x2000] =	vst v1  }
0x51: {  	[tilespmem:s1+$0x2010] =	vst v1  }
.Ltmp2:
0x52: {  	[tilespmem:s1+$0x2020] =	vst v1;
	(pc) =	sbr.rel @p3 .LBB2_2-.Ltmp2, $4  }
0x53: {  	[tilespmem:s1+$0x2030] =	vst v1  }
0x54: {  	[tilespmem:s1+$0x2040] =	vst v1  }
0x55: {  	[tilespmem:s1+$0x2050] =	vst v1  }
0x56: {  	[tilespmem:s1+$0x2060] =	vst v1;
	s1 =	sshra.s32 s21, $0x2;
	s21 =	sadd.s32 $0x200, s21  }
0x57: {  	[tilespmem:s1+$0x2070] =	vst v1  }
0x58: {  	[tilespmem:s1+$0x2000] =	vst v1  }
0x59: {  	[tilespmem:s1+$0x2010] =	vst v1  }
0x5a: {  	[tilespmem:s1+$0x2020] =	vst v1  }
0x5b: {  	[tilespmem:s1+$0x2030] =	vst v1  }
0x5c: {  	[tilespmem:s1+$0x2040] =	vst v1  }
0x5d: {  	[tilespmem:s1+$0x2050] =	vst v1  }
0x5e: {  	[smem:$0x7F3] =	sst s31;
	[tilespmem:s1+$0x2060] =	vst v1;
	s1 =	simm.s32 $0x40;
	s21 =	simm.s32 $0x0  }
.LBB2_4:
0x5f: {  	p3 =	sne.s32 s1, $0x1F00;
	[tilespmem:s21+$0xBC80] =	vst v1;
	s21 =	smov.u32 s1;
	s1 =	sadd.s32 $0x40, s1  }
.Ltmp3:
0x60: {  	(pc) =	sbr.rel @p3 .LBB2_4-.Ltmp3, $2  }
0x61: {  	_ =	sdelay $0x2  }
0x62: {  	s21 =	sshra.s32 s21, $0x2  }
0x63: {  	[tilespmem:s21+$0xBC80] =	vst v1;
	s1 =	simm.s32 @!p0 $0x2000;
	s21 =	rddreg [dreg:$0x12]  }
0x64: {  	[spmem:s21] =	stream.linear.scatter @!p0 [tilespmem:s1], [sflag:$0x4], $0x3000, $0x38;
	[tilespmem:$0x1FF78] =	vst v63  }
0x65: {  	s21 =	sld [smem:$0x7F4];
	_ =	sdelay $0x2  }
0x66: {  	[spmem:s21] =	stream.linear.scatter @!p0 [tilespmem:s1], [sflag:$0x4], $0x3000, $0x38;
	[tilespmem:$0x1FF78] =	vst v63  }
0x67: {  	s21 =	sld [smem:$0x7F5];
	_ =	sdelay $0x2  }
0x68: {  	[spmem:s21] =	stream.linear.scatter @!p0 [tilespmem:s1], [sflag:$0x4], $0x3000, $0x38;
	[tilespmem:$0x1FF78] =	vst v63  }
0x69: {  	s21 =	sld [smem:$0x7F6];
	_ =	sdelay $0x2  }
0x6a: {  	[spmem:s21] =	stream.linear.scatter @!p0 [tilespmem:s1], [sflag:$0x4], $0x3000, $0x38;
	[tilespmem:$0x1FF78] =	vst v63  }
0x6b: {  	s21 =	sld [smem:$0x7F7];
	_ =	sdelay $0x2  }
0x6c: {  	[spmem:s21] =	stream.linear.scatter @!p0 [tilespmem:s1], [sflag:$0x4], $0x3000, $0x38;
	[tilespmem:$0x1FF78] =	vst v63  }
0x6d: {  	s21 =	sld [smem:$0x7F8];
	_ =	sdelay $0x2  }
0x6e: {  	[spmem:s21] =	stream.linear.scatter @!p0 [tilespmem:s1], [sflag:$0x4], $0x3000, $0x38;
	[tilespmem:$0x1FF78] =	vst v63  }
0x6f: {  	s21 =	sld [smem:$0x7F9];
	_ =	sdelay $0x2  }
0x70: {  	[spmem:s21] =	stream.linear.scatter @!p0 [tilespmem:s1], [sflag:$0x4], $0x3000, $0x38;
	[tilespmem:$0x1FF78] =	vst v63  }
0x71: {  	s21 =	sld [smem:$0x7FA];
	_ =	sdelay $0x2  }
0x72: {  	[spmem:s21] =	stream.linear.scatter @!p0 [tilespmem:s1], [sflag:$0x4], $0x3000, $0x38;
	[tilespmem:$0x1FF78] =	vst v63  }
0x73: {  	s21 =	sld [smem:$0x7FB];
	_ =	sdelay $0x2  }
0x74: {  	[spmem:s21] =	stream.linear.scatter @!p0 [tilespmem:s1], [sflag:$0x4], $0x3000, $0x38;
	[tilespmem:$0x1FF78] =	vst v63  }
0x75: {  	s21 =	sld [smem:$0x7FC];
	_ =	sdelay $0x2  }
0x76: {  	[spmem:s21] =	stream.linear.scatter @!p0 [tilespmem:s1], [sflag:$0x4], $0x3000, $0x38;
	[tilespmem:$0x1FF78] =	vst v63  }
0x77: {  	s21 =	sld [smem:$0x7FD];
	_ =	sdelay $0x2  }
0x78: {  	[spmem:s21] =	stream.linear.scatter @!p0 [tilespmem:s1], [sflag:$0x4], $0x1400, $0x38;
	[tilespmem:$0x1FF78] =	vst v63  }
0x79: {  	s1 =	simm.s32 @!p0 $0x4  }
0x7a: {  	_ =	swait.ge @!p0 [sflag:s1], $0x3000  }
0x7b: {  	[sflag:s1] =	ssyncset.done @!p0 $0x0  }
0x7c: {  	[sflag:s1] =	ssyncadd.s32 @!p0 $0xFFFFD000  }
0x7d: {  	_ =	swait.ge @!p0 [sflag:s1], $0x3000  }
0x7e: {  	[sflag:s1] =	ssyncset.done @!p0 $0x0  }
0x7f: {  	[sflag:s1] =	ssyncadd.s32 @!p0 $0xFFFFD000  }
0x80: {  	_ =	swait.ge @!p0 [sflag:s1], $0x3000  }
0x81: {  	[sflag:s1] =	ssyncset.done @!p0 $0x0  }
0x82: {  	[sflag:s1] =	ssyncadd.s32 @!p0 $0xFFFFD000  }
0x83: {  	_ =	swait.ge @!p0 [sflag:s1], $0x3000  }
0x84: {  	[sflag:s1] =	ssyncset.done @!p0 $0x0  }
0x85: {  	[sflag:s1] =	ssyncadd.s32 @!p0 $0xFFFFD000  }
0x86: {  	_ =	swait.ge @!p0 [sflag:s1], $0x3000  }
0x87: {  	[sflag:s1] =	ssyncset.done @!p0 $0x0  }
0x88: {  	[sflag:s1] =	ssyncadd.s32 @!p0 $0xFFFFD000  }
0x89: {  	_ =	swait.ge @!p0 [sflag:s1], $0x3000  }
0x8a: {  	[sflag:s1] =	ssyncset.done @!p0 $0x0  }
0x8b: {  	[sflag:s1] =	ssyncadd.s32 @!p0 $0xFFFFD000  }
0x8c: {  	_ =	swait.ge @!p0 [sflag:s1], $0x3000  }
0x8d: {  	[sflag:s1] =	ssyncset.done @!p0 $0x0  }
0x8e: {  	[sflag:s1] =	ssyncadd.s32 @!p0 $0xFFFFD000  }
0x8f: {  	_ =	swait.ge @!p0 [sflag:s1], $0x3000  }
0x90: {  	[sflag:s1] =	ssyncset.done @!p0 $0x0  }
0x91: {  	[sflag:s1] =	ssyncadd.s32 @!p0 $0xFFFFD000  }
0x92: {  	_ =	swait.ge @!p0 [sflag:s1], $0x3000  }
0x93: {  	[sflag:s1] =	ssyncset.done @!p0 $0x0  }
0x94: {  	[sflag:s1] =	ssyncadd.s32 @!p0 $0xFFFFD000  }
0x95: {  	_ =	swait.ge @!p0 [sflag:s1], $0x3000  }
0x96: {  	[sflag:s1] =	ssyncset.done @!p0 $0x0  }
0x97: {  	[sflag:s1] =	ssyncadd.s32 @!p0 $0xFFFFD000  }
0x98: {  	_ =	swait.ge @!p0 [sflag:s1], $0x1400  }
0x99: {  	[sflag:s1] =	ssyncset.done @!p0 $0x0  }
0x9a: {  	s21 =	rddreg [dreg:$0x13];
	[sflag:s1] =	ssyncadd.s32 @!p0 $0xFFFFEC00;
	s1 =	simm.s32 @!p1 $0xBC80  }
0x9b: {  	[spmem:s21] =	stream.linear.scatter @!p1 [tilespmem:s1], [sflag:$0xA], $0x7D0, $0x38;
	[tilespmem:$0x1FF78] =	vst v63  }
0x9c: {  	s1 =	simm.s32 @!p1 $0xA  }
0x9d: {  	p3 =	por @!p0 $0x0, $0x0;
	p4 =	por @!p1 $0x1, $0x1;
	_ =	swait.ge @!p1 [sflag:s1], $0x7D0  }
0x9e: {  	p4 =	por @!p2 p3, p3;
	p3 =	por $0x0, $0x0;
	[sflag:s1] =	ssyncset.done @!p1 $0x0  }
0x9f: {  	p3 =	por @!p0 p4, p4;
	[sflag:s1] =	ssyncadd.s32 @!p1 $0xFFFFF830  }
0xa0: {  	s21 =	simm.s32 $0x0;
	s1 =	simm.s32 $0x0;
	[bflag:$0x0] =	sbarrier.arrive $0xFFFF  }
.LBB2_6:
0xa1: {  	s23 =	sshll.u32 s1, $0xC  }
0xa2: {  	s29 =	sor.u32 s23, s2  }
0xa3: {  	s29 =	sshrl.u32 s29, $0x3  }
0xa4: {  	s29 =	sadd.s32 s15, s29  }
0xa5: {  	[tilespmem:s21], [sflag:$0xA] =	stream.linear.gather [hbm4b:s29+s21], $0xC80, $0x38;
	[tilespmem:$0x1FF78] =	vst v63  }
0xa6: {  	s23 =	sadd.s32 s23, s3;
	_ =	swait.ge [sflag:s24], $0xC80  }
0xa7: {  	s23 =	sshrl.u32 s23, $0x3;
	[sflag:s24] =	ssyncset.done $0x0  }
0xa8: {  	s23 =	sadd.s32 s15, s23;
	[sflag:s24] =	ssyncadd.s32 $0xFFFFF380  }
0xa9: {  	[tilespmem:s25], [sflag:$0xA] =	stream.linear.gather [hbm4b:s23+s21], $0xC80, $0x38;
	[tilespmem:$0x1FF78] =	vst v63  }
0xaa: {  	_ =	swait.ge [sflag:s24], $0xC80  }
0xab: {  	[sflag:s24] =	ssyncset.done $0x0  }
0xac: {  	[sflag:s24] =	ssyncadd.s32 $0xFFFFF380  }
0xad: {  	[tilespmem:s28], [sflag:$0x1] =	stream.indirect.gather [hbm4b:s14+s26], $0x80, s21, s26, $0xb8;
	[tilespmem:$0x1FF78] =	vst v63  }
0xae: {  	s31 =	simm.s32 $0x80  }
0xaf: {  	[tilespmem:s30], [sflag:$0x2] =	stream.indirect.gather [hbm4b:s14+s26], $0x80, s31, s26, $0xb8;
	[tilespmem:$0x1FF78] =	vst v63  }
0xb0: {  	s31 =	simm.s32 $0x100  }
0xb1: {  	[tilespmem:s17], [sflag:$0x3] =	stream.indirect.gather [hbm4b:s14+s26], $0x80, s31, s26, $0xb8;
	[tilespmem:$0x1FF78] =	vst v63  }
0xb2: {  	_ =	swait.ge [sflag:s0], $0x3200  }
0xb3: {  	[sflag:s0] =	ssyncset.done $0x0  }
0xb4: {  	[sflag:s0] =	ssyncadd.s32 $0xFFFFCE00  }
0xb5: {  	[spmem:s16] =	stream.indirect.scatter.add.f32 [tilespmem:s28], [sflag:$0x4], $0x80, s25, s26, $0xb8;
	[tilespmem:$0x1FF78] =	vst v63  }
0xb6: {  	_ = 	snop  }
0xb7: {  	[spmem:s18] =	stream.indirect.scatter.add.f32 [tilespmem:s20], [sflag:$0x7], $0x1, s25, s26, $0xb8;
	[tilespmem:$0x1FF78] =	vst v63  }
0xb8: {  	_ =	swait.ge [sflag:s22], $0x3200  }
0xb9: {  	[sflag:s22] =	ssyncset.done $0x0  }
0xba: {  	[sflag:s22] =	ssyncadd.s32 $0xFFFFCE00  }
0xbb: {  	_ =	swait.ge [sflag:s4], $0x64  }
0xbc: {  	[sflag:s4] =	ssyncset.done $0x0  }
0xbd: {  	[sflag:s4] =	ssyncadd.s32 $0xFFFFFF9C  }
0xbe: {  	[tilespmem:s28], [sflag:$0x1] =	stream.indirect.gather [hbm4b:s14+s26], $0x80, s5, s26, $0xb8;
	[tilespmem:$0x1FF78] =	vst v63  }
0xbf: {  	_ =	swait.ge [sflag:s6], $0x3200  }
0xc0: {  	[sflag:s6] =	ssyncset.done $0x0  }
0xc1: {  	[sflag:s6] =	ssyncadd.s32 $0xFFFFCE00  }
0xc2: {  	[spmem:s16] =	stream.indirect.scatter.add.f32 [tilespmem:s30], [sflag:$0x5], $0x80, s7, s26, $0xb8;
	[tilespmem:$0x1FF78] =	vst v63  }
0xc3: {  	_ = 	snop  }
0xc4: {  	[spmem:s18] =	stream.indirect.scatter.add.f32 [tilespmem:s20], [sflag:$0x8], $0x1, s7, s26, $0xb8;
	[tilespmem:$0x1FF78] =	vst v63  }
0xc5: {  	_ =	swait.ge [sflag:s8], $0x3200  }
0xc6: {  	[sflag:s8] =	ssyncset.done $0x0  }
0xc7: {  	[sflag:s8] =	ssyncadd.s32 $0xFFFFCE00  }
0xc8: {  	_ =	swait.ge [sflag:s9], $0x64  }
0xc9: {  	[sflag:s9] =	ssyncset.done $0x0  }
0xca: {  	s31 =	simm.s32 $0x200;
	[sflag:s9] =	ssyncadd.s32 $0xFFFFFF9C  }
0xcb: {  	[tilespmem:s30], [sflag:$0x2] =	stream.indirect.gather [hbm4b:s14+s26], $0x80, s31, s26, $0xb8;
	[tilespmem:$0x1FF78] =	vst v63  }
0xcc: {  	_ =	swait.ge [sflag:s10], $0x3200  }
0xcd: {  	[sflag:s10] =	ssyncset.done $0x0  }
0xce: {  	s31 =	simm.s32 $0x1100;
	[sflag:s10] =	ssyncadd.s32 $0xFFFFCE00  }
0xcf: {  	[spmem:s16] =	stream.indirect.scatter.add.f32 [tilespmem:s17], [sflag:$0x6], $0x80, s31, s26, $0xb8;
	[tilespmem:$0x1FF78] =	vst v63  }
0xd0: {  	_ = 	snop  }
0xd1: {  	[spmem:s18] =	stream.indirect.scatter.add.f32 [tilespmem:s20], [sflag:$0x9], $0x1, s31, s26, $0xb8;
	[tilespmem:$0x1FF78] =	vst v63  }
0xd2: {  	_ =	swait.ge [sflag:s11], $0x3200  }
0xd3: {  	[sflag:s11] =	ssyncset.done $0x0  }
0xd4: {  	[sflag:s11] =	ssyncadd.s32 $0xFFFFCE00  }
0xd5: {  	_ =	swait.ge [sflag:s12], $0x64  }
0xd6: {  	[sflag:s12] =	ssyncset.done $0x0  }
0xd7: {  	s31 =	simm.s32 $0x280;
	[sflag:s12] =	ssyncadd.s32 $0xFFFFFF9C  }
0xd8: {  	[tilespmem:s17], [sflag:$0x3] =	stream.indirect.gather [hbm4b:s14+s26], $0x80, s31, s26, $0xb8;
	[tilespmem:$0x1FF78] =	vst v63  }
0xd9: {  	_ =	swait.ge [sflag:s0], $0x3200  }
0xda: {  	[sflag:s0] =	ssyncset.done $0x0  }
0xdb: {  	s31 =	simm.s32 $0x1180;
	[sflag:s0] =	ssyncadd.s32 $0xFFFFCE00  }
0xdc: {  	[spmem:s16] =	stream.indirect.scatter.add.f32 [tilespmem:s28], [sflag:$0x4], $0x80, s31, s26, $0xb8;
	[tilespmem:$0x1FF78] =	vst v63  }
0xdd: {  	_ = 	snop  }
0xde: {  	[spmem:s18] =	stream.indirect.scatter.add.f32 [tilespmem:s20], [sflag:$0x7], $0x1, s31, s26, $0xb8;
	[tilespmem:$0x1FF78] =	vst v63  }
0xdf: {  	_ =	swait.ge [sflag:s22], $0x3200  }
0xe0: {  	[sflag:s22] =	ssyncset.done $0x0  }
0xe1: {  	[sflag:s22] =	ssyncadd.s32 $0xFFFFCE00  }
0xe2: {  	_ =	swait.ge [sflag:s4], $0x64  }
0xe3: {  	[sflag:s4] =	ssyncset.done $0x0  }
0xe4: {  	s31 =	simm.s32 $0x300;
	[sflag:s4] =	ssyncadd.s32 $0xFFFFFF9C  }
0xe5: {  	[tilespmem:s28], [sflag:$0x1] =	stream.indirect.gather [hbm4b:s14+s26], $0x80, s31, s26, $0xb8;
	[tilespmem:$0x1FF78] =	vst v63  }
0xe6: {  	_ =	swait.ge [sflag:s6], $0x3200  }
0xe7: {  	[sflag:s6] =	ssyncset.done $0x0  }
0xe8: {  	s29 =	simm.s32 $0x1200;
	s23 =	simm.s32 $0x600;
	[sflag:s6] =	ssyncadd.s32 $0xFFFFCE00  }
0xe9: {  	[spmem:s16] =	stream.indirect.scatter.add.f32 [tilespmem:s30], [sflag:$0x5], $0x80, s29, s26, $0xb8;
	[tilespmem:$0x1FF78] =	vst v63  }
.LBB2_7:
0xea: {  	[spmem:s18] =	stream.indirect.scatter.add.f32 [tilespmem:s20], [sflag:$0x8], $0x1, s29, s26, $0xb8;
	[tilespmem:$0x1FF78] =	vst v63  }
0xeb: {  	s29 =	smov.u32 s23  }
0xec: {  	p4 =	sne.s32 s23, $0x2400;
	s23 =	sadd.s32 $0x600, s23;
	_ =	swait.ge [sflag:s8], $0x3200  }
0xed: {  	[sflag:s8] =	ssyncset.done $0x0  }
0xee: {  	[sflag:s8] =	ssyncadd.s32 $0xFFFFCE00  }
0xef: {  	_ =	swait.ge [sflag:s9], $0x64  }
0xf0: {  	s29 =	sshra.s32 s29, $0x2;
	[sflag:s9] =	ssyncset.done $0x0  }
0xf1: {  	s31 =	sadd.s32 $0x200, s29;
	[sflag:s9] =	ssyncadd.s32 $0xFFFFFF9C  }
0xf2: {  	[tilespmem:s30], [sflag:$0x2] =	stream.indirect.gather [hbm4b:s14+s26], $0x80, s31, s26, $0xb8;
	[tilespmem:$0x1FF78] =	vst v63  }
0xf3: {  	_ =	swait.ge [sflag:s10], $0x3200  }
0xf4: {  	[sflag:s10] =	ssyncset.done $0x0  }
0xf5: {  	s31 =	sadd.s32 $0x1100, s29;
	[sflag:s10] =	ssyncadd.s32 $0xFFFFCE00  }
0xf6: {  	[spmem:s16] =	stream.indirect.scatter.add.f32 [tilespmem:s17], [sflag:$0x6], $0x80, s31, s26, $0xb8;
	[tilespmem:$0x1FF78] =	vst v63  }
0xf7: {  	_ = 	snop  }
0xf8: {  	[spmem:s18] =	stream.indirect.scatter.add.f32 [tilespmem:s20], [sflag:$0x9], $0x1, s31, s26, $0xb8;
	[tilespmem:$0x1FF78] =	vst v63  }
0xf9: {  	_ =	swait.ge [sflag:s11], $0x3200  }
0xfa: {  	[sflag:s11] =	ssyncset.done $0x0  }
0xfb: {  	[sflag:s11] =	ssyncadd.s32 $0xFFFFCE00  }
0xfc: {  	_ =	swait.ge [sflag:s12], $0x64  }
0xfd: {  	[sflag:s12] =	ssyncset.done $0x0  }
0xfe: {  	s31 =	sadd.s32 $0x280, s29;
	[sflag:s12] =	ssyncadd.s32 $0xFFFFFF9C  }
0xff: {  	[tilespmem:s17], [sflag:$0x3] =	stream.indirect.gather [hbm4b:s14+s26], $0x80, s31, s26, $0xb8;
	[tilespmem:$0x1FF78] =	vst v63  }
0x100: {  	_ =	swait.ge [sflag:s0], $0x3200  }
0x101: {  	[sflag:s0] =	ssyncset.done $0x0  }
0x102: {  	s31 =	sadd.s32 $0x1180, s29;
	[sflag:s0] =	ssyncadd.s32 $0xFFFFCE00  }
0x103: {  	[spmem:s16] =	stream.indirect.scatter.add.f32 [tilespmem:s28], [sflag:$0x4], $0x80, s31, s26, $0xb8;
	[tilespmem:$0x1FF78] =	vst v63  }
0x104: {  	_ = 	snop  }
0x105: {  	[spmem:s18] =	stream.indirect.scatter.add.f32 [tilespmem:s20], [sflag:$0x7], $0x1, s31, s26, $0xb8;
	[tilespmem:$0x1FF78] =	vst v63  }
0x106: {  	_ =	swait.ge [sflag:s22], $0x3200  }
0x107: {  	[sflag:s22] =	ssyncset.done $0x0  }
0x108: {  	[sflag:s22] =	ssyncadd.s32 $0xFFFFCE00  }
0x109: {  	_ =	swait.ge [sflag:s4], $0x64  }
0x10a: {  	[sflag:s4] =	ssyncset.done $0x0  }
0x10b: {  	s31 =	sadd.s32 $0x300, s29;
	[sflag:s4] =	ssyncadd.s32 $0xFFFFFF9C  }
0x10c: {  	[tilespmem:s28], [sflag:$0x1] =	stream.indirect.gather [hbm4b:s14+s26], $0x80, s31, s26, $0xb8;
	[tilespmem:$0x1FF78] =	vst v63  }
.Ltmp4:
0x10d: {  	_ = 	snop;
	(pc) =	sbr.rel @p4 .LBB2_7-.Ltmp4, $4  }
0x10e: {  	_ =	swait.ge [sflag:s6], $0x3200  }
0x10f: {  	[sflag:s6] =	ssyncset.done $0x0  }
0x110: {  	s29 =	sadd.s32 $0x1200, s29;
	[sflag:s6] =	ssyncadd.s32 $0xFFFFCE00  }
0x111: {  	[spmem:s16] =	stream.indirect.scatter.add.f32 [tilespmem:s30], [sflag:$0x5], $0x80, s29, s26, $0xb8;
	[tilespmem:$0x1FF78] =	vst v63  }
0x112: {  	[spmem:s18] =	stream.indirect.scatter.add.f32 [tilespmem:s20], [sflag:$0x8], $0x1, s29, s26, $0xb8;
	[tilespmem:$0x1FF78] =	vst v63  }
0x113: {  	_ =	swait.ge [sflag:s10], $0x3200  }
0x114: {  	[sflag:s10] =	ssyncset.done $0x0  }
0x115: {  	[sflag:s10] =	ssyncadd.s32 $0xFFFFCE00  }
0x116: {  	[spmem:s16] =	stream.indirect.scatter.add.f32 [tilespmem:s17], [sflag:$0x6], $0x80, s13, s26, $0xb8;
	[tilespmem:$0x1FF78] =	vst v63  }
0x117: {  	_ = 	snop  }
0x118: {  	[spmem:s18] =	stream.indirect.scatter.add.f32 [tilespmem:s20], [sflag:$0x9], $0x1, s13, s26, $0xb8;
	[tilespmem:$0x1FF78] =	vst v63  }
0x119: {  	_ =	swait.ge [sflag:s0], $0x3200  }
0x11a: {  	[sflag:s0] =	ssyncset.done $0x0  }
0x11b: {  	[sflag:s0] =	ssyncadd.s32 $0xFFFFCE00  }
0x11c: {  	[spmem:s16] =	stream.indirect.scatter.add.f32 [tilespmem:s28], [sflag:$0x4], $0x80, s19, s26, $0xb8;
	[tilespmem:$0x1FF78] =	vst v63  }
0x11d: {  	_ = 	snop  }
0x11e: {  	[spmem:s18] =	stream.indirect.scatter.add.f32 [tilespmem:s20], [sflag:$0x7], $0x1, s19, s26, $0xb8;
	[tilespmem:$0x1FF78] =	vst v63  }
0x11f: {  	_ =	swait.ge [sflag:s8], $0x3200  }
0x120: {  	[sflag:s8] =	ssyncset.done $0x0  }
0x121: {  	[sflag:s8] =	ssyncadd.s32 $0xFFFFCE00  }
0x122: {  	_ =	swait.ge [sflag:s9], $0x64  }
0x123: {  	[sflag:s9] =	ssyncset.done $0x0  }
0x124: {  	[sflag:s9] =	ssyncadd.s32 $0xFFFFFF9C  }
0x125: {  	_ =	swait.ge [sflag:s11], $0x3200  }
0x126: {  	[sflag:s11] =	ssyncset.done $0x0  }
0x127: {  	[sflag:s11] =	ssyncadd.s32 $0xFFFFCE00  }
0x128: {  	_ =	swait.ge [sflag:s12], $0x64  }
0x129: {  	[sflag:s12] =	ssyncset.done $0x0  }
0x12a: {  	s1 =	sadd.s32 $0x1, s1;
	[sflag:s12] =	ssyncadd.s32 $0xFFFFFF9C  }
0x12b: {  	p4 =	sne.s32 s1, $0x8;
	_ =	swait.ge [sflag:s22], $0x3200  }
.Ltmp5:
0x12c: {  	[sflag:s22] =	ssyncset.done $0x0;
	(pc) =	sbr.rel @p4 .LBB2_6-.Ltmp5, $4  }
0x12d: {  	[sflag:s22] =	ssyncadd.s32 $0xFFFFCE00  }
0x12e: {  	_ =	swait.ge [sflag:s4], $0x64  }
0x12f: {  	[sflag:s4] =	ssyncset.done $0x0  }
0x130: {  	[sflag:s4] =	ssyncadd.s32 $0xFFFFFF9C  }
.Ltmp6:
0x131: {  	(pc) =	sbr.rel @p0 .LBB2_11-.Ltmp6, $3  }
0x132: {  	_ =	sdelay $0x1  }
0x133: {  	[bflag:$0x0] =	sbarrier.arrive $0xFFFF  }
0x134: {  	s31 =	sld [smem:$0x7F3]  }
0x135: {  	s1 =	rddreg [dreg:$0x12]  }
0x136: {  	[tilespmem:s28], [sflag:$0xA] =	stream.linear.gather [spmem:s1], $0x3000, $0x38;
	[tilespmem:$0x1FF78] =	vst v63  }
0x137: {  	_ =	swait.ge [sflag:s24], $0x3000  }
0x138: {  	[sflag:s24] =	ssyncset.done $0x0  }
0x139: {  	s1 =	simm.s32 $0x0;
	s21 =	rddreg [dreg:$0x6];
	[sflag:s24] =	ssyncadd.s32 $0xFFFFD000  }
0x13a: {  	[hbm4b:s21+s1] =	stream.linear.scatter [tilespmem:s28], [sflag:$0x4], $0x3000, $0x38;
	[tilespmem:$0x1FF78] =	vst v63  }
0x13b: {  	s23 =	rddreg [dreg:$0x14]  }
0x13c: {  	[tilespmem:s30], [sflag:$0xA] =	stream.linear.gather [spmem:s23], $0x3000, $0x38;
	[tilespmem:$0x1FF78] =	vst v63  }
0x13d: {  	_ =	swait.ge [sflag:s24], $0x3000  }
0x13e: {  	[sflag:s24] =	ssyncset.done $0x0  }
0x13f: {  	s29 =	rddreg [dreg:$0x7];
	[sflag:s24] =	ssyncadd.s32 $0xFFFFD000  }
0x140: {  	[hbm4b:s29+s1] =	stream.linear.scatter [tilespmem:s30], [sflag:$0x5], $0x3000, $0x38;
	[tilespmem:$0x1FF78] =	vst v63  }
0x141: {  	_ =	swait.ge [sflag:s22], $0x3000  }
0x142: {  	[sflag:s22] =	ssyncset.done $0x0  }
0x143: {  	s23 =	rddreg [dreg:$0x15];
	[sflag:s22] =	ssyncadd.s32 $0xFFFFD000  }
0x144: {  	[tilespmem:s28], [sflag:$0xA] =	stream.linear.gather [spmem:s23], $0x3000, $0x38;
	[tilespmem:$0x1FF78] =	vst v63  }
0x145: {  	_ =	swait.ge [sflag:s24], $0x3000  }
0x146: {  	[sflag:s24] =	ssyncset.done $0x0  }
0x147: {  	s29 =	rddreg [dreg:$0x8];
	[sflag:s24] =	ssyncadd.s32 $0xFFFFD000  }
0x148: {  	[hbm4b:s29+s1] =	stream.linear.scatter [tilespmem:s28], [sflag:$0x4], $0x3000, $0x38;
	[tilespmem:$0x1FF78] =	vst v63  }
0x149: {  	_ =	swait.ge [sflag:s8], $0x3000  }
0x14a: {  	[sflag:s8] =	ssyncset.done $0x0  }
0x14b: {  	s23 =	rddreg [dreg:$0x16];
	[sflag:s8] =	ssyncadd.s32 $0xFFFFD000  }
0x14c: {  	[tilespmem:s30], [sflag:$0xA] =	stream.linear.gather [spmem:s23], $0x3000, $0x38;
	[tilespmem:$0x1FF78] =	vst v63  }
0x14d: {  	_ =	swait.ge [sflag:s24], $0x3000  }
0x14e: {  	[sflag:s24] =	ssyncset.done $0x0  }
0x14f: {  	s29 =	rddreg [dreg:$0x9];
	[sflag:s24] =	ssyncadd.s32 $0xFFFFD000  }
0x150: {  	[hbm4b:s29+s1] =	stream.linear.scatter [tilespmem:s30], [sflag:$0x5], $0x3000, $0x38;
	[tilespmem:$0x1FF78] =	vst v63  }
0x151: {  	_ =	swait.ge [sflag:s22], $0x3000  }
0x152: {  	[sflag:s22] =	ssyncset.done $0x0  }
0x153: {  	s23 =	rddreg [dreg:$0x17];
	[sflag:s22] =	ssyncadd.s32 $0xFFFFD000  }
0x154: {  	[tilespmem:s28], [sflag:$0xA] =	stream.linear.gather [spmem:s23], $0x3000, $0x38;
	[tilespmem:$0x1FF78] =	vst v63  }
0x155: {  	_ =	swait.ge [sflag:s24], $0x3000  }
0x156: {  	[sflag:s24] =	ssyncset.done $0x0  }
0x157: {  	s29 =	rddreg [dreg:$0xa];
	[sflag:s24] =	ssyncadd.s32 $0xFFFFD000  }
0x158: {  	[hbm4b:s29+s1] =	stream.linear.scatter [tilespmem:s28], [sflag:$0x4], $0x3000, $0x38;
	[tilespmem:$0x1FF78] =	vst v63  }
0x159: {  	_ =	swait.ge [sflag:s8], $0x3000  }
0x15a: {  	[sflag:s8] =	ssyncset.done $0x0  }
0x15b: {  	s23 =	rddreg [dreg:$0x18];
	[sflag:s8] =	ssyncadd.s32 $0xFFFFD000  }
0x15c: {  	[tilespmem:s30], [sflag:$0xA] =	stream.linear.gather [spmem:s23], $0x3000, $0x38;
	[tilespmem:$0x1FF78] =	vst v63  }
0x15d: {  	_ =	swait.ge [sflag:s24], $0x3000  }
0x15e: {  	[sflag:s24] =	ssyncset.done $0x0  }
0x15f: {  	s29 =	rddreg [dreg:$0xb];
	[sflag:s24] =	ssyncadd.s32 $0xFFFFD000  }
0x160: {  	[hbm4b:s29+s1] =	stream.linear.scatter [tilespmem:s30], [sflag:$0x5], $0x3000, $0x38;
	[tilespmem:$0x1FF78] =	vst v63  }
0x161: {  	_ =	swait.ge [sflag:s22], $0x3000  }
0x162: {  	[sflag:s22] =	ssyncset.done $0x0  }
0x163: {  	s23 =	rddreg [dreg:$0x19];
	[sflag:s22] =	ssyncadd.s32 $0xFFFFD000  }
0x164: {  	[tilespmem:s28], [sflag:$0xA] =	stream.linear.gather [spmem:s23], $0x3000, $0x38;
	[tilespmem:$0x1FF78] =	vst v63  }
0x165: {  	_ =	swait.ge [sflag:s24], $0x3000  }
0x166: {  	[sflag:s24] =	ssyncset.done $0x0  }
0x167: {  	s29 =	rddreg [dreg:$0xc];
	[sflag:s24] =	ssyncadd.s32 $0xFFFFD000  }
0x168: {  	[hbm4b:s29+s1] =	stream.linear.scatter [tilespmem:s28], [sflag:$0x4], $0x3000, $0x38;
	[tilespmem:$0x1FF78] =	vst v63  }
0x169: {  	_ =	swait.ge [sflag:s8], $0x3000  }
0x16a: {  	[sflag:s8] =	ssyncset.done $0x0  }
0x16b: {  	s23 =	rddreg [dreg:$0x1a];
	[sflag:s8] =	ssyncadd.s32 $0xFFFFD000  }
0x16c: {  	[tilespmem:s30], [sflag:$0xA] =	stream.linear.gather [spmem:s23], $0x3000, $0x38;
	[tilespmem:$0x1FF78] =	vst v63  }
0x16d: {  	_ =	swait.ge [sflag:s24], $0x3000  }
0x16e: {  	[sflag:s24] =	ssyncset.done $0x0  }
0x16f: {  	s29 =	rddreg [dreg:$0xd];
	[sflag:s24] =	ssyncadd.s32 $0xFFFFD000  }
0x170: {  	[hbm4b:s29+s1] =	stream.linear.scatter [tilespmem:s30], [sflag:$0x5], $0x3000, $0x38;
	[tilespmem:$0x1FF78] =	vst v63  }
0x171: {  	_ =	swait.ge [sflag:s22], $0x3000  }
0x172: {  	[sflag:s22] =	ssyncset.done $0x0  }
0x173: {  	s23 =	rddreg [dreg:$0x1b];
	[sflag:s22] =	ssyncadd.s32 $0xFFFFD000  }
0x174: {  	[tilespmem:s28], [sflag:$0xA] =	stream.linear.gather [spmem:s23], $0x3000, $0x38;
	[tilespmem:$0x1FF78] =	vst v63  }
0x175: {  	_ =	swait.ge [sflag:s24], $0x3000  }
0x176: {  	[sflag:s24] =	ssyncset.done $0x0  }
0x177: {  	s29 =	rddreg [dreg:$0xe];
	[sflag:s24] =	ssyncadd.s32 $0xFFFFD000  }
0x178: {  	[hbm4b:s29+s1] =	stream.linear.scatter [tilespmem:s28], [sflag:$0x4], $0x3000, $0x38;
	[tilespmem:$0x1FF78] =	vst v63  }
0x179: {  	_ =	swait.ge [sflag:s8], $0x3000  }
0x17a: {  	[sflag:s8] =	ssyncset.done $0x0  }
0x17b: {  	s23 =	rddreg [dreg:$0x1c];
	[sflag:s8] =	ssyncadd.s32 $0xFFFFD000  }
0x17c: {  	[tilespmem:s30], [sflag:$0xA] =	stream.linear.gather [spmem:s23], $0x3000, $0x38;
	[tilespmem:$0x1FF78] =	vst v63  }
0x17d: {  	_ =	swait.ge [sflag:s24], $0x3000  }
0x17e: {  	[sflag:s24] =	ssyncset.done $0x0  }
0x17f: {  	s29 =	rddreg [dreg:$0xf];
	[sflag:s24] =	ssyncadd.s32 $0xFFFFD000  }
0x180: {  	[hbm4b:s29+s1] =	stream.linear.scatter [tilespmem:s30], [sflag:$0x5], $0x3000, $0x38;
	[tilespmem:$0x1FF78] =	vst v63  }
0x181: {  	s23 =	rddreg [dreg:$0x1d]  }
0x182: {  	[tilespmem:s17], [sflag:$0xA] =	stream.linear.gather [spmem:s23], $0x1400, $0x38;
	[tilespmem:$0x1FF78] =	vst v63  }
0x183: {  	_ =	swait.ge [sflag:s24], $0x1400  }
0x184: {  	[sflag:s24] =	ssyncset.done $0x0  }
0x185: {  	s29 =	rddreg [dreg:$0x10];
	[sflag:s24] =	ssyncadd.s32 $0xFFFFEC00  }
0x186: {  	[hbm4b:s29+s1] =	stream.linear.scatter [tilespmem:s17], [sflag:$0x6], $0x1400, $0x38;
	[tilespmem:$0x1FF78] =	vst v63  }
0x187: {  	_ =	swait.ge [sflag:s22], $0x3000  }
0x188: {  	[sflag:s22] =	ssyncset.done $0x0  }
0x189: {  	[sflag:s22] =	ssyncadd.s32 $0xFFFFD000  }
0x18a: {  	_ =	swait.ge [sflag:s8], $0x3000  }
.Ltmp7:
0x18b: {  	[sflag:s8] =	ssyncset.done $0x0;
	(pc) =	sbr.rel .LBB2_11-.Ltmp7, $4  }
0x18c: {  	[sflag:s8] =	ssyncadd.s32 $0xFFFFD000  }
0x18d: {  	_ =	swait.ge [sflag:s11], $0x1400  }
0x18e: {  	[sflag:s11] =	ssyncset.done $0x0  }
0x18f: {  	[sflag:s11] =	ssyncadd.s32 $0xFFFFEC00  }
.LBB2_12:
0x190: {  	_ =	sfence.sel $0x180000  }
0x191: {  	[bflag:$0x0] =	sbarrier.arrive $0xFFFF  }
0x192: {  	_ =	strace $0x90000047  }
0x193: {  	s0 =	stileid.u32;
	[bflag:$0x2] =	sbarrier.arrive $0xFFFF  }
0x194: {  	p0 =	sne.s32 s0, $0x0;
	s0 =	rddreg [dreg:$0x5]  }
0x195: {  	s0 =	sadd.s32 @!p0 $0x100000, s0  }
0x196: {  	[sflag:s0] =	ssyncadd.tile.s32 @!p0 $0x1;
	_ =	shalt  }
.Lfunc_end2:
_tile_overlayer_lowered:
.L_overlay_start_2:
0x197: {  	(tag) =	ssettag $0x2  }
0x198: {  	s0 =	rddreg [dreg:$0x0];
	s2 =	stileid.u32  }
0x199: {  	s1 =	rddreg [dreg:$0x1];
	p0 =	sne.s32 s2, $0x0  }
0x19a: {  	s3 =	rddreg [dreg:$0x2];
	[bflag:$0x3] =	sbarrier.arrive $0xFFFF;
	s2 =	simm.s32 @!p0 $0x1C0A  }
0x19b: {  	[timem:s3], [sflag:s2] =	dma.local @!p0 [hbm:s0], s1  }
0x19c: {  	s0 =	simm.s32 @!p0 $0xA  }
0x19d: {  	_ =	swait.ge @!p0 [sflag:s0], s1  }
0x19e: {  	s1 =	ssub.s32 @!p0 $0x0, s1;
	[sflag:s0] =	ssyncset.done @!p0 $0x0  }
0x19f: {  	[sflag:s0] =	ssyncadd.s32 @!p0 s1  }
0x1a0: {  	[bflag:$0x3] =	sbarrier.arrive $0xFFFF  }
0x1a1: {  	_ =	shalt  }

</sc_bundles>
